<compile_context>
chip_gen: v7x
topology: tpu7x:2x2x1
jax: 0.10.2.dev20260603
libtpu: 0.0.44.dev20260713+nightly
codegen_flags: <defaults>
</compile_context>

<pallas_src>
import functools

import jax
import jax.numpy as jnp
from jax import lax
from jax.experimental import pallas as pl
from jax.experimental.pallas import tpu as pltpu
from jax.experimental.pallas import tpu_sc as plsc

N = 10000
E = 320000
F_IN = 128
H = 64
C = 16
D = 5
G = 128
NPAIR = N // 2

NC = 2
NS = 16
NW = NC * NS
CH = 125
EPW = E // NW
NCHUNK = EPW // CH
NBUF = 5
NP = 10240
RPT = NP // NS

_f32 = jnp.float32
_i32 = jnp.int32



def _blockdiag(w):
    a, b = w.shape
    z = jnp.zeros((a, b), _f32)
    return jnp.concatenate([jnp.concatenate([w, z], 1),
                            jnp.concatenate([z, w], 1)], 0)


def _bn_pair(hp):
    s1 = jnp.mean(hp, axis=0, keepdims=True)
    s2 = jnp.mean(hp * hp, axis=0, keepdims=True)
    half = s1.shape[1] // 2
    m = 0.5 * (s1[:, :half] + s1[:, half:])
    e2 = 0.5 * (s2[:, :half] + s2[:, half:])
    v = e2 - m * m
    m2 = jnp.concatenate([m, m], 1)
    v2 = jnp.concatenate([v, v], 1)
    return (hp - m2) / jnp.sqrt(v2 + 1e-5)


def _write_table(tab_ref, hop_row, hp):
    e = jnp.exp(hop_row - jnp.max(hop_row))
    coef = e / jnp.sum(e)
    for d in range(D):
        tab_ref[pl.ds(d * NPAIR, NPAIR), :] = coef[0, d] * hp


def _write_logits(lp_ref, hp, wlb, blb):
    lp_ref[pl.ds(0, NPAIR), :] = hp @ wlb + blb
    lp_ref[pl.ds(NPAIR, (NP - N) // 2), :] = jnp.zeros(
        ((NP - N) // 2, 2 * C), _f32)


def _head_body(xp_ref, w0_ref, b0_ref, w1_ref, b1_ref, wl_ref, bl_ref,
               hop_ref, src_ref, ew_ref, bp_ref,
               hp_ref, lp_ref, tab_ref, gidx_ref, idxp_ref):
    w0b = _blockdiag(w0_ref[...])
    w1b = _blockdiag(w1_ref[...])
    b0b = jnp.concatenate([b0_ref[...], b0_ref[...]], 1)
    b1b = jnp.concatenate([b1_ref[...], b1_ref[...]], 1)
    hp = jax.nn.relu(_bn_pair(xp_ref[...] @ w0b + b0b))
    hp = jax.nn.relu(_bn_pair(hp @ w1b + b1b))
    hp_ref[...] = hp
    _write_logits(lp_ref, hp, _blockdiag(wl_ref[...]),
                  jnp.concatenate([bl_ref[...], bl_ref[...]], 1))
    _write_table(tab_ref, hop_ref[...], hp)
    gidx_ref[...] = src_ref[...] + N * ew_ref[...]
    ci = lax.broadcasted_iota(_i32, (1, C), 1)
    bp = bp_ref[...]
    idxp_ref[...] = jnp.concatenate(
        [bp[:, 0:1] * C + ci, bp[:, 1:2] * C + ci], 1)


def _layer_body(with_table, hp_ref, p0_ref, p1_ref, wa_ref, ba_ref, wb_ref,
                bb_ref, wl_ref, bl_ref, hop_ref, *refs):
    if with_table:
        hp2_ref, lp_ref, tab_ref = refs
    else:
        hp2_ref, lp_ref = refs
    wab = _blockdiag(wa_ref[...])
    wbb = _blockdiag(wb_ref[...])
    bab = jnp.concatenate([ba_ref[...], ba_ref[...]], 1)
    bbb = jnp.concatenate([bb_ref[...], bb_ref[...]], 1)
    zp = hp_ref[...] + p0_ref[pl.ds(0, NPAIR), :] + p1_ref[pl.ds(0, NPAIR), :]
    zp = jax.nn.relu(_bn_pair(zp @ wab + bab))
    hp = jax.nn.relu(_bn_pair(zp @ wbb + bbb))
    hp2_ref[...] = hp
    _write_logits(lp_ref, hp, _blockdiag(wl_ref[...]),
                  jnp.concatenate([bl_ref[...], bl_ref[...]], 1))
    if with_table:
        _write_table(tab_ref, hop_ref[...], hp)


def _combine_body(r1_ref, r2_ref, r3_ref, out_ref):
    out_ref[...] = (jnp.max(r1_ref[...], axis=0) + jnp.max(r2_ref[...], axis=0)
                    + jnp.max(r3_ref[...], axis=0))


RPW = NP // NW
GP = G + 8


def _sc_readout(lg_hbm, idx_hbm, ro_hbm, wid, lg_v, im_v, lo_v):
    pltpu.sync_copy(lg_hbm.at[pl.ds(wid * RPW, RPW)], lg_v)
    pltpu.sync_copy(idx_hbm.at[pl.ds(wid * RPW, RPW)], im_v)
    neg = jnp.full((16,), -jnp.inf, _f32)

    def ibody(r, carry):
        lo_v[pl.ds(r * 16, 16)] = neg
        return carry

    lax.fori_loop(0, GP * C // 16, ibody, 0)

    def rbody(r, carry):
        iv = im_v[r, pl.ds(0, C)]
        cur = plsc.load_gather(lo_v, [iv])
        mx = jnp.maximum(cur, lg_v[r, pl.ds(0, C)])
        plsc.store_scatter(lo_v, [iv], mx)
        return carry

    lax.fori_loop(0, RPW, rbody, 0)
    pltpu.sync_copy(lo_v.at[pl.ds(0, G * C)], ro_hbm.at[wid])


def _sc_ro_only(lg, idxm):
    mesh = plsc.VectorSubcoreMesh(core_axis_name="c", subcore_axis_name="s")

    @functools.partial(
        pl.kernel,
        mesh=mesh,
        out_type=jax.ShapeDtypeStruct((NW, G * C), _f32),
        compiler_params=pltpu.CompilerParams(use_tc_tiling_on_sc=False,
                                            needs_layout_passes=False),
        scratch_types=[
            pltpu.VMEM((RPW, C), _f32),
            pltpu.VMEM((RPW, C), _i32),
            pltpu.VMEM((GP * C,), _f32),
        ],
    )
    def k(lg_hbm, idx_hbm, ro_hbm, lg_v, im_v, lo_v):
        cid = lax.axis_index("c")
        sid = lax.axis_index("s")
        wid = sid * NC + cid
        _sc_readout(lg_hbm, idx_hbm, ro_hbm, wid, lg_v, im_v, lo_v)

    return k(lg, idxm)


def _head_call(xp, Wm0, bm0, Wm1, bm1, Wl0, bl0, hop, src2, ew2, bp2):
    return pl.pallas_call(
        _head_body,
        out_shape=[
            jax.ShapeDtypeStruct((NPAIR, 2 * H), _f32),
            jax.ShapeDtypeStruct((NP // 2, 2 * C), _f32),
            jax.ShapeDtypeStruct((D * NPAIR, 2 * H), _f32),
            jax.ShapeDtypeStruct((E // 128, 128), _i32),
            jax.ShapeDtypeStruct((NP // 2, 2 * C), _i32),
        ],
    )(xp, Wm0, bm0.reshape(1, H), Wm1, bm1.reshape(1, H), Wl0,
      bl0.reshape(1, C), hop.reshape(1, D), src2, ew2, bp2)


def _layer_call(with_table, hp, pp0, pp1, Wa, ba, Wb, bb, Wl, bl, hop):
    out_shape = [
        jax.ShapeDtypeStruct((NPAIR, 2 * H), _f32),
        jax.ShapeDtypeStruct((NP // 2, 2 * C), _f32),
    ]
    if with_table:
        out_shape.append(jax.ShapeDtypeStruct((D * NPAIR, 2 * H), _f32))
    return pl.pallas_call(
        functools.partial(_layer_body, with_table),
        out_shape=out_shape,
    )(hp, pp0, pp1, Wa, ba.reshape(1, H), Wb, bb.reshape(1, H), Wl,
      bl.reshape(1, C), hop.reshape(1, D))


def _combine_call(r1, r2, r3):
    return pl.pallas_call(
        _combine_body,
        out_shape=jax.ShapeDtypeStruct((G, C), _f32),
    )(r1.reshape(NW, G, C), r2.reshape(NW, G, C), r3.reshape(NW, G, C))



def _sc_edge_agg(tab, gidx3, dst3, lg, idxm):
    mesh = plsc.VectorSubcoreMesh(core_axis_name="c", subcore_axis_name="s")

    @functools.partial(
        pl.kernel,
        mesh=mesh,
        out_type=[jax.ShapeDtypeStruct((NC, NP, H), _f32),
                  jax.ShapeDtypeStruct((NW, G * C), _f32)],
        compiler_params=pltpu.CompilerParams(use_tc_tiling_on_sc=False,
                                            needs_layout_passes=False),
        scratch_types=[
            pltpu.VMEM((NCHUNK, CH), _i32),
            pltpu.VMEM((NCHUNK, CH), _i32),
            [pltpu.VMEM((CH, H), _f32) for _ in range(NBUF)],
            pltpu.VMEM((RPT // 10, H), _f32),
            pltpu.VMEM((RPW, C), _f32),
            pltpu.VMEM((RPW, C), _i32),
            pltpu.VMEM((GP * C,), _f32),
            pltpu.VMEM_SHARED((NP, H), _f32),
            [pltpu.SemaphoreType.DMA for _ in range(NBUF)],
            [pltpu.SemaphoreType.DMA for _ in range(NBUF)],
        ],
    )
    def k(tab_hbm, gidx_hbm, dst_hbm, lg_hbm, idxm_hbm, out_hbm, ro_hbm,
          idx_v, dst_v, rows, zero_v, lg_v, im_v, lo_v, acc_sh, gsems,
          ssems):
        cid = lax.axis_index("c")
        sid = lax.axis_index("s")
        wid = sid * NC + cid

        pltpu.sync_copy(gidx_hbm.at[wid], idx_v)
        pltpu.sync_copy(dst_hbm.at[wid], dst_v)

        _sc_readout(lg_hbm, idxm_hbm, ro_hbm, wid, lg_v, im_v, lo_v)

        def zbody(r, carry):
            for c4 in range(H // 16):
                zero_v[r, pl.ds(c4 * 16, 16)] = jnp.zeros((16,), _f32)
            return carry

        lax.fori_loop(0, RPT // 10, zbody, 0)
        for q in range(10):
            pltpu.sync_copy(
                zero_v,
                acc_sh.at[pl.ds(sid * RPT + q * (RPT // 10), RPT // 10)])
        plsc.subcore_barrier()

        def body(t, carry):
            j = t * NBUF
            gcps = []
            for b in range(NBUF):
                gcps.append(pltpu.async_copy(
                    tab_hbm.at[idx_v.at[j + b]], rows[b], gsems[b]))
            scps = []
            for b in range(NBUF):
                gcps[b].wait()
                scps.append(pltpu.async_copy(
                    rows[b], acc_sh.at[dst_v.at[j + b]], ssems[b], add=True))
            for b in range(NBUF):
                scps[b].wait()
            return carry

        lax.fori_loop(0, NCHUNK // NBUF, body, 0)
        plsc.subcore_barrier()
        pltpu.sync_copy(acc_sh.at[pl.ds(sid * RPT, RPT)],
                        out_hbm.at[cid, pl.ds(sid * RPT, RPT)])

    return k(tab, gidx3, dst3, lg, idxm)


def kernel(x, edge_index, edge_weights, batch, Wm0, bm0, Wm1, bm1, Wl0, bl0,
           hop1, Wa1, ba1, Wb1, bb1, Wl1, bl1,
           hop2, Wa2, ba2, Wb2, bb2, Wl2, bl2):
    xp = x.reshape(NPAIR, 2 * F_IN)
    batch_pad = jnp.concatenate(
        [batch.astype(_i32), jnp.full((NP - N,), G, _i32)])
    src2 = edge_index[0].astype(_i32).reshape(E // 128, 128)
    ew2 = edge_weights.astype(_i32).reshape(E // 128, 128)
    dst3 = edge_index[1].astype(_i32).reshape(NW, NCHUNK, CH)

    bp2 = batch_pad.reshape(NP // 2, 2)
    hp0, lp0, tabp1, gidx2, idxp = _head_call(xp, Wm0, bm0, Wm1, bm1, Wl0,
                                              bl0, hop1, src2, ew2, bp2)
    gidx3 = gidx2.reshape(NW, NCHUNK, CH)
    idxm = idxp.reshape(NP, C)

    p1, ro1 = _sc_edge_agg(tabp1.reshape(D * N, H), gidx3, dst3,
                           lp0.reshape(NP, C), idxm)
    pp1 = p1.reshape(NC, NP // 2, 2 * H)
    hp1, lp1, tabp2 = _layer_call(True, hp0, pp1[0], pp1[1], Wa1, ba1,
                                  Wb1, bb1, Wl1, bl1, hop2)

    p2, ro2 = _sc_edge_agg(tabp2.reshape(D * N, H), gidx3, dst3,
                           lp1.reshape(NP, C), idxm)
    pp2 = p2.reshape(NC, NP // 2, 2 * H)
    _, lp2 = _layer_call(False, hp1, pp2[0], pp2[1], Wa2, ba2, Wb2, bb2,
                         Wl2, bl2, hop2)

    ro3 = _sc_ro_only(lp2.reshape(NP, C), idxm)
    return _combine_call(ro1, ro2, ro3)

# --- scband reference (transcript-rebuilt; emitter-appended) ---
"""Pipeline reference for scband-net-hsp-gin-16269336118021 (READ-ONLY COPY).

The authoritative reference and input builder live on the scoring server;
editing this copy changes nothing except your own understanding.
"""

import jax, jax.numpy as jnp
import numpy as np

N = 10000
E = 320000
F_IN = 128
H = 64
C = 16
D = 5
G = 128


def _bn(h):
    m = jnp.mean(h, axis=0, keepdims=True)
    v = jnp.var(h, axis=0, keepdims=True)
    return (h - m) / jnp.sqrt(v + 1e-5)


def setup_inputs(seed: int = 0):
    key = jax.random.key(seed)
    ks = jax.random.split(key, 32)
    s = 0.05
    inp = {}
    inp["x"] = jax.random.normal(ks[0], (N, F_IN), dtype=jnp.float32)
    inp["edge_index"] = jax.random.randint(ks[1], (2, E), 0, N)
    inp["edge_weights"] = jax.random.randint(ks[2], (E,), 0, D)
    inp["batch"] = jnp.sort(jax.random.randint(ks[3], (N,), 0, G))
    inp["Wm0"] = jax.random.normal(ks[4], (F_IN, H), dtype=jnp.float32) * s
    inp["bm0"] = jnp.zeros((H,), dtype=jnp.float32)
    inp["Wm1"] = jax.random.normal(ks[5], (H, H), dtype=jnp.float32) * s
    inp["bm1"] = jnp.zeros((H,), dtype=jnp.float32)
    inp["Wl0"] = jax.random.normal(ks[6], (H, C), dtype=jnp.float32) * s
    inp["bl0"] = jnp.zeros((C,), dtype=jnp.float32)
    inp["hop1"] = jax.random.normal(ks[7], (D,), dtype=jnp.float32) * s
    inp["Wa1"] = jax.random.normal(ks[8], (H, H), dtype=jnp.float32) * s
    inp["ba1"] = jnp.zeros((H,), dtype=jnp.float32)
    inp["Wb1"] = jax.random.normal(ks[9], (H, H), dtype=jnp.float32) * s
    inp["bb1"] = jnp.zeros((H,), dtype=jnp.float32)
    inp["Wl1"] = jax.random.normal(ks[10], (H, C), dtype=jnp.float32) * s
    inp["bl1"] = jnp.zeros((C,), dtype=jnp.float32)
    inp["hop2"] = jax.random.normal(ks[11], (D,), dtype=jnp.float32) * s
    inp["Wa2"] = jax.random.normal(ks[12], (H, H), dtype=jnp.float32) * s
    inp["ba2"] = jnp.zeros((H,), dtype=jnp.float32)
    inp["Wb2"] = jax.random.normal(ks[13], (H, H), dtype=jnp.float32) * s
    inp["bb2"] = jnp.zeros((H,), dtype=jnp.float32)
    inp["Wl2"] = jax.random.normal(ks[14], (H, C), dtype=jnp.float32) * s
    inp["bl2"] = jnp.zeros((C,), dtype=jnp.float32)
    return inp


def reference(x, edge_index, edge_weights, batch, Wm0, bm0, Wm1, bm1, Wl0, bl0,
              hop1, Wa1, ba1, Wb1, bb1, Wl1, bl1,
              hop2, Wa2, ba2, Wb2, bb2, Wl2, bl2):
    # initial MLP (Linear -> BN -> ReLU, x2)
    h = jax.nn.relu(_bn(x @ Wm0 + bm0))
    h = jax.nn.relu(_bn(h @ Wm1 + bm1))
    # initial readout: linear -> per-graph scatter_max pooling
    out = jax.ops.segment_max(h @ Wl0 + bl0, batch, num_segments=G)
    src = edge_index[0]
    dst = edge_index[1]
    layers = ((hop1, Wa1, ba1, Wb1, bb1, Wl1, bl1),
              (hop2, Wa2, ba2, Wb2, bb2, Wl2, bl2))
    for (hop, Wa, ba, Wb, bb, Wl, bl) in layers:
        # outside_aggr='weight': softmax hop coefficients over shortest-path distances
        w = jax.nn.softmax(hop)
        coef = w[edge_weights]
        # inside_aggr='sum': gather source embeddings, weight by hop coef, scatter-add to dst
        msg = h[src] * coef[:, None]
        agg = jax.ops.segment_sum(msg, dst, num_segments=N)
        # GIN update: (1+eps)*x + agg, then MLP
        z = (1.0 + 0.0) * h + agg
        z = jax.nn.relu(_bn(z @ Wa + ba))
        h = jax.nn.relu(_bn(z @ Wb + bb))
        out = out + jax.ops.segment_max(h @ Wl + bl, batch, num_segments=G)
    return out

if __name__ == "__main__":
    import jax
    _d = setup_inputs()
    print(jax.jit(kernel)(*tuple(_d.values())))

</pallas_src>

<mosaic_0001>
#map = affine_map<(d0, d1) -> (0, 0)>
#map1 = affine_map<(d0, d1) -> (0, 0, 0)>
module attributes {stable_mosaic.version = 14 : i64} {
  func.func @k(%arg0: i32, %arg1: i32, %arg2: memref<50000x64xf32, #tpu.memory_space<hbm>>, %arg3: memref<32x80x125xi32, #tpu.memory_space<hbm>>, %arg4: memref<32x80x125xi32, #tpu.memory_space<hbm>>, %arg5: memref<10240x16xf32, #tpu.memory_space<hbm>>, %arg6: memref<10240x16xi32, #tpu.memory_space<hbm>>, %arg7: memref<2x10240x64xf32, #tpu.memory_space<hbm>>, %arg8: memref<32x2048xf32, #tpu.memory_space<hbm>>, %arg9: memref<80x125xi32, #tpu.memory_space<vmem>>, %arg10: memref<80x125xi32, #tpu.memory_space<vmem>>, %arg11: memref<125x64xf32, #tpu.memory_space<vmem>>, %arg12: memref<125x64xf32, #tpu.memory_space<vmem>>, %arg13: memref<125x64xf32, #tpu.memory_space<vmem>>, %arg14: memref<125x64xf32, #tpu.memory_space<vmem>>, %arg15: memref<125x64xf32, #tpu.memory_space<vmem>>, %arg16: memref<64x64xf32, #tpu.memory_space<vmem>>, %arg17: memref<320x16xf32, #tpu.memory_space<vmem>>, %arg18: memref<320x16xi32, #tpu.memory_space<vmem>>, %arg19: memref<2176xf32, #tpu.memory_space<vmem>>, %arg20: memref<10240x64xf32, #tpu.memory_space<vmem_shared>>, %arg21: memref<!tpu.dma_semaphore, #tpu.memory_space<semaphore_mem>>, %arg22: memref<!tpu.dma_semaphore, #tpu.memory_space<semaphore_mem>>, %arg23: memref<!tpu.dma_semaphore, #tpu.memory_space<semaphore_mem>>, %arg24: memref<!tpu.dma_semaphore, #tpu.memory_space<semaphore_mem>>, %arg25: memref<!tpu.dma_semaphore, #tpu.memory_space<semaphore_mem>>, %arg26: memref<!tpu.dma_semaphore, #tpu.memory_space<semaphore_mem>>, %arg27: memref<!tpu.dma_semaphore, #tpu.memory_space<semaphore_mem>>, %arg28: memref<!tpu.dma_semaphore, #tpu.memory_space<semaphore_mem>>, %arg29: memref<!tpu.dma_semaphore, #tpu.memory_space<semaphore_mem>>, %arg30: memref<!tpu.dma_semaphore, #tpu.memory_space<semaphore_mem>>) attributes {dimension_semantics = [#tpu.dimension_semantics<core_parallel>, #tpu.dimension_semantics<subcore_parallel>], iteration_bounds = array<i64: 2, 16>, scalar_prefetch = 0 : i64, scratch_operands = 22 : i64, tpu.core_type = #tpu.core_type<sc_vector_subcore>, window_params = [{transform_indices = #map}, {transform_indices = #map1}, {transform_indices = #map1}, {transform_indices = #map}, {transform_indices = #map}, {transform_indices = #map1}, {transform_indices = #map}]} {
    %mul3A = arith.constant 2 : i32
    %mul3A_0 = arith.muli %arg1, %mul3A : i32
    %add3A = arith.addi %mul3A_0, %arg0 : i32
    "tpu.region"() ({
      %run_scoped3A = tpu.sem_alloc : memref<!tpu.dma_semaphore, #tpu.memory_space<semaphore_mem>>
      %dma_start3A = arith.constant 0 : i32
      %dma_start3A_74 = arith.constant 0 : i32
      %dma_start3A_75 = tpu.memref_slice %arg3[%add3A, %dma_start3A, %dma_start3A_74] : memref<32x80x125xi32, #tpu.memory_space<hbm>> -> memref<1x80x125xi32, #tpu.memory_space<hbm>>
      %dma_start3A_76 = tpu.memref_squeeze %dma_start3A_75 : memref<1x80x125xi32, #tpu.memory_space<hbm>> -> memref<80x125xi32, #tpu.memory_space<hbm>>
      %dma_start3A_77 = arith.constant 0 : i32
      %dma_start3A_78 = arith.constant 0 : i32
      %dma_start3A_79 = tpu.memref_slice %arg3[%add3A, %dma_start3A_77, %dma_start3A_78] : memref<32x80x125xi32, #tpu.memory_space<hbm>> -> memref<1x80x125xi32, #tpu.memory_space<hbm>>
      %dma_start3A_80 = tpu.memref_squeeze %dma_start3A_79 : memref<1x80x125xi32, #tpu.memory_space<hbm>> -> memref<80x125xi32, #tpu.memory_space<hbm>>
      tpu.enqueue_dma source(%dma_start3A_80 : memref<80x125xi32, #tpu.memory_space<hbm>>) target(%arg9 : memref<80x125xi32, #tpu.memory_space<vmem>>) target_semaphore(%run_scoped3A : memref<!tpu.dma_semaphore, #tpu.memory_space<semaphore_mem>>)
      %dma_wait3A = arith.constant 0 : i32
      %dma_wait3A_81 = arith.constant 0 : i32
      %dma_wait3A_82 = tpu.memref_slice %arg3[%add3A, %dma_wait3A, %dma_wait3A_81] : memref<32x80x125xi32, #tpu.memory_space<hbm>> -> memref<1x80x125xi32, #tpu.memory_space<hbm>>
      %dma_wait3A_83 = tpu.memref_squeeze %dma_wait3A_82 : memref<1x80x125xi32, #tpu.memory_space<hbm>> -> memref<80x125xi32, #tpu.memory_space<hbm>>
      %dma_wait3A_84 = arith.constant 0 : i32
      %dma_wait3A_85 = arith.constant 0 : i32
      %dma_wait3A_86 = tpu.memref_slice %arg3[%add3A, %dma_wait3A_84, %dma_wait3A_85] : memref<32x80x125xi32, #tpu.memory_space<hbm>> -> memref<1x80x125xi32, #tpu.memory_space<hbm>>
      %dma_wait3A_87 = tpu.memref_squeeze %dma_wait3A_86 : memref<1x80x125xi32, #tpu.memory_space<hbm>> -> memref<80x125xi32, #tpu.memory_space<hbm>>
      tpu.wait_dma2 semaphore(%run_scoped3A : memref<!tpu.dma_semaphore, #tpu.memory_space<semaphore_mem>>) src(%dma_wait3A_87 : memref<80x125xi32, #tpu.memory_space<hbm>>) dst(%arg9 : memref<80x125xi32, #tpu.memory_space<vmem>>)
      tpu.yield
    }) : () -> ()
    "tpu.region"() ({
      %run_scoped3A = tpu.sem_alloc : memref<!tpu.dma_semaphore, #tpu.memory_space<semaphore_mem>>
      %dma_start3A = arith.constant 0 : i32
      %dma_start3A_74 = arith.constant 0 : i32
      %dma_start3A_75 = tpu.memref_slice %arg4[%add3A, %dma_start3A, %dma_start3A_74] : memref<32x80x125xi32, #tpu.memory_space<hbm>> -> memref<1x80x125xi32, #tpu.memory_space<hbm>>
      %dma_start3A_76 = tpu.memref_squeeze %dma_start3A_75 : memref<1x80x125xi32, #tpu.memory_space<hbm>> -> memref<80x125xi32, #tpu.memory_space<hbm>>
      %dma_start3A_77 = arith.constant 0 : i32
      %dma_start3A_78 = arith.constant 0 : i32
      %dma_start3A_79 = tpu.memref_slice %arg4[%add3A, %dma_start3A_77, %dma_start3A_78] : memref<32x80x125xi32, #tpu.memory_space<hbm>> -> memref<1x80x125xi32, #tpu.memory_space<hbm>>
      %dma_start3A_80 = tpu.memref_squeeze %dma_start3A_79 : memref<1x80x125xi32, #tpu.memory_space<hbm>> -> memref<80x125xi32, #tpu.memory_space<hbm>>
      tpu.enqueue_dma source(%dma_start3A_80 : memref<80x125xi32, #tpu.memory_space<hbm>>) target(%arg10 : memref<80x125xi32, #tpu.memory_space<vmem>>) target_semaphore(%run_scoped3A : memref<!tpu.dma_semaphore, #tpu.memory_space<semaphore_mem>>)
      %dma_wait3A = arith.constant 0 : i32
      %dma_wait3A_81 = arith.constant 0 : i32
      %dma_wait3A_82 = tpu.memref_slice %arg4[%add3A, %dma_wait3A, %dma_wait3A_81] : memref<32x80x125xi32, #tpu.memory_space<hbm>> -> memref<1x80x125xi32, #tpu.memory_space<hbm>>
      %dma_wait3A_83 = tpu.memref_squeeze %dma_wait3A_82 : memref<1x80x125xi32, #tpu.memory_space<hbm>> -> memref<80x125xi32, #tpu.memory_space<hbm>>
      %dma_wait3A_84 = arith.constant 0 : i32
      %dma_wait3A_85 = arith.constant 0 : i32
      %dma_wait3A_86 = tpu.memref_slice %arg4[%add3A, %dma_wait3A_84, %dma_wait3A_85] : memref<32x80x125xi32, #tpu.memory_space<hbm>> -> memref<1x80x125xi32, #tpu.memory_space<hbm>>
      %dma_wait3A_87 = tpu.memref_squeeze %dma_wait3A_86 : memref<1x80x125xi32, #tpu.memory_space<hbm>> -> memref<80x125xi32, #tpu.memory_space<hbm>>
      tpu.wait_dma2 semaphore(%run_scoped3A : memref<!tpu.dma_semaphore, #tpu.memory_space<semaphore_mem>>) src(%dma_wait3A_87 : memref<80x125xi32, #tpu.memory_space<hbm>>) dst(%arg10 : memref<80x125xi32, #tpu.memory_space<vmem>>)
      tpu.yield
    }) : () -> ()
    %mul3A_1 = arith.constant 320 : i32
    %mul3A_2 = arith.muli %add3A, %mul3A_1 : i32
    "tpu.region"() ({
      %run_scoped3A = tpu.sem_alloc : memref<!tpu.dma_semaphore, #tpu.memory_space<semaphore_mem>>
      %dma_start3A = arith.constant 0 : i32
      %dma_start3A_74 = tpu.memref_slice %arg5[%mul3A_2, %dma_start3A] : memref<10240x16xf32, #tpu.memory_space<hbm>> -> memref<320x16xf32, #tpu.memory_space<hbm>>
      %dma_start3A_75 = arith.constant 0 : i32
      %dma_start3A_76 = tpu.memref_slice %arg5[%mul3A_2, %dma_start3A_75] : memref<10240x16xf32, #tpu.memory_space<hbm>> -> memref<320x16xf32, #tpu.memory_space<hbm>>
      tpu.enqueue_dma source(%dma_start3A_76 : memref<320x16xf32, #tpu.memory_space<hbm>>) target(%arg17 : memref<320x16xf32, #tpu.memory_space<vmem>>) target_semaphore(%run_scoped3A : memref<!tpu.dma_semaphore, #tpu.memory_space<semaphore_mem>>)
      %dma_wait3A = arith.constant 0 : i32
      %dma_wait3A_77 = tpu.memref_slice %arg5[%mul3A_2, %dma_wait3A] : memref<10240x16xf32, #tpu.memory_space<hbm>> -> memref<320x16xf32, #tpu.memory_space<hbm>>
      %dma_wait3A_78 = arith.constant 0 : i32
      %dma_wait3A_79 = tpu.memref_slice %arg5[%mul3A_2, %dma_wait3A_78] : memref<10240x16xf32, #tpu.memory_space<hbm>> -> memref<320x16xf32, #tpu.memory_space<hbm>>
      tpu.wait_dma2 semaphore(%run_scoped3A : memref<!tpu.dma_semaphore, #tpu.memory_space<semaphore_mem>>) src(%dma_wait3A_79 : memref<320x16xf32, #tpu.memory_space<hbm>>) dst(%arg17 : memref<320x16xf32, #tpu.memory_space<vmem>>)
      tpu.yield
    }) : () -> ()
    %mul3A_3 = arith.constant 320 : i32
    %mul3A_4 = arith.muli %add3A, %mul3A_3 : i32
    "tpu.region"() ({
      %run_scoped3A = tpu.sem_alloc : memref<!tpu.dma_semaphore, #tpu.memory_space<semaphore_mem>>
      %dma_start3A = arith.constant 0 : i32
      %dma_start3A_74 = tpu.memref_slice %arg6[%mul3A_4, %dma_start3A] : memref<10240x16xi32, #tpu.memory_space<hbm>> -> memref<320x16xi32, #tpu.memory_space<hbm>>
      %dma_start3A_75 = arith.constant 0 : i32
      %dma_start3A_76 = tpu.memref_slice %arg6[%mul3A_4, %dma_start3A_75] : memref<10240x16xi32, #tpu.memory_space<hbm>> -> memref<320x16xi32, #tpu.memory_space<hbm>>
      tpu.enqueue_dma source(%dma_start3A_76 : memref<320x16xi32, #tpu.memory_space<hbm>>) target(%arg18 : memref<320x16xi32, #tpu.memory_space<vmem>>) target_semaphore(%run_scoped3A : memref<!tpu.dma_semaphore, #tpu.memory_space<semaphore_mem>>)
      %dma_wait3A = arith.constant 0 : i32
      %dma_wait3A_77 = tpu.memref_slice %arg6[%mul3A_4, %dma_wait3A] : memref<10240x16xi32, #tpu.memory_space<hbm>> -> memref<320x16xi32, #tpu.memory_space<hbm>>
      %dma_wait3A_78 = arith.constant 0 : i32
      %dma_wait3A_79 = tpu.memref_slice %arg6[%mul3A_4, %dma_wait3A_78] : memref<10240x16xi32, #tpu.memory_space<hbm>> -> memref<320x16xi32, #tpu.memory_space<hbm>>
      tpu.wait_dma2 semaphore(%run_scoped3A : memref<!tpu.dma_semaphore, #tpu.memory_space<semaphore_mem>>) src(%dma_wait3A_79 : memref<320x16xi32, #tpu.memory_space<hbm>>) dst(%arg18 : memref<320x16xi32, #tpu.memory_space<vmem>>)
      tpu.yield
    }) : () -> ()
    %broadcast_in_dim3A = arith.constant 0xFF800000 : f32
    %broadcast_in_dim3A_5 = vector.broadcast %broadcast_in_dim3A : f32 to vector<16xf32>
    %scan3A = arith.constant 0 : i32
    %scan3A_6 = arith.constant 0 : i32
    %scan3A_7 = arith.constant 136 : i32
    %scan3A_8 = arith.addi %scan3A_6, %scan3A_7 : i32
    %scan3A_9 = arith.constant 1 : i32
    scf.for %scan3A_74 = %scan3A_6 to %scan3A_8 step %scan3A_9  : i32 {
      %mul3A_75 = arith.constant 16 : i32
      %mul3A_76 = arith.muli %scan3A_74, %mul3A_75 : i32
      %swap3A = arith.index_cast %mul3A_76 : i32 to index
      %swap3A_77 = tpu.vector_load %arg19[%swap3A] {strides = array<i32>} : memref<2176xf32, #tpu.memory_space<vmem>>, vector<16xf32>,
      tpu.vector_store %arg19[%swap3A], %broadcast_in_dim3A_5 {strides = array<i32>} : memref<2176xf32, #tpu.memory_space<vmem>>, vector<16xf32>,
    }
    %scan3A_10 = arith.constant 136 : i32
    %scan3A_11 = arith.constant 0 : i32
    %scan3A_12 = arith.constant 0 : i32
    %scan3A_13 = arith.constant 320 : i32
    %scan3A_14 = arith.addi %scan3A_12, %scan3A_13 : i32
    %scan3A_15 = arith.constant 1 : i32
    scf.for %scan3A_74 = %scan3A_12 to %scan3A_14 step %scan3A_15  : i32 {
      %get3A = arith.index_cast %scan3A_74 : i32 to index
      %get3A_75 = arith.constant 0 : index
      %get3A_76 = tpu.vector_load %arg18[%get3A, %get3A_75] {strides = array<i32>} : memref<320x16xi32, #tpu.memory_space<vmem>>, vector<16xi32>,
      %gather3A = tpu.vector_load_idx %arg19[%get3A_76] : memref<2176xf32, #tpu.memory_space<vmem>>[vector<16xi32>], vector<16xf32>,
      %get3A_77 = arith.index_cast %scan3A_74 : i32 to index
      %get3A_78 = arith.constant 0 : index
      %get3A_79 = tpu.vector_load %arg17[%get3A_77, %get3A_78] {strides = array<i32>} : memref<320x16xf32, #tpu.memory_space<vmem>>, vector<16xf32>,
      %max3A = arith.maximumf %gather3A, %get3A_79 : vector<16xf32>
      tpu.vector_store_idx %arg19[%get3A_76], %max3A : memref<2176xf32, #tpu.memory_space<vmem>>[vector<16xi32>], vector<16xf32>,
    }
    %scan3A_16 = arith.constant 320 : i32
    "tpu.region"() ({
      %run_scoped3A = tpu.sem_alloc : memref<!tpu.dma_semaphore, #tpu.memory_space<semaphore_mem>>
      %dma_start3A = arith.constant 0 : i32
      %dma_start3A_74 = tpu.memref_slice %arg19[%dma_start3A] : memref<2176xf32, #tpu.memory_space<vmem>> -> memref<2048xf32, #tpu.memory_space<vmem>>
      %dma_start3A_75 = arith.constant 0 : i32
      %dma_start3A_76 = tpu.memref_slice %arg8[%add3A, %dma_start3A_75] : memref<32x2048xf32, #tpu.memory_space<hbm>> -> memref<1x2048xf32, #tpu.memory_space<hbm>>
      %dma_start3A_77 = tpu.memref_squeeze %dma_start3A_76 : memref<1x2048xf32, #tpu.memory_space<hbm>> -> memref<2048xf32, #tpu.memory_space<hbm>>
      %dma_start3A_78 = arith.constant 0 : i32
      %dma_start3A_79 = tpu.memref_slice %arg8[%add3A, %dma_start3A_78] : memref<32x2048xf32, #tpu.memory_space<hbm>> -> memref<1x2048xf32, #tpu.memory_space<hbm>>
      %dma_start3A_80 = tpu.memref_squeeze %dma_start3A_79 : memref<1x2048xf32, #tpu.memory_space<hbm>> -> memref<2048xf32, #tpu.memory_space<hbm>>
      %dma_start3A_81 = arith.constant 0 : i32
      %dma_start3A_82 = tpu.memref_slice %arg19[%dma_start3A_81] : memref<2176xf32, #tpu.memory_space<vmem>> -> memref<2048xf32, #tpu.memory_space<vmem>>
      tpu.enqueue_dma source(%dma_start3A_82 : memref<2048xf32, #tpu.memory_space<vmem>>) target(%dma_start3A_80 : memref<2048xf32, #tpu.memory_space<hbm>>) target_semaphore(%run_scoped3A : memref<!tpu.dma_semaphore, #tpu.memory_space<semaphore_mem>>)
      %dma_wait3A = arith.constant 0 : i32
      %dma_wait3A_83 = tpu.memref_slice %arg19[%dma_wait3A] : memref<2176xf32, #tpu.memory_space<vmem>> -> memref<2048xf32, #tpu.memory_space<vmem>>
      %dma_wait3A_84 = arith.constant 0 : i32
      %dma_wait3A_85 = tpu.memref_slice %arg8[%add3A, %dma_wait3A_84] : memref<32x2048xf32, #tpu.memory_space<hbm>> -> memref<1x2048xf32, #tpu.memory_space<hbm>>
      %dma_wait3A_86 = tpu.memref_squeeze %dma_wait3A_85 : memref<1x2048xf32, #tpu.memory_space<hbm>> -> memref<2048xf32, #tpu.memory_space<hbm>>
      %dma_wait3A_87 = arith.constant 0 : i32
      %dma_wait3A_88 = tpu.memref_slice %arg8[%add3A, %dma_wait3A_87] : memref<32x2048xf32, #tpu.memory_space<hbm>> -> memref<1x2048xf32, #tpu.memory_space<hbm>>
      %dma_wait3A_89 = tpu.memref_squeeze %dma_wait3A_88 : memref<1x2048xf32, #tpu.memory_space<hbm>> -> memref<2048xf32, #tpu.memory_space<hbm>>
      %dma_wait3A_90 = arith.constant 0 : i32
      %dma_wait3A_91 = tpu.memref_slice %arg19[%dma_wait3A_90] : memref<2176xf32, #tpu.memory_space<vmem>> -> memref<2048xf32, #tpu.memory_space<vmem>>
      tpu.wait_dma2 semaphore(%run_scoped3A : memref<!tpu.dma_semaphore, #tpu.memory_space<semaphore_mem>>) src(%dma_wait3A_91 : memref<2048xf32, #tpu.memory_space<vmem>>) dst(%dma_wait3A_89 : memref<2048xf32, #tpu.memory_space<hbm>>)
      tpu.yield
    }) : () -> ()
    %scan3A_17 = arith.constant 0 : i32
    %scan3A_18 = arith.constant 0 : i32
    %scan3A_19 = arith.constant 64 : i32
    %scan3A_20 = arith.addi %scan3A_18, %scan3A_19 : i32
    %scan3A_21 = arith.constant 1 : i32
    scf.for %scan3A_74 = %scan3A_18 to %scan3A_20 step %scan3A_21  : i32 {
      %broadcast_in_dim3A_75 = arith.constant 0.000000e+00 : f32
      %broadcast_in_dim3A_76 = vector.broadcast %broadcast_in_dim3A_75 : f32 to vector<16xf32>
      %swap3A = arith.index_cast %scan3A_74 : i32 to index
      %swap3A_77 = arith.constant 0 : index
      %swap3A_78 = tpu.vector_load %arg16[%swap3A, %swap3A_77] {strides = array<i32>} : memref<64x64xf32, #tpu.memory_space<vmem>>, vector<16xf32>,
      tpu.vector_store %arg16[%swap3A, %swap3A_77], %broadcast_in_dim3A_76 {strides = array<i32>} : memref<64x64xf32, #tpu.memory_space<vmem>>, vector<16xf32>,
      %broadcast_in_dim3A_79 = arith.constant 0.000000e+00 : f32
      %broadcast_in_dim3A_80 = vector.broadcast %broadcast_in_dim3A_79 : f32 to vector<16xf32>
      %swap3A_81 = arith.index_cast %scan3A_74 : i32 to index
      %swap3A_82 = arith.constant 16 : index
      %swap3A_83 = tpu.vector_load %arg16[%swap3A_81, %swap3A_82] {strides = array<i32>} : memref<64x64xf32, #tpu.memory_space<vmem>>, vector<16xf32>,
      tpu.vector_store %arg16[%swap3A_81, %swap3A_82], %broadcast_in_dim3A_80 {strides = array<i32>} : memref<64x64xf32, #tpu.memory_space<vmem>>, vector<16xf32>,
      %broadcast_in_dim3A_84 = arith.constant 0.000000e+00 : f32
      %broadcast_in_dim3A_85 = vector.broadcast %broadcast_in_dim3A_84 : f32 to vector<16xf32>
      %swap3A_86 = arith.index_cast %scan3A_74 : i32 to index
      %swap3A_87 = arith.constant 32 : index
      %swap3A_88 = tpu.vector_load %arg16[%swap3A_86, %swap3A_87] {strides = array<i32>} : memref<64x64xf32, #tpu.memory_space<vmem>>, vector<16xf32>,
      tpu.vector_store %arg16[%swap3A_86, %swap3A_87], %broadcast_in_dim3A_85 {strides = array<i32>} : memref<64x64xf32, #tpu.memory_space<vmem>>, vector<16xf32>,
      %broadcast_in_dim3A_89 = arith.constant 0.000000e+00 : f32
      %broadcast_in_dim3A_90 = vector.broadcast %broadcast_in_dim3A_89 : f32 to vector<16xf32>
      %swap3A_91 = arith.index_cast %scan3A_74 : i32 to index
      %swap3A_92 = arith.constant 48 : index
      %swap3A_93 = tpu.vector_load %arg16[%swap3A_91, %swap3A_92] {strides = array<i32>} : memref<64x64xf32, #tpu.memory_space<vmem>>, vector<16xf32>,
      tpu.vector_store %arg16[%swap3A_91, %swap3A_92], %broadcast_in_dim3A_90 {strides = array<i32>} : memref<64x64xf32, #tpu.memory_space<vmem>>, vector<16xf32>,
    }
    %scan3A_22 = arith.constant 64 : i32
    %mul3A_23 = arith.constant 640 : i32
    %mul3A_24 = arith.muli %arg1, %mul3A_23 : i32
    %add3A_25 = arith.constant 0 : i32
    %add3A_26 = arith.addi %mul3A_24, %add3A_25 : i32
    "tpu.region"() ({
      %run_scoped3A = tpu.sem_alloc : memref<!tpu.dma_semaphore, #tpu.memory_space<semaphore_mem>>
      %dma_start3A = arith.constant 0 : i32
      %dma_start3A_74 = tpu.memref_slice %arg20[%add3A_26, %dma_start3A] : memref<10240x64xf32, #tpu.memory_space<vmem_shared>> -> memref<64x64xf32, #tpu.memory_space<vmem_shared>>
      %dma_start3A_75 = arith.constant 0 : i32
      %dma_start3A_76 = tpu.memref_slice %arg20[%add3A_26, %dma_start3A_75] : memref<10240x64xf32, #tpu.memory_space<vmem_shared>> -> memref<64x64xf32, #tpu.memory_space<vmem_shared>>
      tpu.enqueue_dma source(%arg16 : memref<64x64xf32, #tpu.memory_space<vmem>>) target(%dma_start3A_76 : memref<64x64xf32, #tpu.memory_space<vmem_shared>>) target_semaphore(%run_scoped3A : memref<!tpu.dma_semaphore, #tpu.memory_space<semaphore_mem>>)
      %dma_wait3A = arith.constant 0 : i32
      %dma_wait3A_77 = tpu.memref_slice %arg20[%add3A_26, %dma_wait3A] : memref<10240x64xf32, #tpu.memory_space<vmem_shared>> -> memref<64x64xf32, #tpu.memory_space<vmem_shared>>
      %dma_wait3A_78 = arith.constant 0 : i32
      %dma_wait3A_79 = tpu.memref_slice %arg20[%add3A_26, %dma_wait3A_78] : memref<10240x64xf32, #tpu.memory_space<vmem_shared>> -> memref<64x64xf32, #tpu.memory_space<vmem_shared>>
      tpu.wait_dma2 semaphore(%run_scoped3A : memref<!tpu.dma_semaphore, #tpu.memory_space<semaphore_mem>>) src(%arg16 : memref<64x64xf32, #tpu.memory_space<vmem>>) dst(%dma_wait3A_79 : memref<64x64xf32, #tpu.memory_space<vmem_shared>>)
      tpu.yield
    }) : () -> ()
    %mul3A_27 = arith.constant 640 : i32
    %mul3A_28 = arith.muli %arg1, %mul3A_27 : i32
    %add3A_29 = arith.constant 64 : i32
    %add3A_30 = arith.addi %mul3A_28, %add3A_29 : i32
    "tpu.region"() ({
      %run_scoped3A = tpu.sem_alloc : memref<!tpu.dma_semaphore, #tpu.memory_space<semaphore_mem>>
      %dma_start3A = arith.constant 0 : i32
      %dma_start3A_74 = tpu.memref_slice %arg20[%add3A_30, %dma_start3A] : memref<10240x64xf32, #tpu.memory_space<vmem_shared>> -> memref<64x64xf32, #tpu.memory_space<vmem_shared>>
      %dma_start3A_75 = arith.constant 0 : i32
      %dma_start3A_76 = tpu.memref_slice %arg20[%add3A_30, %dma_start3A_75] : memref<10240x64xf32, #tpu.memory_space<vmem_shared>> -> memref<64x64xf32, #tpu.memory_space<vmem_shared>>
      tpu.enqueue_dma source(%arg16 : memref<64x64xf32, #tpu.memory_space<vmem>>) target(%dma_start3A_76 : memref<64x64xf32, #tpu.memory_space<vmem_shared>>) target_semaphore(%run_scoped3A : memref<!tpu.dma_semaphore, #tpu.memory_space<semaphore_mem>>)
      %dma_wait3A = arith.constant 0 : i32
      %dma_wait3A_77 = tpu.memref_slice %arg20[%add3A_30, %dma_wait3A] : memref<10240x64xf32, #tpu.memory_space<vmem_shared>> -> memref<64x64xf32, #tpu.memory_space<vmem_shared>>
      %dma_wait3A_78 = arith.constant 0 : i32
      %dma_wait3A_79 = tpu.memref_slice %arg20[%add3A_30, %dma_wait3A_78] : memref<10240x64xf32, #tpu.memory_space<vmem_shared>> -> memref<64x64xf32, #tpu.memory_space<vmem_shared>>
      tpu.wait_dma2 semaphore(%run_scoped3A : memref<!tpu.dma_semaphore, #tpu.memory_space<semaphore_mem>>) src(%arg16 : memref<64x64xf32, #tpu.memory_space<vmem>>) dst(%dma_wait3A_79 : memref<64x64xf32, #tpu.memory_space<vmem_shared>>)
      tpu.yield
    }) : () -> ()
    %mul3A_31 = arith.constant 640 : i32
    %mul3A_32 = arith.muli %arg1, %mul3A_31 : i32
    %add3A_33 = arith.constant 128 : i32
    %add3A_34 = arith.addi %mul3A_32, %add3A_33 : i32
    "tpu.region"() ({
      %run_scoped3A = tpu.sem_alloc : memref<!tpu.dma_semaphore, #tpu.memory_space<semaphore_mem>>
      %dma_start3A = arith.constant 0 : i32
      %dma_start3A_74 = tpu.memref_slice %arg20[%add3A_34, %dma_start3A] : memref<10240x64xf32, #tpu.memory_space<vmem_shared>> -> memref<64x64xf32, #tpu.memory_space<vmem_shared>>
      %dma_start3A_75 = arith.constant 0 : i32
      %dma_start3A_76 = tpu.memref_slice %arg20[%add3A_34, %dma_start3A_75] : memref<10240x64xf32, #tpu.memory_space<vmem_shared>> -> memref<64x64xf32, #tpu.memory_space<vmem_shared>>
      tpu.enqueue_dma source(%arg16 : memref<64x64xf32, #tpu.memory_space<vmem>>) target(%dma_start3A_76 : memref<64x64xf32, #tpu.memory_space<vmem_shared>>) target_semaphore(%run_scoped3A : memref<!tpu.dma_semaphore, #tpu.memory_space<semaphore_mem>>)
      %dma_wait3A = arith.constant 0 : i32
      %dma_wait3A_77 = tpu.memref_slice %arg20[%add3A_34, %dma_wait3A] : memref<10240x64xf32, #tpu.memory_space<vmem_shared>> -> memref<64x64xf32, #tpu.memory_space<vmem_shared>>
      %dma_wait3A_78 = arith.constant 0 : i32
      %dma_wait3A_79 = tpu.memref_slice %arg20[%add3A_34, %dma_wait3A_78] : memref<10240x64xf32, #tpu.memory_space<vmem_shared>> -> memref<64x64xf32, #tpu.memory_space<vmem_shared>>
      tpu.wait_dma2 semaphore(%run_scoped3A : memref<!tpu.dma_semaphore, #tpu.memory_space<semaphore_mem>>) src(%arg16 : memref<64x64xf32, #tpu.memory_space<vmem>>) dst(%dma_wait3A_79 : memref<64x64xf32, #tpu.memory_space<vmem_shared>>)
      tpu.yield
    }) : () -> ()
    %mul3A_35 = arith.constant 640 : i32
    %mul3A_36 = arith.muli %arg1, %mul3A_35 : i32
    %add3A_37 = arith.constant 192 : i32
    %add3A_38 = arith.addi %mul3A_36, %add3A_37 : i32
    "tpu.region"() ({
      %run_scoped3A = tpu.sem_alloc : memref<!tpu.dma_semaphore, #tpu.memory_space<semaphore_mem>>
      %dma_start3A = arith.constant 0 : i32
      %dma_start3A_74 = tpu.memref_slice %arg20[%add3A_38, %dma_start3A] : memref<10240x64xf32, #tpu.memory_space<vmem_shared>> -> memref<64x64xf32, #tpu.memory_space<vmem_shared>>
      %dma_start3A_75 = arith.constant 0 : i32
      %dma_start3A_76 = tpu.memref_slice %arg20[%add3A_38, %dma_start3A_75] : memref<10240x64xf32, #tpu.memory_space<vmem_shared>> -> memref<64x64xf32, #tpu.memory_space<vmem_shared>>
      tpu.enqueue_dma source(%arg16 : memref<64x64xf32, #tpu.memory_space<vmem>>) target(%dma_start3A_76 : memref<64x64xf32, #tpu.memory_space<vmem_shared>>) target_semaphore(%run_scoped3A : memref<!tpu.dma_semaphore, #tpu.memory_space<semaphore_mem>>)
      %dma_wait3A = arith.constant 0 : i32
      %dma_wait3A_77 = tpu.memref_slice %arg20[%add3A_38, %dma_wait3A] : memref<10240x64xf32, #tpu.memory_space<vmem_shared>> -> memref<64x64xf32, #tpu.memory_space<vmem_shared>>
      %dma_wait3A_78 = arith.constant 0 : i32
      %dma_wait3A_79 = tpu.memref_slice %arg20[%add3A_38, %dma_wait3A_78] : memref<10240x64xf32, #tpu.memory_space<vmem_shared>> -> memref<64x64xf32, #tpu.memory_space<vmem_shared>>
      tpu.wait_dma2 semaphore(%run_scoped3A : memref<!tpu.dma_semaphore, #tpu.memory_space<semaphore_mem>>) src(%arg16 : memref<64x64xf32, #tpu.memory_space<vmem>>) dst(%dma_wait3A_79 : memref<64x64xf32, #tpu.memory_space<vmem_shared>>)
      tpu.yield
    }) : () -> ()
    %mul3A_39 = arith.constant 640 : i32
    %mul3A_40 = arith.muli %arg1, %mul3A_39 : i32
    %add3A_41 = arith.constant 256 : i32
    %add3A_42 = arith.addi %mul3A_40, %add3A_41 : i32
    "tpu.region"() ({
      %run_scoped3A = tpu.sem_alloc : memref<!tpu.dma_semaphore, #tpu.memory_space<semaphore_mem>>
      %dma_start3A = arith.constant 0 : i32
      %dma_start3A_74 = tpu.memref_slice %arg20[%add3A_42, %dma_start3A] : memref<10240x64xf32, #tpu.memory_space<vmem_shared>> -> memref<64x64xf32, #tpu.memory_space<vmem_shared>>
      %dma_start3A_75 = arith.constant 0 : i32
      %dma_start3A_76 = tpu.memref_slice %arg20[%add3A_42, %dma_start3A_75] : memref<10240x64xf32, #tpu.memory_space<vmem_shared>> -> memref<64x64xf32, #tpu.memory_space<vmem_shared>>
      tpu.enqueue_dma source(%arg16 : memref<64x64xf32, #tpu.memory_space<vmem>>) target(%dma_start3A_76 : memref<64x64xf32, #tpu.memory_space<vmem_shared>>) target_semaphore(%run_scoped3A : memref<!tpu.dma_semaphore, #tpu.memory_space<semaphore_mem>>)
      %dma_wait3A = arith.constant 0 : i32
      %dma_wait3A_77 = tpu.memref_slice %arg20[%add3A_42, %dma_wait3A] : memref<10240x64xf32, #tpu.memory_space<vmem_shared>> -> memref<64x64xf32, #tpu.memory_space<vmem_shared>>
      %dma_wait3A_78 = arith.constant 0 : i32
      %dma_wait3A_79 = tpu.memref_slice %arg20[%add3A_42, %dma_wait3A_78] : memref<10240x64xf32, #tpu.memory_space<vmem_shared>> -> memref<64x64xf32, #tpu.memory_space<vmem_shared>>
      tpu.wait_dma2 semaphore(%run_scoped3A : memref<!tpu.dma_semaphore, #tpu.memory_space<semaphore_mem>>) src(%arg16 : memref<64x64xf32, #tpu.memory_space<vmem>>) dst(%dma_wait3A_79 : memref<64x64xf32, #tpu.memory_space<vmem_shared>>)
      tpu.yield
    }) : () -> ()
    %mul3A_43 = arith.constant 640 : i32
    %mul3A_44 = arith.muli %arg1, %mul3A_43 : i32
    %add3A_45 = arith.constant 320 : i32
    %add3A_46 = arith.addi %mul3A_44, %add3A_45 : i32
    "tpu.region"() ({
      %run_scoped3A = tpu.sem_alloc : memref<!tpu.dma_semaphore, #tpu.memory_space<semaphore_mem>>
      %dma_start3A = arith.constant 0 : i32
      %dma_start3A_74 = tpu.memref_slice %arg20[%add3A_46, %dma_start3A] : memref<10240x64xf32, #tpu.memory_space<vmem_shared>> -> memref<64x64xf32, #tpu.memory_space<vmem_shared>>
      %dma_start3A_75 = arith.constant 0 : i32
      %dma_start3A_76 = tpu.memref_slice %arg20[%add3A_46, %dma_start3A_75] : memref<10240x64xf32, #tpu.memory_space<vmem_shared>> -> memref<64x64xf32, #tpu.memory_space<vmem_shared>>
      tpu.enqueue_dma source(%arg16 : memref<64x64xf32, #tpu.memory_space<vmem>>) target(%dma_start3A_76 : memref<64x64xf32, #tpu.memory_space<vmem_shared>>) target_semaphore(%run_scoped3A : memref<!tpu.dma_semaphore, #tpu.memory_space<semaphore_mem>>)
      %dma_wait3A = arith.constant 0 : i32
      %dma_wait3A_77 = tpu.memref_slice %arg20[%add3A_46, %dma_wait3A] : memref<10240x64xf32, #tpu.memory_space<vmem_shared>> -> memref<64x64xf32, #tpu.memory_space<vmem_shared>>
      %dma_wait3A_78 = arith.constant 0 : i32
      %dma_wait3A_79 = tpu.memref_slice %arg20[%add3A_46, %dma_wait3A_78] : memref<10240x64xf32, #tpu.memory_space<vmem_shared>> -> memref<64x64xf32, #tpu.memory_space<vmem_shared>>
      tpu.wait_dma2 semaphore(%run_scoped3A : memref<!tpu.dma_semaphore, #tpu.memory_space<semaphore_mem>>) src(%arg16 : memref<64x64xf32, #tpu.memory_space<vmem>>) dst(%dma_wait3A_79 : memref<64x64xf32, #tpu.memory_space<vmem_shared>>)
      tpu.yield
    }) : () -> ()
    %mul3A_47 = arith.constant 640 : i32
    %mul3A_48 = arith.muli %arg1, %mul3A_47 : i32
    %add3A_49 = arith.constant 384 : i32
    %add3A_50 = arith.addi %mul3A_48, %add3A_49 : i32
    "tpu.region"() ({
      %run_scoped3A = tpu.sem_alloc : memref<!tpu.dma_semaphore, #tpu.memory_space<semaphore_mem>>
      %dma_start3A = arith.constant 0 : i32
      %dma_start3A_74 = tpu.memref_slice %arg20[%add3A_50, %dma_start3A] : memref<10240x64xf32, #tpu.memory_space<vmem_shared>> -> memref<64x64xf32, #tpu.memory_space<vmem_shared>>
      %dma_start3A_75 = arith.constant 0 : i32
      %dma_start3A_76 = tpu.memref_slice %arg20[%add3A_50, %dma_start3A_75] : memref<10240x64xf32, #tpu.memory_space<vmem_shared>> -> memref<64x64xf32, #tpu.memory_space<vmem_shared>>
      tpu.enqueue_dma source(%arg16 : memref<64x64xf32, #tpu.memory_space<vmem>>) target(%dma_start3A_76 : memref<64x64xf32, #tpu.memory_space<vmem_shared>>) target_semaphore(%run_scoped3A : memref<!tpu.dma_semaphore, #tpu.memory_space<semaphore_mem>>)
      %dma_wait3A = arith.constant 0 : i32
      %dma_wait3A_77 = tpu.memref_slice %arg20[%add3A_50, %dma_wait3A] : memref<10240x64xf32, #tpu.memory_space<vmem_shared>> -> memref<64x64xf32, #tpu.memory_space<vmem_shared>>
      %dma_wait3A_78 = arith.constant 0 : i32
      %dma_wait3A_79 = tpu.memref_slice %arg20[%add3A_50, %dma_wait3A_78] : memref<10240x64xf32, #tpu.memory_space<vmem_shared>> -> memref<64x64xf32, #tpu.memory_space<vmem_shared>>
      tpu.wait_dma2 semaphore(%run_scoped3A : memref<!tpu.dma_semaphore, #tpu.memory_space<semaphore_mem>>) src(%arg16 : memref<64x64xf32, #tpu.memory_space<vmem>>) dst(%dma_wait3A_79 : memref<64x64xf32, #tpu.memory_space<vmem_shared>>)
      tpu.yield
    }) : () -> ()
    %mul3A_51 = arith.constant 640 : i32
    %mul3A_52 = arith.muli %arg1, %mul3A_51 : i32
    %add3A_53 = arith.constant 448 : i32
    %add3A_54 = arith.addi %mul3A_52, %add3A_53 : i32
    "tpu.region"() ({
      %run_scoped3A = tpu.sem_alloc : memref<!tpu.dma_semaphore, #tpu.memory_space<semaphore_mem>>
      %dma_start3A = arith.constant 0 : i32
      %dma_start3A_74 = tpu.memref_slice %arg20[%add3A_54, %dma_start3A] : memref<10240x64xf32, #tpu.memory_space<vmem_shared>> -> memref<64x64xf32, #tpu.memory_space<vmem_shared>>
      %dma_start3A_75 = arith.constant 0 : i32
      %dma_start3A_76 = tpu.memref_slice %arg20[%add3A_54, %dma_start3A_75] : memref<10240x64xf32, #tpu.memory_space<vmem_shared>> -> memref<64x64xf32, #tpu.memory_space<vmem_shared>>
      tpu.enqueue_dma source(%arg16 : memref<64x64xf32, #tpu.memory_space<vmem>>) target(%dma_start3A_76 : memref<64x64xf32, #tpu.memory_space<vmem_shared>>) target_semaphore(%run_scoped3A : memref<!tpu.dma_semaphore, #tpu.memory_space<semaphore_mem>>)
      %dma_wait3A = arith.constant 0 : i32
      %dma_wait3A_77 = tpu.memref_slice %arg20[%add3A_54, %dma_wait3A] : memref<10240x64xf32, #tpu.memory_space<vmem_shared>> -> memref<64x64xf32, #tpu.memory_space<vmem_shared>>
      %dma_wait3A_78 = arith.constant 0 : i32
      %dma_wait3A_79 = tpu.memref_slice %arg20[%add3A_54, %dma_wait3A_78] : memref<10240x64xf32, #tpu.memory_space<vmem_shared>> -> memref<64x64xf32, #tpu.memory_space<vmem_shared>>
      tpu.wait_dma2 semaphore(%run_scoped3A : memref<!tpu.dma_semaphore, #tpu.memory_space<semaphore_mem>>) src(%arg16 : memref<64x64xf32, #tpu.memory_space<vmem>>) dst(%dma_wait3A_79 : memref<64x64xf32, #tpu.memory_space<vmem_shared>>)
      tpu.yield
    }) : () -> ()
    %mul3A_55 = arith.constant 640 : i32
    %mul3A_56 = arith.muli %arg1, %mul3A_55 : i32
    %add3A_57 = arith.constant 512 : i32
    %add3A_58 = arith.addi %mul3A_56, %add3A_57 : i32
    "tpu.region"() ({
      %run_scoped3A = tpu.sem_alloc : memref<!tpu.dma_semaphore, #tpu.memory_space<semaphore_mem>>
      %dma_start3A = arith.constant 0 : i32
      %dma_start3A_74 = tpu.memref_slice %arg20[%add3A_58, %dma_start3A] : memref<10240x64xf32, #tpu.memory_space<vmem_shared>> -> memref<64x64xf32, #tpu.memory_space<vmem_shared>>
      %dma_start3A_75 = arith.constant 0 : i32
      %dma_start3A_76 = tpu.memref_slice %arg20[%add3A_58, %dma_start3A_75] : memref<10240x64xf32, #tpu.memory_space<vmem_shared>> -> memref<64x64xf32, #tpu.memory_space<vmem_shared>>
      tpu.enqueue_dma source(%arg16 : memref<64x64xf32, #tpu.memory_space<vmem>>) target(%dma_start3A_76 : memref<64x64xf32, #tpu.memory_space<vmem_shared>>) target_semaphore(%run_scoped3A : memref<!tpu.dma_semaphore, #tpu.memory_space<semaphore_mem>>)
      %dma_wait3A = arith.constant 0 : i32
      %dma_wait3A_77 = tpu.memref_slice %arg20[%add3A_58, %dma_wait3A] : memref<10240x64xf32, #tpu.memory_space<vmem_shared>> -> memref<64x64xf32, #tpu.memory_space<vmem_shared>>
      %dma_wait3A_78 = arith.constant 0 : i32
      %dma_wait3A_79 = tpu.memref_slice %arg20[%add3A_58, %dma_wait3A_78] : memref<10240x64xf32, #tpu.memory_space<vmem_shared>> -> memref<64x64xf32, #tpu.memory_space<vmem_shared>>
      tpu.wait_dma2 semaphore(%run_scoped3A : memref<!tpu.dma_semaphore, #tpu.memory_space<semaphore_mem>>) src(%arg16 : memref<64x64xf32, #tpu.memory_space<vmem>>) dst(%dma_wait3A_79 : memref<64x64xf32, #tpu.memory_space<vmem_shared>>)
      tpu.yield
    }) : () -> ()
    %mul3A_59 = arith.constant 640 : i32
    %mul3A_60 = arith.muli %arg1, %mul3A_59 : i32
    %add3A_61 = arith.constant 576 : i32
    %add3A_62 = arith.addi %mul3A_60, %add3A_61 : i32
    "tpu.region"() ({
      %run_scoped3A = tpu.sem_alloc : memref<!tpu.dma_semaphore, #tpu.memory_space<semaphore_mem>>
      %dma_start3A = arith.constant 0 : i32
      %dma_start3A_74 = tpu.memref_slice %arg20[%add3A_62, %dma_start3A] : memref<10240x64xf32, #tpu.memory_space<vmem_shared>> -> memref<64x64xf32, #tpu.memory_space<vmem_shared>>
      %dma_start3A_75 = arith.constant 0 : i32
      %dma_start3A_76 = tpu.memref_slice %arg20[%add3A_62, %dma_start3A_75] : memref<10240x64xf32, #tpu.memory_space<vmem_shared>> -> memref<64x64xf32, #tpu.memory_space<vmem_shared>>
      tpu.enqueue_dma source(%arg16 : memref<64x64xf32, #tpu.memory_space<vmem>>) target(%dma_start3A_76 : memref<64x64xf32, #tpu.memory_space<vmem_shared>>) target_semaphore(%run_scoped3A : memref<!tpu.dma_semaphore, #tpu.memory_space<semaphore_mem>>)
      %dma_wait3A = arith.constant 0 : i32
      %dma_wait3A_77 = tpu.memref_slice %arg20[%add3A_62, %dma_wait3A] : memref<10240x64xf32, #tpu.memory_space<vmem_shared>> -> memref<64x64xf32, #tpu.memory_space<vmem_shared>>
      %dma_wait3A_78 = arith.constant 0 : i32
      %dma_wait3A_79 = tpu.memref_slice %arg20[%add3A_62, %dma_wait3A_78] : memref<10240x64xf32, #tpu.memory_space<vmem_shared>> -> memref<64x64xf32, #tpu.memory_space<vmem_shared>>
      tpu.wait_dma2 semaphore(%run_scoped3A : memref<!tpu.dma_semaphore, #tpu.memory_space<semaphore_mem>>) src(%arg16 : memref<64x64xf32, #tpu.memory_space<vmem>>) dst(%dma_wait3A_79 : memref<64x64xf32, #tpu.memory_space<vmem_shared>>)
      tpu.yield
    }) : () -> ()
    %barrier3A = arith.constant 0 : index
    tpu.barrier barrier_id(%barrier3A)
    %scan3A_63 = arith.constant 0 : i32
    %scan3A_64 = arith.constant 0 : i32
    %scan3A_65 = arith.constant 16 : i32
    %scan3A_66 = arith.addi %scan3A_64, %scan3A_65 : i32
    %scan3A_67 = arith.constant 1 : i32
    scf.for %scan3A_74 = %scan3A_64 to %scan3A_66 step %scan3A_67  : i32 {
      %mul3A_75 = arith.constant 5 : i32
      %mul3A_76 = arith.muli %scan3A_74, %mul3A_75 : i32
      %add3A_77 = arith.constant 0 : i32
      %add3A_78 = arith.addi %mul3A_76, %add3A_77 : i32
      %dma_start3A = arith.constant 0 : i32
      %dma_start3A_79 = tpu.memref_slice %arg9[%add3A_78, %dma_start3A] : memref<80x125xi32, #tpu.memory_space<vmem>> -> memref<1x125xi32, #tpu.memory_space<vmem>>
      %dma_start3A_80 = tpu.memref_squeeze %dma_start3A_79 : memref<1x125xi32, #tpu.memory_space<vmem>> -> memref<125xi32, #tpu.memory_space<vmem>>
      %dma_start3A_81 = arith.constant 0 : i32
      %dma_start3A_82 = arith.constant 0 : i32
      %dma_start3A_83 = tpu.memref_slice %arg2[%dma_start3A_81, %dma_start3A_82] : memref<50000x64xf32, #tpu.memory_space<hbm>> -> memref<50000x64xf32, #tpu.memory_space<hbm>>
      tpu.enqueue_indirect_dma source(%dma_start3A_83 : memref<50000x64xf32, #tpu.memory_space<hbm>>) target(%arg11 : memref<125x64xf32, #tpu.memory_space<vmem>>) offsets(%dma_start3A_80 : memref<125xi32, #tpu.memory_space<vmem>>) semaphore(%arg21 : memref<!tpu.dma_semaphore, #tpu.memory_space<semaphore_mem>>)
      %add3A_84 = arith.constant 1 : i32
      %add3A_85 = arith.addi %mul3A_76, %add3A_84 : i32
      %dma_start3A_86 = arith.constant 0 : i32
      %dma_start3A_87 = tpu.memref_slice %arg9[%add3A_85, %dma_start3A_86] : memref<80x125xi32, #tpu.memory_space<vmem>> -> memref<1x125xi32, #tpu.memory_space<vmem>>
      %dma_start3A_88 = tpu.memref_squeeze %dma_start3A_87 : memref<1x125xi32, #tpu.memory_space<vmem>> -> memref<125xi32, #tpu.memory_space<vmem>>
      %dma_start3A_89 = arith.constant 0 : i32
      %dma_start3A_90 = arith.constant 0 : i32
      %dma_start3A_91 = tpu.memref_slice %arg2[%dma_start3A_89, %dma_start3A_90] : memref<50000x64xf32, #tpu.memory_space<hbm>> -> memref<50000x64xf32, #tpu.memory_space<hbm>>
      tpu.enqueue_indirect_dma source(%dma_start3A_91 : memref<50000x64xf32, #tpu.memory_space<hbm>>) target(%arg12 : memref<125x64xf32, #tpu.memory_space<vmem>>) offsets(%dma_start3A_88 : memref<125xi32, #tpu.memory_space<vmem>>) semaphore(%arg22 : memref<!tpu.dma_semaphore, #tpu.memory_space<semaphore_mem>>)
      %add3A_92 = arith.constant 2 : i32
      %add3A_93 = arith.addi %mul3A_76, %add3A_92 : i32
      %dma_start3A_94 = arith.constant 0 : i32
      %dma_start3A_95 = tpu.memref_slice %arg9[%add3A_93, %dma_start3A_94] : memref<80x125xi32, #tpu.memory_space<vmem>> -> memref<1x125xi32, #tpu.memory_space<vmem>>
      %dma_start3A_96 = tpu.memref_squeeze %dma_start3A_95 : memref<1x125xi32, #tpu.memory_space<vmem>> -> memref<125xi32, #tpu.memory_space<vmem>>
      %dma_start3A_97 = arith.constant 0 : i32
      %dma_start3A_98 = arith.constant 0 : i32
      %dma_start3A_99 = tpu.memref_slice %arg2[%dma_start3A_97, %dma_start3A_98] : memref<50000x64xf32, #tpu.memory_space<hbm>> -> memref<50000x64xf32, #tpu.memory_space<hbm>>
      tpu.enqueue_indirect_dma source(%dma_start3A_99 : memref<50000x64xf32, #tpu.memory_space<hbm>>) target(%arg13 : memref<125x64xf32, #tpu.memory_space<vmem>>) offsets(%dma_start3A_96 : memref<125xi32, #tpu.memory_space<vmem>>) semaphore(%arg23 : memref<!tpu.dma_semaphore, #tpu.memory_space<semaphore_mem>>)
      %add3A_100 = arith.constant 3 : i32
      %add3A_101 = arith.addi %mul3A_76, %add3A_100 : i32
      %dma_start3A_102 = arith.constant 0 : i32
      %dma_start3A_103 = tpu.memref_slice %arg9[%add3A_101, %dma_start3A_102] : memref<80x125xi32, #tpu.memory_space<vmem>> -> memref<1x125xi32, #tpu.memory_space<vmem>>
      %dma_start3A_104 = tpu.memref_squeeze %dma_start3A_103 : memref<1x125xi32, #tpu.memory_space<vmem>> -> memref<125xi32, #tpu.memory_space<vmem>>
      %dma_start3A_105 = arith.constant 0 : i32
      %dma_start3A_106 = arith.constant 0 : i32
      %dma_start3A_107 = tpu.memref_slice %arg2[%dma_start3A_105, %dma_start3A_106] : memref<50000x64xf32, #tpu.memory_space<hbm>> -> memref<50000x64xf32, #tpu.memory_space<hbm>>
      tpu.enqueue_indirect_dma source(%dma_start3A_107 : memref<50000x64xf32, #tpu.memory_space<hbm>>) target(%arg14 : memref<125x64xf32, #tpu.memory_space<vmem>>) offsets(%dma_start3A_104 : memref<125xi32, #tpu.memory_space<vmem>>) semaphore(%arg24 : memref<!tpu.dma_semaphore, #tpu.memory_space<semaphore_mem>>)
      %add3A_108 = arith.constant 4 : i32
      %add3A_109 = arith.addi %mul3A_76, %add3A_108 : i32
      %dma_start3A_110 = arith.constant 0 : i32
      %dma_start3A_111 = tpu.memref_slice %arg9[%add3A_109, %dma_start3A_110] : memref<80x125xi32, #tpu.memory_space<vmem>> -> memref<1x125xi32, #tpu.memory_space<vmem>>
      %dma_start3A_112 = tpu.memref_squeeze %dma_start3A_111 : memref<1x125xi32, #tpu.memory_space<vmem>> -> memref<125xi32, #tpu.memory_space<vmem>>
      %dma_start3A_113 = arith.constant 0 : i32
      %dma_start3A_114 = arith.constant 0 : i32
      %dma_start3A_115 = tpu.memref_slice %arg2[%dma_start3A_113, %dma_start3A_114] : memref<50000x64xf32, #tpu.memory_space<hbm>> -> memref<50000x64xf32, #tpu.memory_space<hbm>>
      tpu.enqueue_indirect_dma source(%dma_start3A_115 : memref<50000x64xf32, #tpu.memory_space<hbm>>) target(%arg15 : memref<125x64xf32, #tpu.memory_space<vmem>>) offsets(%dma_start3A_112 : memref<125xi32, #tpu.memory_space<vmem>>) semaphore(%arg25 : memref<!tpu.dma_semaphore, #tpu.memory_space<semaphore_mem>>)
      %dma_wait3A = arith.constant 0 : i32
      %dma_wait3A_116 = tpu.memref_slice %arg9[%add3A_78, %dma_wait3A] : memref<80x125xi32, #tpu.memory_space<vmem>> -> memref<1x125xi32, #tpu.memory_space<vmem>>
      %dma_wait3A_117 = tpu.memref_squeeze %dma_wait3A_116 : memref<1x125xi32, #tpu.memory_space<vmem>> -> memref<125xi32, #tpu.memory_space<vmem>>
      %dma_wait3A_118 = arith.constant 0 : i32
      %dma_wait3A_119 = arith.constant 0 : i32
      %dma_wait3A_120 = tpu.memref_slice %arg2[%dma_wait3A_118, %dma_wait3A_119] : memref<50000x64xf32, #tpu.memory_space<hbm>> -> memref<50000x64xf32, #tpu.memory_space<hbm>>
      tpu.wait_indirect_dma semaphore(%arg21 : memref<!tpu.dma_semaphore, #tpu.memory_space<semaphore_mem>>) src(%dma_wait3A_120 : memref<50000x64xf32, #tpu.memory_space<hbm>>) dst(%arg11 : memref<125x64xf32, #tpu.memory_space<vmem>>)
      %add3A_121 = arith.constant 0 : i32
      %add3A_122 = arith.addi %mul3A_76, %add3A_121 : i32
      %dma_start3A_123 = arith.constant 0 : i32
      %dma_start3A_124 = tpu.memref_slice %arg10[%add3A_122, %dma_start3A_123] : memref<80x125xi32, #tpu.memory_space<vmem>> -> memref<1x125xi32, #tpu.memory_space<vmem>>
      %dma_start3A_125 = tpu.memref_squeeze %dma_start3A_124 : memref<1x125xi32, #tpu.memory_space<vmem>> -> memref<125xi32, #tpu.memory_space<vmem>>
      %dma_start3A_126 = arith.constant 0 : i32
      %dma_start3A_127 = arith.constant 0 : i32
      %dma_start3A_128 = tpu.memref_slice %arg20[%dma_start3A_126, %dma_start3A_127] : memref<10240x64xf32, #tpu.memory_space<vmem_shared>> -> memref<10240x64xf32, #tpu.memory_space<vmem_shared>>
      tpu.enqueue_indirect_dma source(%arg11 : memref<125x64xf32, #tpu.memory_space<vmem>>) target(%dma_start3A_128 : memref<10240x64xf32, #tpu.memory_space<vmem_shared>>) offsets(%dma_start3A_125 : memref<125xi32, #tpu.memory_space<vmem>>) semaphore(%arg26 : memref<!tpu.dma_semaphore, #tpu.memory_space<semaphore_mem>>) {add = true}
      %dma_wait3A_129 = arith.constant 0 : i32
      %dma_wait3A_130 = tpu.memref_slice %arg9[%add3A_85, %dma_wait3A_129] : memref<80x125xi32, #tpu.memory_space<vmem>> -> memref<1x125xi32, #tpu.memory_space<vmem>>
      %dma_wait3A_131 = tpu.memref_squeeze %dma_wait3A_130 : memref<1x125xi32, #tpu.memory_space<vmem>> -> memref<125xi32, #tpu.memory_space<vmem>>
      %dma_wait3A_132 = arith.constant 0 : i32
      %dma_wait3A_133 = arith.constant 0 : i32
      %dma_wait3A_134 = tpu.memref_slice %arg2[%dma_wait3A_132, %dma_wait3A_133] : memref<50000x64xf32, #tpu.memory_space<hbm>> -> memref<50000x64xf32, #tpu.memory_space<hbm>>
      tpu.wait_indirect_dma semaphore(%arg22 : memref<!tpu.dma_semaphore, #tpu.memory_space<semaphore_mem>>) src(%dma_wait3A_134 : memref<50000x64xf32, #tpu.memory_space<hbm>>) dst(%arg12 : memref<125x64xf32, #tpu.memory_space<vmem>>)
      %add3A_135 = arith.constant 1 : i32
      %add3A_136 = arith.addi %mul3A_76, %add3A_135 : i32
      %dma_start3A_137 = arith.constant 0 : i32
      %dma_start3A_138 = tpu.memref_slice %arg10[%add3A_136, %dma_start3A_137] : memref<80x125xi32, #tpu.memory_space<vmem>> -> memref<1x125xi32, #tpu.memory_space<vmem>>
      %dma_start3A_139 = tpu.memref_squeeze %dma_start3A_138 : memref<1x125xi32, #tpu.memory_space<vmem>> -> memref<125xi32, #tpu.memory_space<vmem>>
      %dma_start3A_140 = arith.constant 0 : i32
      %dma_start3A_141 = arith.constant 0 : i32
      %dma_start3A_142 = tpu.memref_slice %arg20[%dma_start3A_140, %dma_start3A_141] : memref<10240x64xf32, #tpu.memory_space<vmem_shared>> -> memref<10240x64xf32, #tpu.memory_space<vmem_shared>>
      tpu.enqueue_indirect_dma source(%arg12 : memref<125x64xf32, #tpu.memory_space<vmem>>) target(%dma_start3A_142 : memref<10240x64xf32, #tpu.memory_space<vmem_shared>>) offsets(%dma_start3A_139 : memref<125xi32, #tpu.memory_space<vmem>>) semaphore(%arg27 : memref<!tpu.dma_semaphore, #tpu.memory_space<semaphore_mem>>) {add = true}
      %dma_wait3A_143 = arith.constant 0 : i32
      %dma_wait3A_144 = tpu.memref_slice %arg9[%add3A_93, %dma_wait3A_143] : memref<80x125xi32, #tpu.memory_space<vmem>> -> memref<1x125xi32, #tpu.memory_space<vmem>>
      %dma_wait3A_145 = tpu.memref_squeeze %dma_wait3A_144 : memref<1x125xi32, #tpu.memory_space<vmem>> -> memref<125xi32, #tpu.memory_space<vmem>>
      %dma_wait3A_146 = arith.constant 0 : i32
      %dma_wait3A_147 = arith.constant 0 : i32
      %dma_wait3A_148 = tpu.memref_slice %arg2[%dma_wait3A_146, %dma_wait3A_147] : memref<50000x64xf32, #tpu.memory_space<hbm>> -> memref<50000x64xf32, #tpu.memory_space<hbm>>
      tpu.wait_indirect_dma semaphore(%arg23 : memref<!tpu.dma_semaphore, #tpu.memory_space<semaphore_mem>>) src(%dma_wait3A_148 : memref<50000x64xf32, #tpu.memory_space<hbm>>) dst(%arg13 : memref<125x64xf32, #tpu.memory_space<vmem>>)
      %add3A_149 = arith.constant 2 : i32
      %add3A_150 = arith.addi %mul3A_76, %add3A_149 : i32
      %dma_start3A_151 = arith.constant 0 : i32
      %dma_start3A_152 = tpu.memref_slice %arg10[%add3A_150, %dma_start3A_151] : memref<80x125xi32, #tpu.memory_space<vmem>> -> memref<1x125xi32, #tpu.memory_space<vmem>>
      %dma_start3A_153 = tpu.memref_squeeze %dma_start3A_152 : memref<1x125xi32, #tpu.memory_space<vmem>> -> memref<125xi32, #tpu.memory_space<vmem>>
      %dma_start3A_154 = arith.constant 0 : i32
      %dma_start3A_155 = arith.constant 0 : i32
      %dma_start3A_156 = tpu.memref_slice %arg20[%dma_start3A_154, %dma_start3A_155] : memref<10240x64xf32, #tpu.memory_space<vmem_shared>> -> memref<10240x64xf32, #tpu.memory_space<vmem_shared>>
      tpu.enqueue_indirect_dma source(%arg13 : memref<125x64xf32, #tpu.memory_space<vmem>>) target(%dma_start3A_156 : memref<10240x64xf32, #tpu.memory_space<vmem_shared>>) offsets(%dma_start3A_153 : memref<125xi32, #tpu.memory_space<vmem>>) semaphore(%arg28 : memref<!tpu.dma_semaphore, #tpu.memory_space<semaphore_mem>>) {add = true}
      %dma_wait3A_157 = arith.constant 0 : i32
      %dma_wait3A_158 = tpu.memref_slice %arg9[%add3A_101, %dma_wait3A_157] : memref<80x125xi32, #tpu.memory_space<vmem>> -> memref<1x125xi32, #tpu.memory_space<vmem>>
      %dma_wait3A_159 = tpu.memref_squeeze %dma_wait3A_158 : memref<1x125xi32, #tpu.memory_space<vmem>> -> memref<125xi32, #tpu.memory_space<vmem>>
      %dma_wait3A_160 = arith.constant 0 : i32
      %dma_wait3A_161 = arith.constant 0 : i32
      %dma_wait3A_162 = tpu.memref_slice %arg2[%dma_wait3A_160, %dma_wait3A_161] : memref<50000x64xf32, #tpu.memory_space<hbm>> -> memref<50000x64xf32, #tpu.memory_space<hbm>>
      tpu.wait_indirect_dma semaphore(%arg24 : memref<!tpu.dma_semaphore, #tpu.memory_space<semaphore_mem>>) src(%dma_wait3A_162 : memref<50000x64xf32, #tpu.memory_space<hbm>>) dst(%arg14 : memref<125x64xf32, #tpu.memory_space<vmem>>)
      %add3A_163 = arith.constant 3 : i32
      %add3A_164 = arith.addi %mul3A_76, %add3A_163 : i32
      %dma_start3A_165 = arith.constant 0 : i32
      %dma_start3A_166 = tpu.memref_slice %arg10[%add3A_164, %dma_start3A_165] : memref<80x125xi32, #tpu.memory_space<vmem>> -> memref<1x125xi32, #tpu.memory_space<vmem>>
      %dma_start3A_167 = tpu.memref_squeeze %dma_start3A_166 : memref<1x125xi32, #tpu.memory_space<vmem>> -> memref<125xi32, #tpu.memory_space<vmem>>
      %dma_start3A_168 = arith.constant 0 : i32
      %dma_start3A_169 = arith.constant 0 : i32
      %dma_start3A_170 = tpu.memref_slice %arg20[%dma_start3A_168, %dma_start3A_169] : memref<10240x64xf32, #tpu.memory_space<vmem_shared>> -> memref<10240x64xf32, #tpu.memory_space<vmem_shared>>
      tpu.enqueue_indirect_dma source(%arg14 : memref<125x64xf32, #tpu.memory_space<vmem>>) target(%dma_start3A_170 : memref<10240x64xf32, #tpu.memory_space<vmem_shared>>) offsets(%dma_start3A_167 : memref<125xi32, #tpu.memory_space<vmem>>) semaphore(%arg29 : memref<!tpu.dma_semaphore, #tpu.memory_space<semaphore_mem>>) {add = true}
      %dma_wait3A_171 = arith.constant 0 : i32
      %dma_wait3A_172 = tpu.memref_slice %arg9[%add3A_109, %dma_wait3A_171] : memref<80x125xi32, #tpu.memory_space<vmem>> -> memref<1x125xi32, #tpu.memory_space<vmem>>
      %dma_wait3A_173 = tpu.memref_squeeze %dma_wait3A_172 : memref<1x125xi32, #tpu.memory_space<vmem>> -> memref<125xi32, #tpu.memory_space<vmem>>
      %dma_wait3A_174 = arith.constant 0 : i32
      %dma_wait3A_175 = arith.constant 0 : i32
      %dma_wait3A_176 = tpu.memref_slice %arg2[%dma_wait3A_174, %dma_wait3A_175] : memref<50000x64xf32, #tpu.memory_space<hbm>> -> memref<50000x64xf32, #tpu.memory_space<hbm>>
      tpu.wait_indirect_dma semaphore(%arg25 : memref<!tpu.dma_semaphore, #tpu.memory_space<semaphore_mem>>) src(%dma_wait3A_176 : memref<50000x64xf32, #tpu.memory_space<hbm>>) dst(%arg15 : memref<125x64xf32, #tpu.memory_space<vmem>>)
      %add3A_177 = arith.constant 4 : i32
      %add3A_178 = arith.addi %mul3A_76, %add3A_177 : i32
      %dma_start3A_179 = arith.constant 0 : i32
      %dma_start3A_180 = tpu.memref_slice %arg10[%add3A_178, %dma_start3A_179] : memref<80x125xi32, #tpu.memory_space<vmem>> -> memref<1x125xi32, #tpu.memory_space<vmem>>
      %dma_start3A_181 = tpu.memref_squeeze %dma_start3A_180 : memref<1x125xi32, #tpu.memory_space<vmem>> -> memref<125xi32, #tpu.memory_space<vmem>>
      %dma_start3A_182 = arith.constant 0 : i32
      %dma_start3A_183 = arith.constant 0 : i32
      %dma_start3A_184 = tpu.memref_slice %arg20[%dma_start3A_182, %dma_start3A_183] : memref<10240x64xf32, #tpu.memory_space<vmem_shared>> -> memref<10240x64xf32, #tpu.memory_space<vmem_shared>>
      tpu.enqueue_indirect_dma source(%arg15 : memref<125x64xf32, #tpu.memory_space<vmem>>) target(%dma_start3A_184 : memref<10240x64xf32, #tpu.memory_space<vmem_shared>>) offsets(%dma_start3A_181 : memref<125xi32, #tpu.memory_space<vmem>>) semaphore(%arg30 : memref<!tpu.dma_semaphore, #tpu.memory_space<semaphore_mem>>) {add = true}
      %dma_wait3A_185 = arith.constant 0 : i32
      %dma_wait3A_186 = tpu.memref_slice %arg10[%add3A_122, %dma_wait3A_185] : memref<80x125xi32, #tpu.memory_space<vmem>> -> memref<1x125xi32, #tpu.memory_space<vmem>>
      %dma_wait3A_187 = tpu.memref_squeeze %dma_wait3A_186 : memref<1x125xi32, #tpu.memory_space<vmem>> -> memref<125xi32, #tpu.memory_space<vmem>>
      %dma_wait3A_188 = arith.constant 0 : i32
      %dma_wait3A_189 = arith.constant 0 : i32
      %dma_wait3A_190 = tpu.memref_slice %arg20[%dma_wait3A_188, %dma_wait3A_189] : memref<10240x64xf32, #tpu.memory_space<vmem_shared>> -> memref<10240x64xf32, #tpu.memory_space<vmem_shared>>
      tpu.wait_indirect_dma semaphore(%arg26 : memref<!tpu.dma_semaphore, #tpu.memory_space<semaphore_mem>>) src(%arg11 : memref<125x64xf32, #tpu.memory_space<vmem>>) dst(%dma_wait3A_190 : memref<10240x64xf32, #tpu.memory_space<vmem_shared>>)
      %dma_wait3A_191 = arith.constant 0 : i32
      %dma_wait3A_192 = tpu.memref_slice %arg10[%add3A_136, %dma_wait3A_191] : memref<80x125xi32, #tpu.memory_space<vmem>> -> memref<1x125xi32, #tpu.memory_space<vmem>>
      %dma_wait3A_193 = tpu.memref_squeeze %dma_wait3A_192 : memref<1x125xi32, #tpu.memory_space<vmem>> -> memref<125xi32, #tpu.memory_space<vmem>>
      %dma_wait3A_194 = arith.constant 0 : i32
      %dma_wait3A_195 = arith.constant 0 : i32
      %dma_wait3A_196 = tpu.memref_slice %arg20[%dma_wait3A_194, %dma_wait3A_195] : memref<10240x64xf32, #tpu.memory_space<vmem_shared>> -> memref<10240x64xf32, #tpu.memory_space<vmem_shared>>
      tpu.wait_indirect_dma semaphore(%arg27 : memref<!tpu.dma_semaphore, #tpu.memory_space<semaphore_mem>>) src(%arg12 : memref<125x64xf32, #tpu.memory_space<vmem>>) dst(%dma_wait3A_196 : memref<10240x64xf32, #tpu.memory_space<vmem_shared>>)
      %dma_wait3A_197 = arith.constant 0 : i32
      %dma_wait3A_198 = tpu.memref_slice %arg10[%add3A_150, %dma_wait3A_197] : memref<80x125xi32, #tpu.memory_space<vmem>> -> memref<1x125xi32, #tpu.memory_space<vmem>>
      %dma_wait3A_199 = tpu.memref_squeeze %dma_wait3A_198 : memref<1x125xi32, #tpu.memory_space<vmem>> -> memref<125xi32, #tpu.memory_space<vmem>>
      %dma_wait3A_200 = arith.constant 0 : i32
      %dma_wait3A_201 = arith.constant 0 : i32
      %dma_wait3A_202 = tpu.memref_slice %arg20[%dma_wait3A_200, %dma_wait3A_201] : memref<10240x64xf32, #tpu.memory_space<vmem_shared>> -> memref<10240x64xf32, #tpu.memory_space<vmem_shared>>
      tpu.wait_indirect_dma semaphore(%arg28 : memref<!tpu.dma_semaphore, #tpu.memory_space<semaphore_mem>>) src(%arg13 : memref<125x64xf32, #tpu.memory_space<vmem>>) dst(%dma_wait3A_202 : memref<10240x64xf32, #tpu.memory_space<vmem_shared>>)
      %dma_wait3A_203 = arith.constant 0 : i32
      %dma_wait3A_204 = tpu.memref_slice %arg10[%add3A_164, %dma_wait3A_203] : memref<80x125xi32, #tpu.memory_space<vmem>> -> memref<1x125xi32, #tpu.memory_space<vmem>>
      %dma_wait3A_205 = tpu.memref_squeeze %dma_wait3A_204 : memref<1x125xi32, #tpu.memory_space<vmem>> -> memref<125xi32, #tpu.memory_space<vmem>>
      %dma_wait3A_206 = arith.constant 0 : i32
      %dma_wait3A_207 = arith.constant 0 : i32
      %dma_wait3A_208 = tpu.memref_slice %arg20[%dma_wait3A_206, %dma_wait3A_207] : memref<10240x64xf32, #tpu.memory_space<vmem_shared>> -> memref<10240x64xf32, #tpu.memory_space<vmem_shared>>
      tpu.wait_indirect_dma semaphore(%arg29 : memref<!tpu.dma_semaphore, #tpu.memory_space<semaphore_mem>>) src(%arg14 : memref<125x64xf32, #tpu.memory_space<vmem>>) dst(%dma_wait3A_208 : memref<10240x64xf32, #tpu.memory_space<vmem_shared>>)
      %dma_wait3A_209 = arith.constant 0 : i32
      %dma_wait3A_210 = tpu.memref_slice %arg10[%add3A_178, %dma_wait3A_209] : memref<80x125xi32, #tpu.memory_space<vmem>> -> memref<1x125xi32, #tpu.memory_space<vmem>>
      %dma_wait3A_211 = tpu.memref_squeeze %dma_wait3A_210 : memref<1x125xi32, #tpu.memory_space<vmem>> -> memref<125xi32, #tpu.memory_space<vmem>>
      %dma_wait3A_212 = arith.constant 0 : i32
      %dma_wait3A_213 = arith.constant 0 : i32
      %dma_wait3A_214 = tpu.memref_slice %arg20[%dma_wait3A_212, %dma_wait3A_213] : memref<10240x64xf32, #tpu.memory_space<vmem_shared>> -> memref<10240x64xf32, #tpu.memory_space<vmem_shared>>
      tpu.wait_indirect_dma semaphore(%arg30 : memref<!tpu.dma_semaphore, #tpu.memory_space<semaphore_mem>>) src(%arg15 : memref<125x64xf32, #tpu.memory_space<vmem>>) dst(%dma_wait3A_214 : memref<10240x64xf32, #tpu.memory_space<vmem_shared>>)
    }
    %scan3A_68 = arith.constant 16 : i32
    %barrier3A_69 = arith.constant 0 : index
    tpu.barrier barrier_id(%barrier3A_69)
    %mul3A_70 = arith.constant 640 : i32
    %mul3A_71 = arith.muli %arg1, %mul3A_70 : i32
    %mul3A_72 = arith.constant 640 : i32
    %mul3A_73 = arith.muli %arg1, %mul3A_72 : i32
    "tpu.region"() ({
      %run_scoped3A = tpu.sem_alloc : memref<!tpu.dma_semaphore, #tpu.memory_space<semaphore_mem>>
      %dma_start3A = arith.constant 0 : i32
      %dma_start3A_74 = tpu.memref_slice %arg7[%arg0, %mul3A_73, %dma_start3A] : memref<2x10240x64xf32, #tpu.memory_space<hbm>> -> memref<1x640x64xf32, #tpu.memory_space<hbm>>
      %dma_start3A_75 = tpu.memref_squeeze %dma_start3A_74 : memref<1x640x64xf32, #tpu.memory_space<hbm>> -> memref<640x64xf32, #tpu.memory_space<hbm>>
      %dma_start3A_76 = arith.constant 0 : i32
      %dma_start3A_77 = tpu.memref_slice %arg20[%mul3A_71, %dma_start3A_76] : memref<10240x64xf32, #tpu.memory_space<vmem_shared>> -> memref<640x64xf32, #tpu.memory_space<vmem_shared>>
      tpu.enqueue_dma source(%dma_start3A_77 : memref<640x64xf32, #tpu.memory_space<vmem_shared>>) target(%dma_start3A_75 : memref<640x64xf32, #tpu.memory_space<hbm>>) target_semaphore(%run_scoped3A : memref<!tpu.dma_semaphore, #tpu.memory_space<semaphore_mem>>)
      %dma_wait3A = arith.constant 0 : i32
      %dma_wait3A_78 = tpu.memref_slice %arg7[%arg0, %mul3A_73, %dma_wait3A] : memref<2x10240x64xf32, #tpu.memory_space<hbm>> -> memref<1x640x64xf32, #tpu.memory_space<hbm>>
      %dma_wait3A_79 = tpu.memref_squeeze %dma_wait3A_78 : memref<1x640x64xf32, #tpu.memory_space<hbm>> -> memref<640x64xf32, #tpu.memory_space<hbm>>
      %dma_wait3A_80 = arith.constant 0 : i32
      %dma_wait3A_81 = tpu.memref_slice %arg20[%mul3A_71, %dma_wait3A_80] : memref<10240x64xf32, #tpu.memory_space<vmem_shared>> -> memref<640x64xf32, #tpu.memory_space<vmem_shared>>
      tpu.wait_dma2 semaphore(%run_scoped3A : memref<!tpu.dma_semaphore, #tpu.memory_space<semaphore_mem>>) src(%dma_wait3A_81 : memref<640x64xf32, #tpu.memory_space<vmem_shared>>) dst(%dma_wait3A_79 : memref<640x64xf32, #tpu.memory_space<hbm>>)
      tpu.yield
    }) : () -> ()
    return
  }
}

#map = affine_map<(d0, d1) -> (0, 0)>
module attributes {stable_mosaic.version = 14 : i64} {
  func.func @k(%arg0: i32, %arg1: i32, %arg2: memref<10240x16xf32, #tpu.memory_space<hbm>>, %arg3: memref<10240x16xi32, #tpu.memory_space<hbm>>, %arg4: memref<32x2048xf32, #tpu.memory_space<hbm>>, %arg5: memref<320x16xf32, #tpu.memory_space<vmem>>, %arg6: memref<320x16xi32, #tpu.memory_space<vmem>>, %arg7: memref<2176xf32, #tpu.memory_space<vmem>>) attributes {dimension_semantics = [#tpu.dimension_semantics<core_parallel>, #tpu.dimension_semantics<subcore_parallel>], iteration_bounds = array<i64: 2, 16>, scalar_prefetch = 0 : i64, scratch_operands = 3 : i64, tpu.core_type = #tpu.core_type<sc_vector_subcore>, window_params = [{transform_indices = #map}, {transform_indices = #map}, {transform_indices = #map}]} {
    %mul3A = arith.constant 2 : i32
    %mul3A_0 = arith.muli %arg1, %mul3A : i32
    %add3A = arith.addi %mul3A_0, %arg0 : i32
    %mul3A_1 = arith.constant 320 : i32
    %mul3A_2 = arith.muli %add3A, %mul3A_1 : i32
    "tpu.region"() ({
      %run_scoped3A = tpu.sem_alloc : memref<!tpu.dma_semaphore, #tpu.memory_space<semaphore_mem>>
      %dma_start3A = arith.constant 0 : i32
      %dma_start3A_17 = tpu.memref_slice %arg2[%mul3A_2, %dma_start3A] : memref<10240x16xf32, #tpu.memory_space<hbm>> -> memref<320x16xf32, #tpu.memory_space<hbm>>
      %dma_start3A_18 = arith.constant 0 : i32
      %dma_start3A_19 = tpu.memref_slice %arg2[%mul3A_2, %dma_start3A_18] : memref<10240x16xf32, #tpu.memory_space<hbm>> -> memref<320x16xf32, #tpu.memory_space<hbm>>
      tpu.enqueue_dma source(%dma_start3A_19 : memref<320x16xf32, #tpu.memory_space<hbm>>) target(%arg5 : memref<320x16xf32, #tpu.memory_space<vmem>>) target_semaphore(%run_scoped3A : memref<!tpu.dma_semaphore, #tpu.memory_space<semaphore_mem>>)
      %dma_wait3A = arith.constant 0 : i32
      %dma_wait3A_20 = tpu.memref_slice %arg2[%mul3A_2, %dma_wait3A] : memref<10240x16xf32, #tpu.memory_space<hbm>> -> memref<320x16xf32, #tpu.memory_space<hbm>>
      %dma_wait3A_21 = arith.constant 0 : i32
      %dma_wait3A_22 = tpu.memref_slice %arg2[%mul3A_2, %dma_wait3A_21] : memref<10240x16xf32, #tpu.memory_space<hbm>> -> memref<320x16xf32, #tpu.memory_space<hbm>>
      tpu.wait_dma2 semaphore(%run_scoped3A : memref<!tpu.dma_semaphore, #tpu.memory_space<semaphore_mem>>) src(%dma_wait3A_22 : memref<320x16xf32, #tpu.memory_space<hbm>>) dst(%arg5 : memref<320x16xf32, #tpu.memory_space<vmem>>)
      tpu.yield
    }) : () -> ()
    %mul3A_3 = arith.constant 320 : i32
    %mul3A_4 = arith.muli %add3A, %mul3A_3 : i32
    "tpu.region"() ({
      %run_scoped3A = tpu.sem_alloc : memref<!tpu.dma_semaphore, #tpu.memory_space<semaphore_mem>>
      %dma_start3A = arith.constant 0 : i32
      %dma_start3A_17 = tpu.memref_slice %arg3[%mul3A_4, %dma_start3A] : memref<10240x16xi32, #tpu.memory_space<hbm>> -> memref<320x16xi32, #tpu.memory_space<hbm>>
      %dma_start3A_18 = arith.constant 0 : i32
      %dma_start3A_19 = tpu.memref_slice %arg3[%mul3A_4, %dma_start3A_18] : memref<10240x16xi32, #tpu.memory_space<hbm>> -> memref<320x16xi32, #tpu.memory_space<hbm>>
      tpu.enqueue_dma source(%dma_start3A_19 : memref<320x16xi32, #tpu.memory_space<hbm>>) target(%arg6 : memref<320x16xi32, #tpu.memory_space<vmem>>) target_semaphore(%run_scoped3A : memref<!tpu.dma_semaphore, #tpu.memory_space<semaphore_mem>>)
      %dma_wait3A = arith.constant 0 : i32
      %dma_wait3A_20 = tpu.memref_slice %arg3[%mul3A_4, %dma_wait3A] : memref<10240x16xi32, #tpu.memory_space<hbm>> -> memref<320x16xi32, #tpu.memory_space<hbm>>
      %dma_wait3A_21 = arith.constant 0 : i32
      %dma_wait3A_22 = tpu.memref_slice %arg3[%mul3A_4, %dma_wait3A_21] : memref<10240x16xi32, #tpu.memory_space<hbm>> -> memref<320x16xi32, #tpu.memory_space<hbm>>
      tpu.wait_dma2 semaphore(%run_scoped3A : memref<!tpu.dma_semaphore, #tpu.memory_space<semaphore_mem>>) src(%dma_wait3A_22 : memref<320x16xi32, #tpu.memory_space<hbm>>) dst(%arg6 : memref<320x16xi32, #tpu.memory_space<vmem>>)
      tpu.yield
    }) : () -> ()
    %broadcast_in_dim3A = arith.constant 0xFF800000 : f32
    %broadcast_in_dim3A_5 = vector.broadcast %broadcast_in_dim3A : f32 to vector<16xf32>
    %scan3A = arith.constant 0 : i32
    %scan3A_6 = arith.constant 0 : i32
    %scan3A_7 = arith.constant 136 : i32
    %scan3A_8 = arith.addi %scan3A_6, %scan3A_7 : i32
    %scan3A_9 = arith.constant 1 : i32
    scf.for %scan3A_17 = %scan3A_6 to %scan3A_8 step %scan3A_9  : i32 {
      %mul3A_18 = arith.constant 16 : i32
      %mul3A_19 = arith.muli %scan3A_17, %mul3A_18 : i32
      %swap3A = arith.index_cast %mul3A_19 : i32 to index
      %swap3A_20 = tpu.vector_load %arg7[%swap3A] {strides = array<i32>} : memref<2176xf32, #tpu.memory_space<vmem>>, vector<16xf32>,
      tpu.vector_store %arg7[%swap3A], %broadcast_in_dim3A_5 {strides = array<i32>} : memref<2176xf32, #tpu.memory_space<vmem>>, vector<16xf32>,
    }
    %scan3A_10 = arith.constant 136 : i32
    %scan3A_11 = arith.constant 0 : i32
    %scan3A_12 = arith.constant 0 : i32
    %scan3A_13 = arith.constant 320 : i32
    %scan3A_14 = arith.addi %scan3A_12, %scan3A_13 : i32
    %scan3A_15 = arith.constant 1 : i32
    scf.for %scan3A_17 = %scan3A_12 to %scan3A_14 step %scan3A_15  : i32 {
      %get3A = arith.index_cast %scan3A_17 : i32 to index
      %get3A_18 = arith.constant 0 : index
      %get3A_19 = tpu.vector_load %arg6[%get3A, %get3A_18] {strides = array<i32>} : memref<320x16xi32, #tpu.memory_space<vmem>>, vector<16xi32>,
      %gather3A = tpu.vector_load_idx %arg7[%get3A_19] : memref<2176xf32, #tpu.memory_space<vmem>>[vector<16xi32>], vector<16xf32>,
      %get3A_20 = arith.index_cast %scan3A_17 : i32 to index
      %get3A_21 = arith.constant 0 : index
      %get3A_22 = tpu.vector_load %arg5[%get3A_20, %get3A_21] {strides = array<i32>} : memref<320x16xf32, #tpu.memory_space<vmem>>, vector<16xf32>,
      %max3A = arith.maximumf %gather3A, %get3A_22 : vector<16xf32>
      tpu.vector_store_idx %arg7[%get3A_19], %max3A : memref<2176xf32, #tpu.memory_space<vmem>>[vector<16xi32>], vector<16xf32>,
    }
    %scan3A_16 = arith.constant 320 : i32
    "tpu.region"() ({
      %run_scoped3A = tpu.sem_alloc : memref<!tpu.dma_semaphore, #tpu.memory_space<semaphore_mem>>
      %dma_start3A = arith.constant 0 : i32
      %dma_start3A_17 = tpu.memref_slice %arg7[%dma_start3A] : memref<2176xf32, #tpu.memory_space<vmem>> -> memref<2048xf32, #tpu.memory_space<vmem>>
      %dma_start3A_18 = arith.constant 0 : i32
      %dma_start3A_19 = tpu.memref_slice %arg4[%add3A, %dma_start3A_18] : memref<32x2048xf32, #tpu.memory_space<hbm>> -> memref<1x2048xf32, #tpu.memory_space<hbm>>
      %dma_start3A_20 = tpu.memref_squeeze %dma_start3A_19 : memref<1x2048xf32, #tpu.memory_space<hbm>> -> memref<2048xf32, #tpu.memory_space<hbm>>
      %dma_start3A_21 = arith.constant 0 : i32
      %dma_start3A_22 = tpu.memref_slice %arg4[%add3A, %dma_start3A_21] : memref<32x2048xf32, #tpu.memory_space<hbm>> -> memref<1x2048xf32, #tpu.memory_space<hbm>>
      %dma_start3A_23 = tpu.memref_squeeze %dma_start3A_22 : memref<1x2048xf32, #tpu.memory_space<hbm>> -> memref<2048xf32, #tpu.memory_space<hbm>>
      %dma_start3A_24 = arith.constant 0 : i32
      %dma_start3A_25 = tpu.memref_slice %arg7[%dma_start3A_24] : memref<2176xf32, #tpu.memory_space<vmem>> -> memref<2048xf32, #tpu.memory_space<vmem>>
      tpu.enqueue_dma source(%dma_start3A_25 : memref<2048xf32, #tpu.memory_space<vmem>>) target(%dma_start3A_23 : memref<2048xf32, #tpu.memory_space<hbm>>) target_semaphore(%run_scoped3A : memref<!tpu.dma_semaphore, #tpu.memory_space<semaphore_mem>>)
      %dma_wait3A = arith.constant 0 : i32
      %dma_wait3A_26 = tpu.memref_slice %arg7[%dma_wait3A] : memref<2176xf32, #tpu.memory_space<vmem>> -> memref<2048xf32, #tpu.memory_space<vmem>>
      %dma_wait3A_27 = arith.constant 0 : i32
      %dma_wait3A_28 = tpu.memref_slice %arg4[%add3A, %dma_wait3A_27] : memref<32x2048xf32, #tpu.memory_space<hbm>> -> memref<1x2048xf32, #tpu.memory_space<hbm>>
      %dma_wait3A_29 = tpu.memref_squeeze %dma_wait3A_28 : memref<1x2048xf32, #tpu.memory_space<hbm>> -> memref<2048xf32, #tpu.memory_space<hbm>>
      %dma_wait3A_30 = arith.constant 0 : i32
      %dma_wait3A_31 = tpu.memref_slice %arg4[%add3A, %dma_wait3A_30] : memref<32x2048xf32, #tpu.memory_space<hbm>> -> memref<1x2048xf32, #tpu.memory_space<hbm>>
      %dma_wait3A_32 = tpu.memref_squeeze %dma_wait3A_31 : memref<1x2048xf32, #tpu.memory_space<hbm>> -> memref<2048xf32, #tpu.memory_space<hbm>>
      %dma_wait3A_33 = arith.constant 0 : i32
      %dma_wait3A_34 = tpu.memref_slice %arg7[%dma_wait3A_33] : memref<2176xf32, #tpu.memory_space<vmem>> -> memref<2048xf32, #tpu.memory_space<vmem>>
      tpu.wait_dma2 semaphore(%run_scoped3A : memref<!tpu.dma_semaphore, #tpu.memory_space<semaphore_mem>>) src(%dma_wait3A_34 : memref<2048xf32, #tpu.memory_space<vmem>>) dst(%dma_wait3A_32 : memref<2048xf32, #tpu.memory_space<hbm>>)
      tpu.yield
    }) : () -> ()
    return
  }
}

#map = affine_map<(d0, d1) -> (0, 0)>
#map1 = affine_map<(d0, d1) -> (0, 0, 0)>
module attributes {stable_mosaic.version = 14 : i64} {
  func.func @k(%arg0: i32, %arg1: i32, %arg2: memref<50000x64xf32, #tpu.memory_space<hbm>>, %arg3: memref<32x80x125xi32, #tpu.memory_space<hbm>>, %arg4: memref<32x80x125xi32, #tpu.memory_space<hbm>>, %arg5: memref<10240x16xf32, #tpu.memory_space<hbm>>, %arg6: memref<10240x16xi32, #tpu.memory_space<hbm>>, %arg7: memref<2x10240x64xf32, #tpu.memory_space<hbm>>, %arg8: memref<32x2048xf32, #tpu.memory_space<hbm>>, %arg9: memref<80x125xi32, #tpu.memory_space<vmem>>, %arg10: memref<80x125xi32, #tpu.memory_space<vmem>>, %arg11: memref<125x64xf32, #tpu.memory_space<vmem>>, %arg12: memref<125x64xf32, #tpu.memory_space<vmem>>, %arg13: memref<125x64xf32, #tpu.memory_space<vmem>>, %arg14: memref<125x64xf32, #tpu.memory_space<vmem>>, %arg15: memref<125x64xf32, #tpu.memory_space<vmem>>, %arg16: memref<64x64xf32, #tpu.memory_space<vmem>>, %arg17: memref<320x16xf32, #tpu.memory_space<vmem>>, %arg18: memref<320x16xi32, #tpu.memory_space<vmem>>, %arg19: memref<2176xf32, #tpu.memory_space<vmem>>, %arg20: memref<10240x64xf32, #tpu.memory_space<vmem_shared>>, %arg21: memref<!tpu.dma_semaphore, #tpu.memory_space<semaphore_mem>>, %arg22: memref<!tpu.dma_semaphore, #tpu.memory_space<semaphore_mem>>, %arg23: memref<!tpu.dma_semaphore, #tpu.memory_space<semaphore_mem>>, %arg24: memref<!tpu.dma_semaphore, #tpu.memory_space<semaphore_mem>>, %arg25: memref<!tpu.dma_semaphore, #tpu.memory_space<semaphore_mem>>, %arg26: memref<!tpu.dma_semaphore, #tpu.memory_space<semaphore_mem>>, %arg27: memref<!tpu.dma_semaphore, #tpu.memory_space<semaphore_mem>>, %arg28: memref<!tpu.dma_semaphore, #tpu.memory_space<semaphore_mem>>, %arg29: memref<!tpu.dma_semaphore, #tpu.memory_space<semaphore_mem>>, %arg30: memref<!tpu.dma_semaphore, #tpu.memory_space<semaphore_mem>>) attributes {dimension_semantics = [#tpu.dimension_semantics<core_parallel>, #tpu.dimension_semantics<subcore_parallel>], iteration_bounds = array<i64: 2, 16>, scalar_prefetch = 0 : i64, scratch_operands = 22 : i64, tpu.core_type = #tpu.core_type<sc_vector_subcore>, window_params = [{transform_indices = #map}, {transform_indices = #map1}, {transform_indices = #map1}, {transform_indices = #map}, {transform_indices = #map}, {transform_indices = #map1}, {transform_indices = #map}]} {
    %mul3A = arith.constant 2 : i32
    %mul3A_0 = arith.muli %arg1, %mul3A : i32
    %add3A = arith.addi %mul3A_0, %arg0 : i32
    "tpu.region"() ({
      %run_scoped3A = tpu.sem_alloc : memref<!tpu.dma_semaphore, #tpu.memory_space<semaphore_mem>>
      %dma_start3A = arith.constant 0 : i32
      %dma_start3A_74 = arith.constant 0 : i32
      %dma_start3A_75 = tpu.memref_slice %arg3[%add3A, %dma_start3A, %dma_start3A_74] : memref<32x80x125xi32, #tpu.memory_space<hbm>> -> memref<1x80x125xi32, #tpu.memory_space<hbm>>
      %dma_start3A_76 = tpu.memref_squeeze %dma_start3A_75 : memref<1x80x125xi32, #tpu.memory_space<hbm>> -> memref<80x125xi32, #tpu.memory_space<hbm>>
      %dma_start3A_77 = arith.constant 0 : i32
      %dma_start3A_78 = arith.constant 0 : i32
      %dma_start3A_79 = tpu.memref_slice %arg3[%add3A, %dma_start3A_77, %dma_start3A_78] : memref<32x80x125xi32, #tpu.memory_space<hbm>> -> memref<1x80x125xi32, #tpu.memory_space<hbm>>
      %dma_start3A_80 = tpu.memref_squeeze %dma_start3A_79 : memref<1x80x125xi32, #tpu.memory_space<hbm>> -> memref<80x125xi32, #tpu.memory_space<hbm>>
      tpu.enqueue_dma source(%dma_start3A_80 : memref<80x125xi32, #tpu.memory_space<hbm>>) target(%arg9 : memref<80x125xi32, #tpu.memory_space<vmem>>) target_semaphore(%run_scoped3A : memref<!tpu.dma_semaphore, #tpu.memory_space<semaphore_mem>>)
      %dma_wait3A = arith.constant 0 : i32
      %dma_wait3A_81 = arith.constant 0 : i32
      %dma_wait3A_82 = tpu.memref_slice %arg3[%add3A, %dma_wait3A, %dma_wait3A_81] : memref<32x80x125xi32, #tpu.memory_space<hbm>> -> memref<1x80x125xi32, #tpu.memory_space<hbm>>
      %dma_wait3A_83 = tpu.memref_squeeze %dma_wait3A_82 : memref<1x80x125xi32, #tpu.memory_space<hbm>> -> memref<80x125xi32, #tpu.memory_space<hbm>>
      %dma_wait3A_84 = arith.constant 0 : i32
      %dma_wait3A_85 = arith.constant 0 : i32
      %dma_wait3A_86 = tpu.memref_slice %arg3[%add3A, %dma_wait3A_84, %dma_wait3A_85] : memref<32x80x125xi32, #tpu.memory_space<hbm>> -> memref<1x80x125xi32, #tpu.memory_space<hbm>>
      %dma_wait3A_87 = tpu.memref_squeeze %dma_wait3A_86 : memref<1x80x125xi32, #tpu.memory_space<hbm>> -> memref<80x125xi32, #tpu.memory_space<hbm>>
      tpu.wait_dma2 semaphore(%run_scoped3A : memref<!tpu.dma_semaphore, #tpu.memory_space<semaphore_mem>>) src(%dma_wait3A_87 : memref<80x125xi32, #tpu.memory_space<hbm>>) dst(%arg9 : memref<80x125xi32, #tpu.memory_space<vmem>>)
      tpu.yield
    }) : () -> ()
    "tpu.region"() ({
      %run_scoped3A = tpu.sem_alloc : memref<!tpu.dma_semaphore, #tpu.memory_space<semaphore_mem>>
      %dma_start3A = arith.constant 0 : i32
      %dma_start3A_74 = arith.constant 0 : i32
      %dma_start3A_75 = tpu.memref_slice %arg4[%add3A, %dma_start3A, %dma_start3A_74] : memref<32x80x125xi32, #tpu.memory_space<hbm>> -> memref<1x80x125xi32, #tpu.memory_space<hbm>>
      %dma_start3A_76 = tpu.memref_squeeze %dma_start3A_75 : memref<1x80x125xi32, #tpu.memory_space<hbm>> -> memref<80x125xi32, #tpu.memory_space<hbm>>
      %dma_start3A_77 = arith.constant 0 : i32
      %dma_start3A_78 = arith.constant 0 : i32
      %dma_start3A_79 = tpu.memref_slice %arg4[%add3A, %dma_start3A_77, %dma_start3A_78] : memref<32x80x125xi32, #tpu.memory_space<hbm>> -> memref<1x80x125xi32, #tpu.memory_space<hbm>>
      %dma_start3A_80 = tpu.memref_squeeze %dma_start3A_79 : memref<1x80x125xi32, #tpu.memory_space<hbm>> -> memref<80x125xi32, #tpu.memory_space<hbm>>
      tpu.enqueue_dma source(%dma_start3A_80 : memref<80x125xi32, #tpu.memory_space<hbm>>) target(%arg10 : memref<80x125xi32, #tpu.memory_space<vmem>>) target_semaphore(%run_scoped3A : memref<!tpu.dma_semaphore, #tpu.memory_space<semaphore_mem>>)
      %dma_wait3A = arith.constant 0 : i32
      %dma_wait3A_81 = arith.constant 0 : i32
      %dma_wait3A_82 = tpu.memref_slice %arg4[%add3A, %dma_wait3A, %dma_wait3A_81] : memref<32x80x125xi32, #tpu.memory_space<hbm>> -> memref<1x80x125xi32, #tpu.memory_space<hbm>>
      %dma_wait3A_83 = tpu.memref_squeeze %dma_wait3A_82 : memref<1x80x125xi32, #tpu.memory_space<hbm>> -> memref<80x125xi32, #tpu.memory_space<hbm>>
      %dma_wait3A_84 = arith.constant 0 : i32
      %dma_wait3A_85 = arith.constant 0 : i32
      %dma_wait3A_86 = tpu.memref_slice %arg4[%add3A, %dma_wait3A_84, %dma_wait3A_85] : memref<32x80x125xi32, #tpu.memory_space<hbm>> -> memref<1x80x125xi32, #tpu.memory_space<hbm>>
      %dma_wait3A_87 = tpu.memref_squeeze %dma_wait3A_86 : memref<1x80x125xi32, #tpu.memory_space<hbm>> -> memref<80x125xi32, #tpu.memory_space<hbm>>
      tpu.wait_dma2 semaphore(%run_scoped3A : memref<!tpu.dma_semaphore, #tpu.memory_space<semaphore_mem>>) src(%dma_wait3A_87 : memref<80x125xi32, #tpu.memory_space<hbm>>) dst(%arg10 : memref<80x125xi32, #tpu.memory_space<vmem>>)
      tpu.yield
    }) : () -> ()
    %mul3A_1 = arith.constant 320 : i32
    %mul3A_2 = arith.muli %add3A, %mul3A_1 : i32
    "tpu.region"() ({
      %run_scoped3A = tpu.sem_alloc : memref<!tpu.dma_semaphore, #tpu.memory_space<semaphore_mem>>
      %dma_start3A = arith.constant 0 : i32
      %dma_start3A_74 = tpu.memref_slice %arg5[%mul3A_2, %dma_start3A] : memref<10240x16xf32, #tpu.memory_space<hbm>> -> memref<320x16xf32, #tpu.memory_space<hbm>>
      %dma_start3A_75 = arith.constant 0 : i32
      %dma_start3A_76 = tpu.memref_slice %arg5[%mul3A_2, %dma_start3A_75] : memref<10240x16xf32, #tpu.memory_space<hbm>> -> memref<320x16xf32, #tpu.memory_space<hbm>>
      tpu.enqueue_dma source(%dma_start3A_76 : memref<320x16xf32, #tpu.memory_space<hbm>>) target(%arg17 : memref<320x16xf32, #tpu.memory_space<vmem>>) target_semaphore(%run_scoped3A : memref<!tpu.dma_semaphore, #tpu.memory_space<semaphore_mem>>)
      %dma_wait3A = arith.constant 0 : i32
      %dma_wait3A_77 = tpu.memref_slice %arg5[%mul3A_2, %dma_wait3A] : memref<10240x16xf32, #tpu.memory_space<hbm>> -> memref<320x16xf32, #tpu.memory_space<hbm>>
      %dma_wait3A_78 = arith.constant 0 : i32
      %dma_wait3A_79 = tpu.memref_slice %arg5[%mul3A_2, %dma_wait3A_78] : memref<10240x16xf32, #tpu.memory_space<hbm>> -> memref<320x16xf32, #tpu.memory_space<hbm>>
      tpu.wait_dma2 semaphore(%run_scoped3A : memref<!tpu.dma_semaphore, #tpu.memory_space<semaphore_mem>>) src(%dma_wait3A_79 : memref<320x16xf32, #tpu.memory_space<hbm>>) dst(%arg17 : memref<320x16xf32, #tpu.memory_space<vmem>>)
      tpu.yield
    }) : () -> ()
    %mul3A_3 = arith.constant 320 : i32
    %mul3A_4 = arith.muli %add3A, %mul3A_3 : i32
    "tpu.region"() ({
      %run_scoped3A = tpu.sem_alloc : memref<!tpu.dma_semaphore, #tpu.memory_space<semaphore_mem>>
      %dma_start3A = arith.constant 0 : i32
      %dma_start3A_74 = tpu.memref_slice %arg6[%mul3A_4, %dma_start3A] : memref<10240x16xi32, #tpu.memory_space<hbm>> -> memref<320x16xi32, #tpu.memory_space<hbm>>
      %dma_start3A_75 = arith.constant 0 : i32
      %dma_start3A_76 = tpu.memref_slice %arg6[%mul3A_4, %dma_start3A_75] : memref<10240x16xi32, #tpu.memory_space<hbm>> -> memref<320x16xi32, #tpu.memory_space<hbm>>
      tpu.enqueue_dma source(%dma_start3A_76 : memref<320x16xi32, #tpu.memory_space<hbm>>) target(%arg18 : memref<320x16xi32, #tpu.memory_space<vmem>>) target_semaphore(%run_scoped3A : memref<!tpu.dma_semaphore, #tpu.memory_space<semaphore_mem>>)
      %dma_wait3A = arith.constant 0 : i32
      %dma_wait3A_77 = tpu.memref_slice %arg6[%mul3A_4, %dma_wait3A] : memref<10240x16xi32, #tpu.memory_space<hbm>> -> memref<320x16xi32, #tpu.memory_space<hbm>>
      %dma_wait3A_78 = arith.constant 0 : i32
      %dma_wait3A_79 = tpu.memref_slice %arg6[%mul3A_4, %dma_wait3A_78] : memref<10240x16xi32, #tpu.memory_space<hbm>> -> memref<320x16xi32, #tpu.memory_space<hbm>>
      tpu.wait_dma2 semaphore(%run_scoped3A : memref<!tpu.dma_semaphore, #tpu.memory_space<semaphore_mem>>) src(%dma_wait3A_79 : memref<320x16xi32, #tpu.memory_space<hbm>>) dst(%arg18 : memref<320x16xi32, #tpu.memory_space<vmem>>)
      tpu.yield
    }) : () -> ()
    %broadcast_in_dim3A = arith.constant 0xFF800000 : f32
    %broadcast_in_dim3A_5 = vector.broadcast %broadcast_in_dim3A : f32 to vector<16xf32>
    %scan3A = arith.constant 0 : i32
    %scan3A_6 = arith.constant 0 : i32
    %scan3A_7 = arith.constant 136 : i32
    %scan3A_8 = arith.addi %scan3A_6, %scan3A_7 : i32
    %scan3A_9 = arith.constant 1 : i32
    scf.for %scan3A_74 = %scan3A_6 to %scan3A_8 step %scan3A_9  : i32 {
      %mul3A_75 = arith.constant 16 : i32
      %mul3A_76 = arith.muli %scan3A_74, %mul3A_75 : i32
      %swap3A = arith.index_cast %mul3A_76 : i32 to index
      %swap3A_77 = tpu.vector_load %arg19[%swap3A] {strides = array<i32>} : memref<2176xf32, #tpu.memory_space<vmem>>, vector<16xf32>,
      tpu.vector_store %arg19[%swap3A], %broadcast_in_dim3A_5 {strides = array<i32>} : memref<2176xf32, #tpu.memory_space<vmem>>, vector<16xf32>,
    }
    %scan3A_10 = arith.constant 136 : i32
    %scan3A_11 = arith.constant 0 : i32
    %scan3A_12 = arith.constant 0 : i32
    %scan3A_13 = arith.constant 320 : i32
    %scan3A_14 = arith.addi %scan3A_12, %scan3A_13 : i32
    %scan3A_15 = arith.constant 1 : i32
    scf.for %scan3A_74 = %scan3A_12 to %scan3A_14 step %scan3A_15  : i32 {
      %get3A = arith.index_cast %scan3A_74 : i32 to index
      %get3A_75 = arith.constant 0 : index
      %get3A_76 = tpu.vector_load %arg18[%get3A, %get3A_75] {strides = array<i32>} : memref<320x16xi32, #tpu.memory_space<vmem>>, vector<16xi32>,
      %gather3A = tpu.vector_load_idx %arg19[%get3A_76] : memref<2176xf32, #tpu.memory_space<vmem>>[vector<16xi32>], vector<16xf32>,
      %get3A_77 = arith.index_cast %scan3A_74 : i32 to index
      %get3A_78 = arith.constant 0 : index
      %get3A_79 = tpu.vector_load %arg17[%get3A_77, %get3A_78] {strides = array<i32>} : memref<320x16xf32, #tpu.memory_space<vmem>>, vector<16xf32>,
      %max3A = arith.maximumf %gather3A, %get3A_79 : vector<16xf32>
      tpu.vector_store_idx %arg19[%get3A_76], %max3A : memref<2176xf32, #tpu.memory_space<vmem>>[vector<16xi32>], vector<16xf32>,
    }
    %scan3A_16 = arith.constant 320 : i32
    "tpu.region"() ({
      %run_scoped3A = tpu.sem_alloc : memref<!tpu.dma_semaphore, #tpu.memory_space<semaphore_mem>>
      %dma_start3A = arith.constant 0 : i32
      %dma_start3A_74 = tpu.memref_slice %arg19[%dma_start3A] : memref<2176xf32, #tpu.memory_space<vmem>> -> memref<2048xf32, #tpu.memory_space<vmem>>
      %dma_start3A_75 = arith.constant 0 : i32
      %dma_start3A_76 = tpu.memref_slice %arg8[%add3A, %dma_start3A_75] : memref<32x2048xf32, #tpu.memory_space<hbm>> -> memref<1x2048xf32, #tpu.memory_space<hbm>>
      %dma_start3A_77 = tpu.memref_squeeze %dma_start3A_76 : memref<1x2048xf32, #tpu.memory_space<hbm>> -> memref<2048xf32, #tpu.memory_space<hbm>>
      %dma_start3A_78 = arith.constant 0 : i32
      %dma_start3A_79 = tpu.memref_slice %arg8[%add3A, %dma_start3A_78] : memref<32x2048xf32, #tpu.memory_space<hbm>> -> memref<1x2048xf32, #tpu.memory_space<hbm>>
      %dma_start3A_80 = tpu.memref_squeeze %dma_start3A_79 : memref<1x2048xf32, #tpu.memory_space<hbm>> -> memref<2048xf32, #tpu.memory_space<hbm>>
      %dma_start3A_81 = arith.constant 0 : i32
      %dma_start3A_82 = tpu.memref_slice %arg19[%dma_start3A_81] : memref<2176xf32, #tpu.memory_space<vmem>> -> memref<2048xf32, #tpu.memory_space<vmem>>
      tpu.enqueue_dma source(%dma_start3A_82 : memref<2048xf32, #tpu.memory_space<vmem>>) target(%dma_start3A_80 : memref<2048xf32, #tpu.memory_space<hbm>>) target_semaphore(%run_scoped3A : memref<!tpu.dma_semaphore, #tpu.memory_space<semaphore_mem>>)
      %dma_wait3A = arith.constant 0 : i32
      %dma_wait3A_83 = tpu.memref_slice %arg19[%dma_wait3A] : memref<2176xf32, #tpu.memory_space<vmem>> -> memref<2048xf32, #tpu.memory_space<vmem>>
      %dma_wait3A_84 = arith.constant 0 : i32
      %dma_wait3A_85 = tpu.memref_slice %arg8[%add3A, %dma_wait3A_84] : memref<32x2048xf32, #tpu.memory_space<hbm>> -> memref<1x2048xf32, #tpu.memory_space<hbm>>
      %dma_wait3A_86 = tpu.memref_squeeze %dma_wait3A_85 : memref<1x2048xf32, #tpu.memory_space<hbm>> -> memref<2048xf32, #tpu.memory_space<hbm>>
      %dma_wait3A_87 = arith.constant 0 : i32
      %dma_wait3A_88 = tpu.memref_slice %arg8[%add3A, %dma_wait3A_87] : memref<32x2048xf32, #tpu.memory_space<hbm>> -> memref<1x2048xf32, #tpu.memory_space<hbm>>
      %dma_wait3A_89 = tpu.memref_squeeze %dma_wait3A_88 : memref<1x2048xf32, #tpu.memory_space<hbm>> -> memref<2048xf32, #tpu.memory_space<hbm>>
      %dma_wait3A_90 = arith.constant 0 : i32
      %dma_wait3A_91 = tpu.memref_slice %arg19[%dma_wait3A_90] : memref<2176xf32, #tpu.memory_space<vmem>> -> memref<2048xf32, #tpu.memory_space<vmem>>
      tpu.wait_dma2 semaphore(%run_scoped3A : memref<!tpu.dma_semaphore, #tpu.memory_space<semaphore_mem>>) src(%dma_wait3A_91 : memref<2048xf32, #tpu.memory_space<vmem>>) dst(%dma_wait3A_89 : memref<2048xf32, #tpu.memory_space<hbm>>)
      tpu.yield
    }) : () -> ()
    %scan3A_17 = arith.constant 0 : i32
    %scan3A_18 = arith.constant 0 : i32
    %scan3A_19 = arith.constant 64 : i32
    %scan3A_20 = arith.addi %scan3A_18, %scan3A_19 : i32
    %scan3A_21 = arith.constant 1 : i32
    scf.for %scan3A_74 = %scan3A_18 to %scan3A_20 step %scan3A_21  : i32 {
      %broadcast_in_dim3A_75 = arith.constant 0.000000e+00 : f32
      %broadcast_in_dim3A_76 = vector.broadcast %broadcast_in_dim3A_75 : f32 to vector<16xf32>
      %swap3A = arith.index_cast %scan3A_74 : i32 to index
      %swap3A_77 = arith.constant 0 : index
      %swap3A_78 = tpu.vector_load %arg16[%swap3A, %swap3A_77] {strides = array<i32>} : memref<64x64xf32, #tpu.memory_space<vmem>>, vector<16xf32>,
      tpu.vector_store %arg16[%swap3A, %swap3A_77], %broadcast_in_dim3A_76 {strides = array<i32>} : memref<64x64xf32, #tpu.memory_space<vmem>>, vector<16xf32>,
      %broadcast_in_dim3A_79 = arith.constant 0.000000e+00 : f32
      %broadcast_in_dim3A_80 = vector.broadcast %broadcast_in_dim3A_79 : f32 to vector<16xf32>
      %swap3A_81 = arith.index_cast %scan3A_74 : i32 to index
      %swap3A_82 = arith.constant 16 : index
      %swap3A_83 = tpu.vector_load %arg16[%swap3A_81, %swap3A_82] {strides = array<i32>} : memref<64x64xf32, #tpu.memory_space<vmem>>, vector<16xf32>,
      tpu.vector_store %arg16[%swap3A_81, %swap3A_82], %broadcast_in_dim3A_80 {strides = array<i32>} : memref<64x64xf32, #tpu.memory_space<vmem>>, vector<16xf32>,
      %broadcast_in_dim3A_84 = arith.constant 0.000000e+00 : f32
      %broadcast_in_dim3A_85 = vector.broadcast %broadcast_in_dim3A_84 : f32 to vector<16xf32>
      %swap3A_86 = arith.index_cast %scan3A_74 : i32 to index
      %swap3A_87 = arith.constant 32 : index
      %swap3A_88 = tpu.vector_load %arg16[%swap3A_86, %swap3A_87] {strides = array<i32>} : memref<64x64xf32, #tpu.memory_space<vmem>>, vector<16xf32>,
      tpu.vector_store %arg16[%swap3A_86, %swap3A_87], %broadcast_in_dim3A_85 {strides = array<i32>} : memref<64x64xf32, #tpu.memory_space<vmem>>, vector<16xf32>,
      %broadcast_in_dim3A_89 = arith.constant 0.000000e+00 : f32
      %broadcast_in_dim3A_90 = vector.broadcast %broadcast_in_dim3A_89 : f32 to vector<16xf32>
      %swap3A_91 = arith.index_cast %scan3A_74 : i32 to index
      %swap3A_92 = arith.constant 48 : index
      %swap3A_93 = tpu.vector_load %arg16[%swap3A_91, %swap3A_92] {strides = array<i32>} : memref<64x64xf32, #tpu.memory_space<vmem>>, vector<16xf32>,
      tpu.vector_store %arg16[%swap3A_91, %swap3A_92], %broadcast_in_dim3A_90 {strides = array<i32>} : memref<64x64xf32, #tpu.memory_space<vmem>>, vector<16xf32>,
    }
    %scan3A_22 = arith.constant 64 : i32
    %mul3A_23 = arith.constant 640 : i32
    %mul3A_24 = arith.muli %arg1, %mul3A_23 : i32
    %add3A_25 = arith.constant 0 : i32
    %add3A_26 = arith.addi %mul3A_24, %add3A_25 : i32
    "tpu.region"() ({
      %run_scoped3A = tpu.sem_alloc : memref<!tpu.dma_semaphore, #tpu.memory_space<semaphore_mem>>
      %dma_start3A = arith.constant 0 : i32
      %dma_start3A_74 = tpu.memref_slice %arg20[%add3A_26, %dma_start3A] : memref<10240x64xf32, #tpu.memory_space<vmem_shared>> -> memref<64x64xf32, #tpu.memory_space<vmem_shared>>
      %dma_start3A_75 = arith.constant 0 : i32
      %dma_start3A_76 = tpu.memref_slice %arg20[%add3A_26, %dma_start3A_75] : memref<10240x64xf32, #tpu.memory_space<vmem_shared>> -> memref<64x64xf32, #tpu.memory_space<vmem_shared>>
      tpu.enqueue_dma source(%arg16 : memref<64x64xf32, #tpu.memory_space<vmem>>) target(%dma_start3A_76 : memref<64x64xf32, #tpu.memory_space<vmem_shared>>) target_semaphore(%run_scoped3A : memref<!tpu.dma_semaphore, #tpu.memory_space<semaphore_mem>>)
      %dma_wait3A = arith.constant 0 : i32
      %dma_wait3A_77 = tpu.memref_slice %arg20[%add3A_26, %dma_wait3A] : memref<10240x64xf32, #tpu.memory_space<vmem_shared>> -> memref<64x64xf32, #tpu.memory_space<vmem_shared>>
      %dma_wait3A_78 = arith.constant 0 : i32
      %dma_wait3A_79 = tpu.memref_slice %arg20[%add3A_26, %dma_wait3A_78] : memref<10240x64xf32, #tpu.memory_space<vmem_shared>> -> memref<64x64xf32, #tpu.memory_space<vmem_shared>>
      tpu.wait_dma2 semaphore(%run_scoped3A : memref<!tpu.dma_semaphore, #tpu.memory_space<semaphore_mem>>) src(%arg16 : memref<64x64xf32, #tpu.memory_space<vmem>>) dst(%dma_wait3A_79 : memref<64x64xf32, #tpu.memory_space<vmem_shared>>)
      tpu.yield
    }) : () -> ()
    %mul3A_27 = arith.constant 640 : i32
    %mul3A_28 = arith.muli %arg1, %mul3A_27 : i32
    %add3A_29 = arith.constant 64 : i32
    %add3A_30 = arith.addi %mul3A_28, %add3A_29 : i32
    "tpu.region"() ({
      %run_scoped3A = tpu.sem_alloc : memref<!tpu.dma_semaphore, #tpu.memory_space<semaphore_mem>>
      %dma_start3A = arith.constant 0 : i32
      %dma_start3A_74 = tpu.memref_slice %arg20[%add3A_30, %dma_start3A] : memref<10240x64xf32, #tpu.memory_space<vmem_shared>> -> memref<64x64xf32, #tpu.memory_space<vmem_shared>>
      %dma_start3A_75 = arith.constant 0 : i32
      %dma_start3A_76 = tpu.memref_slice %arg20[%add3A_30, %dma_start3A_75] : memref<10240x64xf32, #tpu.memory_space<vmem_shared>> -> memref<64x64xf32, #tpu.memory_space<vmem_shared>>
      tpu.enqueue_dma source(%arg16 : memref<64x64xf32, #tpu.memory_space<vmem>>) target(%dma_start3A_76 : memref<64x64xf32, #tpu.memory_space<vmem_shared>>) target_semaphore(%run_scoped3A : memref<!tpu.dma_semaphore, #tpu.memory_space<semaphore_mem>>)
      %dma_wait3A = arith.constant 0 : i32
      %dma_wait3A_77 = tpu.memref_slice %arg20[%add3A_30, %dma_wait3A] : memref<10240x64xf32, #tpu.memory_space<vmem_shared>> -> memref<64x64xf32, #tpu.memory_space<vmem_shared>>
      %dma_wait3A_78 = arith.constant 0 : i32
      %dma_wait3A_79 = tpu.memref_slice %arg20[%add3A_30, %dma_wait3A_78] : memref<10240x64xf32, #tpu.memory_space<vmem_shared>> -> memref<64x64xf32, #tpu.memory_space<vmem_shared>>
      tpu.wait_dma2 semaphore(%run_scoped3A : memref<!tpu.dma_semaphore, #tpu.memory_space<semaphore_mem>>) src(%arg16 : memref<64x64xf32, #tpu.memory_space<vmem>>) dst(%dma_wait3A_79 : memref<64x64xf32, #tpu.memory_space<vmem_shared>>)
      tpu.yield
    }) : () -> ()
    %mul3A_31 = arith.constant 640 : i32
    %mul3A_32 = arith.muli %arg1, %mul3A_31 : i32
    %add3A_33 = arith.constant 128 : i32
    %add3A_34 = arith.addi %mul3A_32, %add3A_33 : i32
    "tpu.region"() ({
      %run_scoped3A = tpu.sem_alloc : memref<!tpu.dma_semaphore, #tpu.memory_space<semaphore_mem>>
      %dma_start3A = arith.constant 0 : i32
      %dma_start3A_74 = tpu.memref_slice %arg20[%add3A_34, %dma_start3A] : memref<10240x64xf32, #tpu.memory_space<vmem_shared>> -> memref<64x64xf32, #tpu.memory_space<vmem_shared>>
      %dma_start3A_75 = arith.constant 0 : i32
      %dma_start3A_76 = tpu.memref_slice %arg20[%add3A_34, %dma_start3A_75] : memref<10240x64xf32, #tpu.memory_space<vmem_shared>> -> memref<64x64xf32, #tpu.memory_space<vmem_shared>>
      tpu.enqueue_dma source(%arg16 : memref<64x64xf32, #tpu.memory_space<vmem>>) target(%dma_start3A_76 : memref<64x64xf32, #tpu.memory_space<vmem_shared>>) target_semaphore(%run_scoped3A : memref<!tpu.dma_semaphore, #tpu.memory_space<semaphore_mem>>)
      %dma_wait3A = arith.constant 0 : i32
      %dma_wait3A_77 = tpu.memref_slice %arg20[%add3A_34, %dma_wait3A] : memref<10240x64xf32, #tpu.memory_space<vmem_shared>> -> memref<64x64xf32, #tpu.memory_space<vmem_shared>>
      %dma_wait3A_78 = arith.constant 0 : i32
      %dma_wait3A_79 = tpu.memref_slice %arg20[%add3A_34, %dma_wait3A_78] : memref<10240x64xf32, #tpu.memory_space<vmem_shared>> -> memref<64x64xf32, #tpu.memory_space<vmem_shared>>
      tpu.wait_dma2 semaphore(%run_scoped3A : memref<!tpu.dma_semaphore, #tpu.memory_space<semaphore_mem>>) src(%arg16 : memref<64x64xf32, #tpu.memory_space<vmem>>) dst(%dma_wait3A_79 : memref<64x64xf32, #tpu.memory_space<vmem_shared>>)
      tpu.yield
    }) : () -> ()
    %mul3A_35 = arith.constant 640 : i32
    %mul3A_36 = arith.muli %arg1, %mul3A_35 : i32
    %add3A_37 = arith.constant 192 : i32
    %add3A_38 = arith.addi %mul3A_36, %add3A_37 : i32
    "tpu.region"() ({
      %run_scoped3A = tpu.sem_alloc : memref<!tpu.dma_semaphore, #tpu.memory_space<semaphore_mem>>
      %dma_start3A = arith.constant 0 : i32
      %dma_start3A_74 = tpu.memref_slice %arg20[%add3A_38, %dma_start3A] : memref<10240x64xf32, #tpu.memory_space<vmem_shared>> -> memref<64x64xf32, #tpu.memory_space<vmem_shared>>
      %dma_start3A_75 = arith.constant 0 : i32
      %dma_start3A_76 = tpu.memref_slice %arg20[%add3A_38, %dma_start3A_75] : memref<10240x64xf32, #tpu.memory_space<vmem_shared>> -> memref<64x64xf32, #tpu.memory_space<vmem_shared>>
      tpu.enqueue_dma source(%arg16 : memref<64x64xf32, #tpu.memory_space<vmem>>) target(%dma_start3A_76 : memref<64x64xf32, #tpu.memory_space<vmem_shared>>) target_semaphore(%run_scoped3A : memref<!tpu.dma_semaphore, #tpu.memory_space<semaphore_mem>>)
      %dma_wait3A = arith.constant 0 : i32
      %dma_wait3A_77 = tpu.memref_slice %arg20[%add3A_38, %dma_wait3A] : memref<10240x64xf32, #tpu.memory_space<vmem_shared>> -> memref<64x64xf32, #tpu.memory_space<vmem_shared>>
      %dma_wait3A_78 = arith.constant 0 : i32
      %dma_wait3A_79 = tpu.memref_slice %arg20[%add3A_38, %dma_wait3A_78] : memref<10240x64xf32, #tpu.memory_space<vmem_shared>> -> memref<64x64xf32, #tpu.memory_space<vmem_shared>>
      tpu.wait_dma2 semaphore(%run_scoped3A : memref<!tpu.dma_semaphore, #tpu.memory_space<semaphore_mem>>) src(%arg16 : memref<64x64xf32, #tpu.memory_space<vmem>>) dst(%dma_wait3A_79 : memref<64x64xf32, #tpu.memory_space<vmem_shared>>)
      tpu.yield
    }) : () -> ()
    %mul3A_39 = arith.constant 640 : i32
    %mul3A_40 = arith.muli %arg1, %mul3A_39 : i32
    %add3A_41 = arith.constant 256 : i32
    %add3A_42 = arith.addi %mul3A_40, %add3A_41 : i32
    "tpu.region"() ({
      %run_scoped3A = tpu.sem_alloc : memref<!tpu.dma_semaphore, #tpu.memory_space<semaphore_mem>>
      %dma_start3A = arith.constant 0 : i32
      %dma_start3A_74 = tpu.memref_slice %arg20[%add3A_42, %dma_start3A] : memref<10240x64xf32, #tpu.memory_space<vmem_shared>> -> memref<64x64xf32, #tpu.memory_space<vmem_shared>>
      %dma_start3A_75 = arith.constant 0 : i32
      %dma_start3A_76 = tpu.memref_slice %arg20[%add3A_42, %dma_start3A_75] : memref<10240x64xf32, #tpu.memory_space<vmem_shared>> -> memref<64x64xf32, #tpu.memory_space<vmem_shared>>
      tpu.enqueue_dma source(%arg16 : memref<64x64xf32, #tpu.memory_space<vmem>>) target(%dma_start3A_76 : memref<64x64xf32, #tpu.memory_space<vmem_shared>>) target_semaphore(%run_scoped3A : memref<!tpu.dma_semaphore, #tpu.memory_space<semaphore_mem>>)
      %dma_wait3A = arith.constant 0 : i32
      %dma_wait3A_77 = tpu.memref_slice %arg20[%add3A_42, %dma_wait3A] : memref<10240x64xf32, #tpu.memory_space<vmem_shared>> -> memref<64x64xf32, #tpu.memory_space<vmem_shared>>
      %dma_wait3A_78 = arith.constant 0 : i32
      %dma_wait3A_79 = tpu.memref_slice %arg20[%add3A_42, %dma_wait3A_78] : memref<10240x64xf32, #tpu.memory_space<vmem_shared>> -> memref<64x64xf32, #tpu.memory_space<vmem_shared>>
      tpu.wait_dma2 semaphore(%run_scoped3A : memref<!tpu.dma_semaphore, #tpu.memory_space<semaphore_mem>>) src(%arg16 : memref<64x64xf32, #tpu.memory_space<vmem>>) dst(%dma_wait3A_79 : memref<64x64xf32, #tpu.memory_space<vmem_shared>>)
      tpu.yield
    }) : () -> ()
    %mul3A_43 = arith.constant 640 : i32
    %mul3A_44 = arith.muli %arg1, %mul3A_43 : i32
    %add3A_45 = arith.constant 320 : i32
    %add3A_46 = arith.addi %mul3A_44, %add3A_45 : i32
    "tpu.region"() ({
      %run_scoped3A = tpu.sem_alloc : memref<!tpu.dma_semaphore, #tpu.memory_space<semaphore_mem>>
      %dma_start3A = arith.constant 0 : i32
      %dma_start3A_74 = tpu.memref_slice %arg20[%add3A_46, %dma_start3A] : memref<10240x64xf32, #tpu.memory_space<vmem_shared>> -> memref<64x64xf32, #tpu.memory_space<vmem_shared>>
      %dma_start3A_75 = arith.constant 0 : i32
      %dma_start3A_76 = tpu.memref_slice %arg20[%add3A_46, %dma_start3A_75] : memref<10240x64xf32, #tpu.memory_space<vmem_shared>> -> memref<64x64xf32, #tpu.memory_space<vmem_shared>>
      tpu.enqueue_dma source(%arg16 : memref<64x64xf32, #tpu.memory_space<vmem>>) target(%dma_start3A_76 : memref<64x64xf32, #tpu.memory_space<vmem_shared>>) target_semaphore(%run_scoped3A : memref<!tpu.dma_semaphore, #tpu.memory_space<semaphore_mem>>)
      %dma_wait3A = arith.constant 0 : i32
      %dma_wait3A_77 = tpu.memref_slice %arg20[%add3A_46, %dma_wait3A] : memref<10240x64xf32, #tpu.memory_space<vmem_shared>> -> memref<64x64xf32, #tpu.memory_space<vmem_shared>>
      %dma_wait3A_78 = arith.constant 0 : i32
      %dma_wait3A_79 = tpu.memref_slice %arg20[%add3A_46, %dma_wait3A_78] : memref<10240x64xf32, #tpu.memory_space<vmem_shared>> -> memref<64x64xf32, #tpu.memory_space<vmem_shared>>
      tpu.wait_dma2 semaphore(%run_scoped3A : memref<!tpu.dma_semaphore, #tpu.memory_space<semaphore_mem>>) src(%arg16 : memref<64x64xf32, #tpu.memory_space<vmem>>) dst(%dma_wait3A_79 : memref<64x64xf32, #tpu.memory_space<vmem_shared>>)
      tpu.yield
    }) : () -> ()
    %mul3A_47 = arith.constant 640 : i32
    %mul3A_48 = arith.muli %arg1, %mul3A_47 : i32
    %add3A_49 = arith.constant 384 : i32
    %add3A_50 = arith.addi %mul3A_48, %add3A_49 : i32
    "tpu.region"() ({
      %run_scoped3A = tpu.sem_alloc : memref<!tpu.dma_semaphore, #tpu.memory_space<semaphore_mem>>
      %dma_start3A = arith.constant 0 : i32
      %dma_start3A_74 = tpu.memref_slice %arg20[%add3A_50, %dma_start3A] : memref<10240x64xf32, #tpu.memory_space<vmem_shared>> -> memref<64x64xf32, #tpu.memory_space<vmem_shared>>
      %dma_start3A_75 = arith.constant 0 : i32
      %dma_start3A_76 = tpu.memref_slice %arg20[%add3A_50, %dma_start3A_75] : memref<10240x64xf32, #tpu.memory_space<vmem_shared>> -> memref<64x64xf32, #tpu.memory_space<vmem_shared>>
      tpu.enqueue_dma source(%arg16 : memref<64x64xf32, #tpu.memory_space<vmem>>) target(%dma_start3A_76 : memref<64x64xf32, #tpu.memory_space<vmem_shared>>) target_semaphore(%run_scoped3A : memref<!tpu.dma_semaphore, #tpu.memory_space<semaphore_mem>>)
      %dma_wait3A = arith.constant 0 : i32
      %dma_wait3A_77 = tpu.memref_slice %arg20[%add3A_50, %dma_wait3A] : memref<10240x64xf32, #tpu.memory_space<vmem_shared>> -> memref<64x64xf32, #tpu.memory_space<vmem_shared>>
      %dma_wait3A_78 = arith.constant 0 : i32
      %dma_wait3A_79 = tpu.memref_slice %arg20[%add3A_50, %dma_wait3A_78] : memref<10240x64xf32, #tpu.memory_space<vmem_shared>> -> memref<64x64xf32, #tpu.memory_space<vmem_shared>>
      tpu.wait_dma2 semaphore(%run_scoped3A : memref<!tpu.dma_semaphore, #tpu.memory_space<semaphore_mem>>) src(%arg16 : memref<64x64xf32, #tpu.memory_space<vmem>>) dst(%dma_wait3A_79 : memref<64x64xf32, #tpu.memory_space<vmem_shared>>)
      tpu.yield
    }) : () -> ()
    %mul3A_51 = arith.constant 640 : i32
    %mul3A_52 = arith.muli %arg1, %mul3A_51 : i32
    %add3A_53 = arith.constant 448 : i32
    %add3A_54 = arith.addi %mul3A_52, %add3A_53 : i32
    "tpu.region"() ({
      %run_scoped3A = tpu.sem_alloc : memref<!tpu.dma_semaphore, #tpu.memory_space<semaphore_mem>>
      %dma_start3A = arith.constant 0 : i32
      %dma_start3A_74 = tpu.memref_slice %arg20[%add3A_54, %dma_start3A] : memref<10240x64xf32, #tpu.memory_space<vmem_shared>> -> memref<64x64xf32, #tpu.memory_space<vmem_shared>>
      %dma_start3A_75 = arith.constant 0 : i32
      %dma_start3A_76 = tpu.memref_slice %arg20[%add3A_54, %dma_start3A_75] : memref<10240x64xf32, #tpu.memory_space<vmem_shared>> -> memref<64x64xf32, #tpu.memory_space<vmem_shared>>
      tpu.enqueue_dma source(%arg16 : memref<64x64xf32, #tpu.memory_space<vmem>>) target(%dma_start3A_76 : memref<64x64xf32, #tpu.memory_space<vmem_shared>>) target_semaphore(%run_scoped3A : memref<!tpu.dma_semaphore, #tpu.memory_space<semaphore_mem>>)
      %dma_wait3A = arith.constant 0 : i32
      %dma_wait3A_77 = tpu.memref_slice %arg20[%add3A_54, %dma_wait3A] : memref<10240x64xf32, #tpu.memory_space<vmem_shared>> -> memref<64x64xf32, #tpu.memory_space<vmem_shared>>
      %dma_wait3A_78 = arith.constant 0 : i32
      %dma_wait3A_79 = tpu.memref_slice %arg20[%add3A_54, %dma_wait3A_78] : memref<10240x64xf32, #tpu.memory_space<vmem_shared>> -> memref<64x64xf32, #tpu.memory_space<vmem_shared>>
      tpu.wait_dma2 semaphore(%run_scoped3A : memref<!tpu.dma_semaphore, #tpu.memory_space<semaphore_mem>>) src(%arg16 : memref<64x64xf32, #tpu.memory_space<vmem>>) dst(%dma_wait3A_79 : memref<64x64xf32, #tpu.memory_space<vmem_shared>>)
      tpu.yield
    }) : () -> ()
    %mul3A_55 = arith.constant 640 : i32
    %mul3A_56 = arith.muli %arg1, %mul3A_55 : i32
    %add3A_57 = arith.constant 512 : i32
    %add3A_58 = arith.addi %mul3A_56, %add3A_57 : i32
    "tpu.region"() ({
      %run_scoped3A = tpu.sem_alloc : memref<!tpu.dma_semaphore, #tpu.memory_space<semaphore_mem>>
      %dma_start3A = arith.constant 0 : i32
      %dma_start3A_74 = tpu.memref_slice %arg20[%add3A_58, %dma_start3A] : memref<10240x64xf32, #tpu.memory_space<vmem_shared>> -> memref<64x64xf32, #tpu.memory_space<vmem_shared>>
      %dma_start3A_75 = arith.constant 0 : i32
      %dma_start3A_76 = tpu.memref_slice %arg20[%add3A_58, %dma_start3A_75] : memref<10240x64xf32, #tpu.memory_space<vmem_shared>> -> memref<64x64xf32, #tpu.memory_space<vmem_shared>>
      tpu.enqueue_dma source(%arg16 : memref<64x64xf32, #tpu.memory_space<vmem>>) target(%dma_start3A_76 : memref<64x64xf32, #tpu.memory_space<vmem_shared>>) target_semaphore(%run_scoped3A : memref<!tpu.dma_semaphore, #tpu.memory_space<semaphore_mem>>)
      %dma_wait3A = arith.constant 0 : i32
      %dma_wait3A_77 = tpu.memref_slice %arg20[%add3A_58, %dma_wait3A] : memref<10240x64xf32, #tpu.memory_space<vmem_shared>> -> memref<64x64xf32, #tpu.memory_space<vmem_shared>>
      %dma_wait3A_78 = arith.constant 0 : i32
      %dma_wait3A_79 = tpu.memref_slice %arg20[%add3A_58, %dma_wait3A_78] : memref<10240x64xf32, #tpu.memory_space<vmem_shared>> -> memref<64x64xf32, #tpu.memory_space<vmem_shared>>
      tpu.wait_dma2 semaphore(%run_scoped3A : memref<!tpu.dma_semaphore, #tpu.memory_space<semaphore_mem>>) src(%arg16 : memref<64x64xf32, #tpu.memory_space<vmem>>) dst(%dma_wait3A_79 : memref<64x64xf32, #tpu.memory_space<vmem_shared>>)
      tpu.yield
    }) : () -> ()
    %mul3A_59 = arith.constant 640 : i32
    %mul3A_60 = arith.muli %arg1, %mul3A_59 : i32
    %add3A_61 = arith.constant 576 : i32
    %add3A_62 = arith.addi %mul3A_60, %add3A_61 : i32
    "tpu.region"() ({
      %run_scoped3A = tpu.sem_alloc : memref<!tpu.dma_semaphore, #tpu.memory_space<semaphore_mem>>
      %dma_start3A = arith.constant 0 : i32
      %dma_start3A_74 = tpu.memref_slice %arg20[%add3A_62, %dma_start3A] : memref<10240x64xf32, #tpu.memory_space<vmem_shared>> -> memref<64x64xf32, #tpu.memory_space<vmem_shared>>
      %dma_start3A_75 = arith.constant 0 : i32
      %dma_start3A_76 = tpu.memref_slice %arg20[%add3A_62, %dma_start3A_75] : memref<10240x64xf32, #tpu.memory_space<vmem_shared>> -> memref<64x64xf32, #tpu.memory_space<vmem_shared>>
      tpu.enqueue_dma source(%arg16 : memref<64x64xf32, #tpu.memory_space<vmem>>) target(%dma_start3A_76 : memref<64x64xf32, #tpu.memory_space<vmem_shared>>) target_semaphore(%run_scoped3A : memref<!tpu.dma_semaphore, #tpu.memory_space<semaphore_mem>>)
      %dma_wait3A = arith.constant 0 : i32
      %dma_wait3A_77 = tpu.memref_slice %arg20[%add3A_62, %dma_wait3A] : memref<10240x64xf32, #tpu.memory_space<vmem_shared>> -> memref<64x64xf32, #tpu.memory_space<vmem_shared>>
      %dma_wait3A_78 = arith.constant 0 : i32
      %dma_wait3A_79 = tpu.memref_slice %arg20[%add3A_62, %dma_wait3A_78] : memref<10240x64xf32, #tpu.memory_space<vmem_shared>> -> memref<64x64xf32, #tpu.memory_space<vmem_shared>>
      tpu.wait_dma2 semaphore(%run_scoped3A : memref<!tpu.dma_semaphore, #tpu.memory_space<semaphore_mem>>) src(%arg16 : memref<64x64xf32, #tpu.memory_space<vmem>>) dst(%dma_wait3A_79 : memref<64x64xf32, #tpu.memory_space<vmem_shared>>)
      tpu.yield
    }) : () -> ()
    %barrier3A = arith.constant 0 : index
    tpu.barrier barrier_id(%barrier3A)
    %scan3A_63 = arith.constant 0 : i32
    %scan3A_64 = arith.constant 0 : i32
    %scan3A_65 = arith.constant 16 : i32
    %scan3A_66 = arith.addi %scan3A_64, %scan3A_65 : i32
    %scan3A_67 = arith.constant 1 : i32
    scf.for %scan3A_74 = %scan3A_64 to %scan3A_66 step %scan3A_67  : i32 {
      %mul3A_75 = arith.constant 5 : i32
      %mul3A_76 = arith.muli %scan3A_74, %mul3A_75 : i32
      %add3A_77 = arith.constant 0 : i32
      %add3A_78 = arith.addi %mul3A_76, %add3A_77 : i32
      %dma_start3A = arith.constant 0 : i32
      %dma_start3A_79 = tpu.memref_slice %arg9[%add3A_78, %dma_start3A] : memref<80x125xi32, #tpu.memory_space<vmem>> -> memref<1x125xi32, #tpu.memory_space<vmem>>
      %dma_start3A_80 = tpu.memref_squeeze %dma_start3A_79 : memref<1x125xi32, #tpu.memory_space<vmem>> -> memref<125xi32, #tpu.memory_space<vmem>>
      %dma_start3A_81 = arith.constant 0 : i32
      %dma_start3A_82 = arith.constant 0 : i32
      %dma_start3A_83 = tpu.memref_slice %arg2[%dma_start3A_81, %dma_start3A_82] : memref<50000x64xf32, #tpu.memory_space<hbm>> -> memref<50000x64xf32, #tpu.memory_space<hbm>>
      tpu.enqueue_indirect_dma source(%dma_start3A_83 : memref<50000x64xf32, #tpu.memory_space<hbm>>) target(%arg11 : memref<125x64xf32, #tpu.memory_space<vmem>>) offsets(%dma_start3A_80 : memref<125xi32, #tpu.memory_space<vmem>>) semaphore(%arg21 : memref<!tpu.dma_semaphore, #tpu.memory_space<semaphore_mem>>)
      %add3A_84 = arith.constant 1 : i32
      %add3A_85 = arith.addi %mul3A_76, %add3A_84 : i32
      %dma_start3A_86 = arith.constant 0 : i32
      %dma_start3A_87 = tpu.memref_slice %arg9[%add3A_85, %dma_start3A_86] : memref<80x125xi32, #tpu.memory_space<vmem>> -> memref<1x125xi32, #tpu.memory_space<vmem>>
      %dma_start3A_88 = tpu.memref_squeeze %dma_start3A_87 : memref<1x125xi32, #tpu.memory_space<vmem>> -> memref<125xi32, #tpu.memory_space<vmem>>
      %dma_start3A_89 = arith.constant 0 : i32
      %dma_start3A_90 = arith.constant 0 : i32
      %dma_start3A_91 = tpu.memref_slice %arg2[%dma_start3A_89, %dma_start3A_90] : memref<50000x64xf32, #tpu.memory_space<hbm>> -> memref<50000x64xf32, #tpu.memory_space<hbm>>
      tpu.enqueue_indirect_dma source(%dma_start3A_91 : memref<50000x64xf32, #tpu.memory_space<hbm>>) target(%arg12 : memref<125x64xf32, #tpu.memory_space<vmem>>) offsets(%dma_start3A_88 : memref<125xi32, #tpu.memory_space<vmem>>) semaphore(%arg22 : memref<!tpu.dma_semaphore, #tpu.memory_space<semaphore_mem>>)
      %add3A_92 = arith.constant 2 : i32
      %add3A_93 = arith.addi %mul3A_76, %add3A_92 : i32
      %dma_start3A_94 = arith.constant 0 : i32
      %dma_start3A_95 = tpu.memref_slice %arg9[%add3A_93, %dma_start3A_94] : memref<80x125xi32, #tpu.memory_space<vmem>> -> memref<1x125xi32, #tpu.memory_space<vmem>>
      %dma_start3A_96 = tpu.memref_squeeze %dma_start3A_95 : memref<1x125xi32, #tpu.memory_space<vmem>> -> memref<125xi32, #tpu.memory_space<vmem>>
      %dma_start3A_97 = arith.constant 0 : i32
      %dma_start3A_98 = arith.constant 0 : i32
      %dma_start3A_99 = tpu.memref_slice %arg2[%dma_start3A_97, %dma_start3A_98] : memref<50000x64xf32, #tpu.memory_space<hbm>> -> memref<50000x64xf32, #tpu.memory_space<hbm>>
      tpu.enqueue_indirect_dma source(%dma_start3A_99 : memref<50000x64xf32, #tpu.memory_space<hbm>>) target(%arg13 : memref<125x64xf32, #tpu.memory_space<vmem>>) offsets(%dma_start3A_96 : memref<125xi32, #tpu.memory_space<vmem>>) semaphore(%arg23 : memref<!tpu.dma_semaphore, #tpu.memory_space<semaphore_mem>>)
      %add3A_100 = arith.constant 3 : i32
      %add3A_101 = arith.addi %mul3A_76, %add3A_100 : i32
      %dma_start3A_102 = arith.constant 0 : i32
      %dma_start3A_103 = tpu.memref_slice %arg9[%add3A_101, %dma_start3A_102] : memref<80x125xi32, #tpu.memory_space<vmem>> -> memref<1x125xi32, #tpu.memory_space<vmem>>
      %dma_start3A_104 = tpu.memref_squeeze %dma_start3A_103 : memref<1x125xi32, #tpu.memory_space<vmem>> -> memref<125xi32, #tpu.memory_space<vmem>>
      %dma_start3A_105 = arith.constant 0 : i32
      %dma_start3A_106 = arith.constant 0 : i32
      %dma_start3A_107 = tpu.memref_slice %arg2[%dma_start3A_105, %dma_start3A_106] : memref<50000x64xf32, #tpu.memory_space<hbm>> -> memref<50000x64xf32, #tpu.memory_space<hbm>>
      tpu.enqueue_indirect_dma source(%dma_start3A_107 : memref<50000x64xf32, #tpu.memory_space<hbm>>) target(%arg14 : memref<125x64xf32, #tpu.memory_space<vmem>>) offsets(%dma_start3A_104 : memref<125xi32, #tpu.memory_space<vmem>>) semaphore(%arg24 : memref<!tpu.dma_semaphore, #tpu.memory_space<semaphore_mem>>)
      %add3A_108 = arith.constant 4 : i32
      %add3A_109 = arith.addi %mul3A_76, %add3A_108 : i32
      %dma_start3A_110 = arith.constant 0 : i32
      %dma_start3A_111 = tpu.memref_slice %arg9[%add3A_109, %dma_start3A_110] : memref<80x125xi32, #tpu.memory_space<vmem>> -> memref<1x125xi32, #tpu.memory_space<vmem>>
      %dma_start3A_112 = tpu.memref_squeeze %dma_start3A_111 : memref<1x125xi32, #tpu.memory_space<vmem>> -> memref<125xi32, #tpu.memory_space<vmem>>
      %dma_start3A_113 = arith.constant 0 : i32
      %dma_start3A_114 = arith.constant 0 : i32
      %dma_start3A_115 = tpu.memref_slice %arg2[%dma_start3A_113, %dma_start3A_114] : memref<50000x64xf32, #tpu.memory_space<hbm>> -> memref<50000x64xf32, #tpu.memory_space<hbm>>
      tpu.enqueue_indirect_dma source(%dma_start3A_115 : memref<50000x64xf32, #tpu.memory_space<hbm>>) target(%arg15 : memref<125x64xf32, #tpu.memory_space<vmem>>) offsets(%dma_start3A_112 : memref<125xi32, #tpu.memory_space<vmem>>) semaphore(%arg25 : memref<!tpu.dma_semaphore, #tpu.memory_space<semaphore_mem>>)
      %dma_wait3A = arith.constant 0 : i32
      %dma_wait3A_116 = tpu.memref_slice %arg9[%add3A_78, %dma_wait3A] : memref<80x125xi32, #tpu.memory_space<vmem>> -> memref<1x125xi32, #tpu.memory_space<vmem>>
      %dma_wait3A_117 = tpu.memref_squeeze %dma_wait3A_116 : memref<1x125xi32, #tpu.memory_space<vmem>> -> memref<125xi32, #tpu.memory_space<vmem>>
      %dma_wait3A_118 = arith.constant 0 : i32
      %dma_wait3A_119 = arith.constant 0 : i32
      %dma_wait3A_120 = tpu.memref_slice %arg2[%dma_wait3A_118, %dma_wait3A_119] : memref<50000x64xf32, #tpu.memory_space<hbm>> -> memref<50000x64xf32, #tpu.memory_space<hbm>>
      tpu.wait_indirect_dma semaphore(%arg21 : memref<!tpu.dma_semaphore, #tpu.memory_space<semaphore_mem>>) src(%dma_wait3A_120 : memref<50000x64xf32, #tpu.memory_space<hbm>>) dst(%arg11 : memref<125x64xf32, #tpu.memory_space<vmem>>)
      %add3A_121 = arith.constant 0 : i32
      %add3A_122 = arith.addi %mul3A_76, %add3A_121 : i32
      %dma_start3A_123 = arith.constant 0 : i32
      %dma_start3A_124 = tpu.memref_slice %arg10[%add3A_122, %dma_start3A_123] : memref<80x125xi32, #tpu.memory_space<vmem>> -> memref<1x125xi32, #tpu.memory_space<vmem>>
      %dma_start3A_125 = tpu.memref_squeeze %dma_start3A_124 : memref<1x125xi32, #tpu.memory_space<vmem>> -> memref<125xi32, #tpu.memory_space<vmem>>
      %dma_start3A_126 = arith.constant 0 : i32
      %dma_start3A_127 = arith.constant 0 : i32
      %dma_start3A_128 = tpu.memref_slice %arg20[%dma_start3A_126, %dma_start3A_127] : memref<10240x64xf32, #tpu.memory_space<vmem_shared>> -> memref<10240x64xf32, #tpu.memory_space<vmem_shared>>
      tpu.enqueue_indirect_dma source(%arg11 : memref<125x64xf32, #tpu.memory_space<vmem>>) target(%dma_start3A_128 : memref<10240x64xf32, #tpu.memory_space<vmem_shared>>) offsets(%dma_start3A_125 : memref<125xi32, #tpu.memory_space<vmem>>) semaphore(%arg26 : memref<!tpu.dma_semaphore, #tpu.memory_space<semaphore_mem>>) {add = true}
      %dma_wait3A_129 = arith.constant 0 : i32
      %dma_wait3A_130 = tpu.memref_slice %arg9[%add3A_85, %dma_wait3A_129] : memref<80x125xi32, #tpu.memory_space<vmem>> -> memref<1x125xi32, #tpu.memory_space<vmem>>
      %dma_wait3A_131 = tpu.memref_squeeze %dma_wait3A_130 : memref<1x125xi32, #tpu.memory_space<vmem>> -> memref<125xi32, #tpu.memory_space<vmem>>
      %dma_wait3A_132 = arith.constant 0 : i32
      %dma_wait3A_133 = arith.constant 0 : i32
      %dma_wait3A_134 = tpu.memref_slice %arg2[%dma_wait3A_132, %dma_wait3A_133] : memref<50000x64xf32, #tpu.memory_space<hbm>> -> memref<50000x64xf32, #tpu.memory_space<hbm>>
      tpu.wait_indirect_dma semaphore(%arg22 : memref<!tpu.dma_semaphore, #tpu.memory_space<semaphore_mem>>) src(%dma_wait3A_134 : memref<50000x64xf32, #tpu.memory_space<hbm>>) dst(%arg12 : memref<125x64xf32, #tpu.memory_space<vmem>>)
      %add3A_135 = arith.constant 1 : i32
      %add3A_136 = arith.addi %mul3A_76, %add3A_135 : i32
      %dma_start3A_137 = arith.constant 0 : i32
      %dma_start3A_138 = tpu.memref_slice %arg10[%add3A_136, %dma_start3A_137] : memref<80x125xi32, #tpu.memory_space<vmem>> -> memref<1x125xi32, #tpu.memory_space<vmem>>
      %dma_start3A_139 = tpu.memref_squeeze %dma_start3A_138 : memref<1x125xi32, #tpu.memory_space<vmem>> -> memref<125xi32, #tpu.memory_space<vmem>>
      %dma_start3A_140 = arith.constant 0 : i32
      %dma_start3A_141 = arith.constant 0 : i32
      %dma_start3A_142 = tpu.memref_slice %arg20[%dma_start3A_140, %dma_start3A_141] : memref<10240x64xf32, #tpu.memory_space<vmem_shared>> -> memref<10240x64xf32, #tpu.memory_space<vmem_shared>>
      tpu.enqueue_indirect_dma source(%arg12 : memref<125x64xf32, #tpu.memory_space<vmem>>) target(%dma_start3A_142 : memref<10240x64xf32, #tpu.memory_space<vmem_shared>>) offsets(%dma_start3A_139 : memref<125xi32, #tpu.memory_space<vmem>>) semaphore(%arg27 : memref<!tpu.dma_semaphore, #tpu.memory_space<semaphore_mem>>) {add = true}
      %dma_wait3A_143 = arith.constant 0 : i32
      %dma_wait3A_144 = tpu.memref_slice %arg9[%add3A_93, %dma_wait3A_143] : memref<80x125xi32, #tpu.memory_space<vmem>> -> memref<1x125xi32, #tpu.memory_space<vmem>>
      %dma_wait3A_145 = tpu.memref_squeeze %dma_wait3A_144 : memref<1x125xi32, #tpu.memory_space<vmem>> -> memref<125xi32, #tpu.memory_space<vmem>>
      %dma_wait3A_146 = arith.constant 0 : i32
      %dma_wait3A_147 = arith.constant 0 : i32
      %dma_wait3A_148 = tpu.memref_slice %arg2[%dma_wait3A_146, %dma_wait3A_147] : memref<50000x64xf32, #tpu.memory_space<hbm>> -> memref<50000x64xf32, #tpu.memory_space<hbm>>
      tpu.wait_indirect_dma semaphore(%arg23 : memref<!tpu.dma_semaphore, #tpu.memory_space<semaphore_mem>>) src(%dma_wait3A_148 : memref<50000x64xf32, #tpu.memory_space<hbm>>) dst(%arg13 : memref<125x64xf32, #tpu.memory_space<vmem>>)
      %add3A_149 = arith.constant 2 : i32
      %add3A_150 = arith.addi %mul3A_76, %add3A_149 : i32
      %dma_start3A_151 = arith.constant 0 : i32
      %dma_start3A_152 = tpu.memref_slice %arg10[%add3A_150, %dma_start3A_151] : memref<80x125xi32, #tpu.memory_space<vmem>> -> memref<1x125xi32, #tpu.memory_space<vmem>>
      %dma_start3A_153 = tpu.memref_squeeze %dma_start3A_152 : memref<1x125xi32, #tpu.memory_space<vmem>> -> memref<125xi32, #tpu.memory_space<vmem>>
      %dma_start3A_154 = arith.constant 0 : i32
      %dma_start3A_155 = arith.constant 0 : i32
      %dma_start3A_156 = tpu.memref_slice %arg20[%dma_start3A_154, %dma_start3A_155] : memref<10240x64xf32, #tpu.memory_space<vmem_shared>> -> memref<10240x64xf32, #tpu.memory_space<vmem_shared>>
      tpu.enqueue_indirect_dma source(%arg13 : memref<125x64xf32, #tpu.memory_space<vmem>>) target(%dma_start3A_156 : memref<10240x64xf32, #tpu.memory_space<vmem_shared>>) offsets(%dma_start3A_153 : memref<125xi32, #tpu.memory_space<vmem>>) semaphore(%arg28 : memref<!tpu.dma_semaphore, #tpu.memory_space<semaphore_mem>>) {add = true}
      %dma_wait3A_157 = arith.constant 0 : i32
      %dma_wait3A_158 = tpu.memref_slice %arg9[%add3A_101, %dma_wait3A_157] : memref<80x125xi32, #tpu.memory_space<vmem>> -> memref<1x125xi32, #tpu.memory_space<vmem>>
      %dma_wait3A_159 = tpu.memref_squeeze %dma_wait3A_158 : memref<1x125xi32, #tpu.memory_space<vmem>> -> memref<125xi32, #tpu.memory_space<vmem>>
      %dma_wait3A_160 = arith.constant 0 : i32
      %dma_wait3A_161 = arith.constant 0 : i32
      %dma_wait3A_162 = tpu.memref_slice %arg2[%dma_wait3A_160, %dma_wait3A_161] : memref<50000x64xf32, #tpu.memory_space<hbm>> -> memref<50000x64xf32, #tpu.memory_space<hbm>>
      tpu.wait_indirect_dma semaphore(%arg24 : memref<!tpu.dma_semaphore, #tpu.memory_space<semaphore_mem>>) src(%dma_wait3A_162 : memref<50000x64xf32, #tpu.memory_space<hbm>>) dst(%arg14 : memref<125x64xf32, #tpu.memory_space<vmem>>)
      %add3A_163 = arith.constant 3 : i32
      %add3A_164 = arith.addi %mul3A_76, %add3A_163 : i32
      %dma_start3A_165 = arith.constant 0 : i32
      %dma_start3A_166 = tpu.memref_slice %arg10[%add3A_164, %dma_start3A_165] : memref<80x125xi32, #tpu.memory_space<vmem>> -> memref<1x125xi32, #tpu.memory_space<vmem>>
      %dma_start3A_167 = tpu.memref_squeeze %dma_start3A_166 : memref<1x125xi32, #tpu.memory_space<vmem>> -> memref<125xi32, #tpu.memory_space<vmem>>
      %dma_start3A_168 = arith.constant 0 : i32
      %dma_start3A_169 = arith.constant 0 : i32
      %dma_start3A_170 = tpu.memref_slice %arg20[%dma_start3A_168, %dma_start3A_169] : memref<10240x64xf32, #tpu.memory_space<vmem_shared>> -> memref<10240x64xf32, #tpu.memory_space<vmem_shared>>
      tpu.enqueue_indirect_dma source(%arg14 : memref<125x64xf32, #tpu.memory_space<vmem>>) target(%dma_start3A_170 : memref<10240x64xf32, #tpu.memory_space<vmem_shared>>) offsets(%dma_start3A_167 : memref<125xi32, #tpu.memory_space<vmem>>) semaphore(%arg29 : memref<!tpu.dma_semaphore, #tpu.memory_space<semaphore_mem>>) {add = true}
      %dma_wait3A_171 = arith.constant 0 : i32
      %dma_wait3A_172 = tpu.memref_slice %arg9[%add3A_109, %dma_wait3A_171] : memref<80x125xi32, #tpu.memory_space<vmem>> -> memref<1x125xi32, #tpu.memory_space<vmem>>
      %dma_wait3A_173 = tpu.memref_squeeze %dma_wait3A_172 : memref<1x125xi32, #tpu.memory_space<vmem>> -> memref<125xi32, #tpu.memory_space<vmem>>
      %dma_wait3A_174 = arith.constant 0 : i32
      %dma_wait3A_175 = arith.constant 0 : i32
      %dma_wait3A_176 = tpu.memref_slice %arg2[%dma_wait3A_174, %dma_wait3A_175] : memref<50000x64xf32, #tpu.memory_space<hbm>> -> memref<50000x64xf32, #tpu.memory_space<hbm>>
      tpu.wait_indirect_dma semaphore(%arg25 : memref<!tpu.dma_semaphore, #tpu.memory_space<semaphore_mem>>) src(%dma_wait3A_176 : memref<50000x64xf32, #tpu.memory_space<hbm>>) dst(%arg15 : memref<125x64xf32, #tpu.memory_space<vmem>>)
      %add3A_177 = arith.constant 4 : i32
      %add3A_178 = arith.addi %mul3A_76, %add3A_177 : i32
      %dma_start3A_179 = arith.constant 0 : i32
      %dma_start3A_180 = tpu.memref_slice %arg10[%add3A_178, %dma_start3A_179] : memref<80x125xi32, #tpu.memory_space<vmem>> -> memref<1x125xi32, #tpu.memory_space<vmem>>
      %dma_start3A_181 = tpu.memref_squeeze %dma_start3A_180 : memref<1x125xi32, #tpu.memory_space<vmem>> -> memref<125xi32, #tpu.memory_space<vmem>>
      %dma_start3A_182 = arith.constant 0 : i32
      %dma_start3A_183 = arith.constant 0 : i32
      %dma_start3A_184 = tpu.memref_slice %arg20[%dma_start3A_182, %dma_start3A_183] : memref<10240x64xf32, #tpu.memory_space<vmem_shared>> -> memref<10240x64xf32, #tpu.memory_space<vmem_shared>>
      tpu.enqueue_indirect_dma source(%arg15 : memref<125x64xf32, #tpu.memory_space<vmem>>) target(%dma_start3A_184 : memref<10240x64xf32, #tpu.memory_space<vmem_shared>>) offsets(%dma_start3A_181 : memref<125xi32, #tpu.memory_space<vmem>>) semaphore(%arg30 : memref<!tpu.dma_semaphore, #tpu.memory_space<semaphore_mem>>) {add = true}
      %dma_wait3A_185 = arith.constant 0 : i32
      %dma_wait3A_186 = tpu.memref_slice %arg10[%add3A_122, %dma_wait3A_185] : memref<80x125xi32, #tpu.memory_space<vmem>> -> memref<1x125xi32, #tpu.memory_space<vmem>>
      %dma_wait3A_187 = tpu.memref_squeeze %dma_wait3A_186 : memref<1x125xi32, #tpu.memory_space<vmem>> -> memref<125xi32, #tpu.memory_space<vmem>>
      %dma_wait3A_188 = arith.constant 0 : i32
      %dma_wait3A_189 = arith.constant 0 : i32
      %dma_wait3A_190 = tpu.memref_slice %arg20[%dma_wait3A_188, %dma_wait3A_189] : memref<10240x64xf32, #tpu.memory_space<vmem_shared>> -> memref<10240x64xf32, #tpu.memory_space<vmem_shared>>
      tpu.wait_indirect_dma semaphore(%arg26 : memref<!tpu.dma_semaphore, #tpu.memory_space<semaphore_mem>>) src(%arg11 : memref<125x64xf32, #tpu.memory_space<vmem>>) dst(%dma_wait3A_190 : memref<10240x64xf32, #tpu.memory_space<vmem_shared>>)
      %dma_wait3A_191 = arith.constant 0 : i32
      %dma_wait3A_192 = tpu.memref_slice %arg10[%add3A_136, %dma_wait3A_191] : memref<80x125xi32, #tpu.memory_space<vmem>> -> memref<1x125xi32, #tpu.memory_space<vmem>>
      %dma_wait3A_193 = tpu.memref_squeeze %dma_wait3A_192 : memref<1x125xi32, #tpu.memory_space<vmem>> -> memref<125xi32, #tpu.memory_space<vmem>>
      %dma_wait3A_194 = arith.constant 0 : i32
      %dma_wait3A_195 = arith.constant 0 : i32
      %dma_wait3A_196 = tpu.memref_slice %arg20[%dma_wait3A_194, %dma_wait3A_195] : memref<10240x64xf32, #tpu.memory_space<vmem_shared>> -> memref<10240x64xf32, #tpu.memory_space<vmem_shared>>
      tpu.wait_indirect_dma semaphore(%arg27 : memref<!tpu.dma_semaphore, #tpu.memory_space<semaphore_mem>>) src(%arg12 : memref<125x64xf32, #tpu.memory_space<vmem>>) dst(%dma_wait3A_196 : memref<10240x64xf32, #tpu.memory_space<vmem_shared>>)
      %dma_wait3A_197 = arith.constant 0 : i32
      %dma_wait3A_198 = tpu.memref_slice %arg10[%add3A_150, %dma_wait3A_197] : memref<80x125xi32, #tpu.memory_space<vmem>> -> memref<1x125xi32, #tpu.memory_space<vmem>>
      %dma_wait3A_199 = tpu.memref_squeeze %dma_wait3A_198 : memref<1x125xi32, #tpu.memory_space<vmem>> -> memref<125xi32, #tpu.memory_space<vmem>>
      %dma_wait3A_200 = arith.constant 0 : i32
      %dma_wait3A_201 = arith.constant 0 : i32
      %dma_wait3A_202 = tpu.memref_slice %arg20[%dma_wait3A_200, %dma_wait3A_201] : memref<10240x64xf32, #tpu.memory_space<vmem_shared>> -> memref<10240x64xf32, #tpu.memory_space<vmem_shared>>
      tpu.wait_indirect_dma semaphore(%arg28 : memref<!tpu.dma_semaphore, #tpu.memory_space<semaphore_mem>>) src(%arg13 : memref<125x64xf32, #tpu.memory_space<vmem>>) dst(%dma_wait3A_202 : memref<10240x64xf32, #tpu.memory_space<vmem_shared>>)
      %dma_wait3A_203 = arith.constant 0 : i32
      %dma_wait3A_204 = tpu.memref_slice %arg10[%add3A_164, %dma_wait3A_203] : memref<80x125xi32, #tpu.memory_space<vmem>> -> memref<1x125xi32, #tpu.memory_space<vmem>>
      %dma_wait3A_205 = tpu.memref_squeeze %dma_wait3A_204 : memref<1x125xi32, #tpu.memory_space<vmem>> -> memref<125xi32, #tpu.memory_space<vmem>>
      %dma_wait3A_206 = arith.constant 0 : i32
      %dma_wait3A_207 = arith.constant 0 : i32
      %dma_wait3A_208 = tpu.memref_slice %arg20[%dma_wait3A_206, %dma_wait3A_207] : memref<10240x64xf32, #tpu.memory_space<vmem_shared>> -> memref<10240x64xf32, #tpu.memory_space<vmem_shared>>
      tpu.wait_indirect_dma semaphore(%arg29 : memref<!tpu.dma_semaphore, #tpu.memory_space<semaphore_mem>>) src(%arg14 : memref<125x64xf32, #tpu.memory_space<vmem>>) dst(%dma_wait3A_208 : memref<10240x64xf32, #tpu.memory_space<vmem_shared>>)
      %dma_wait3A_209 = arith.constant 0 : i32
      %dma_wait3A_210 = tpu.memref_slice %arg10[%add3A_178, %dma_wait3A_209] : memref<80x125xi32, #tpu.memory_space<vmem>> -> memref<1x125xi32, #tpu.memory_space<vmem>>
      %dma_wait3A_211 = tpu.memref_squeeze %dma_wait3A_210 : memref<1x125xi32, #tpu.memory_space<vmem>> -> memref<125xi32, #tpu.memory_space<vmem>>
      %dma_wait3A_212 = arith.constant 0 : i32
      %dma_wait3A_213 = arith.constant 0 : i32
      %dma_wait3A_214 = tpu.memref_slice %arg20[%dma_wait3A_212, %dma_wait3A_213] : memref<10240x64xf32, #tpu.memory_space<vmem_shared>> -> memref<10240x64xf32, #tpu.memory_space<vmem_shared>>
      tpu.wait_indirect_dma semaphore(%arg30 : memref<!tpu.dma_semaphore, #tpu.memory_space<semaphore_mem>>) src(%arg15 : memref<125x64xf32, #tpu.memory_space<vmem>>) dst(%dma_wait3A_214 : memref<10240x64xf32, #tpu.memory_space<vmem_shared>>)
    }
    %scan3A_68 = arith.constant 16 : i32
    %barrier3A_69 = arith.constant 0 : index
    tpu.barrier barrier_id(%barrier3A_69)
    %mul3A_70 = arith.constant 640 : i32
    %mul3A_71 = arith.muli %arg1, %mul3A_70 : i32
    %mul3A_72 = arith.constant 640 : i32
    %mul3A_73 = arith.muli %arg1, %mul3A_72 : i32
    "tpu.region"() ({
      %run_scoped3A = tpu.sem_alloc : memref<!tpu.dma_semaphore, #tpu.memory_space<semaphore_mem>>
      %dma_start3A = arith.constant 0 : i32
      %dma_start3A_74 = tpu.memref_slice %arg7[%arg0, %mul3A_73, %dma_start3A] : memref<2x10240x64xf32, #tpu.memory_space<hbm>> -> memref<1x640x64xf32, #tpu.memory_space<hbm>>
      %dma_start3A_75 = tpu.memref_squeeze %dma_start3A_74 : memref<1x640x64xf32, #tpu.memory_space<hbm>> -> memref<640x64xf32, #tpu.memory_space<hbm>>
      %dma_start3A_76 = arith.constant 0 : i32
      %dma_start3A_77 = tpu.memref_slice %arg20[%mul3A_71, %dma_start3A_76] : memref<10240x64xf32, #tpu.memory_space<vmem_shared>> -> memref<640x64xf32, #tpu.memory_space<vmem_shared>>
      tpu.enqueue_dma source(%dma_start3A_77 : memref<640x64xf32, #tpu.memory_space<vmem_shared>>) target(%dma_start3A_75 : memref<640x64xf32, #tpu.memory_space<hbm>>) target_semaphore(%run_scoped3A : memref<!tpu.dma_semaphore, #tpu.memory_space<semaphore_mem>>)
      %dma_wait3A = arith.constant 0 : i32
      %dma_wait3A_78 = tpu.memref_slice %arg7[%arg0, %mul3A_73, %dma_wait3A] : memref<2x10240x64xf32, #tpu.memory_space<hbm>> -> memref<1x640x64xf32, #tpu.memory_space<hbm>>
      %dma_wait3A_79 = tpu.memref_squeeze %dma_wait3A_78 : memref<1x640x64xf32, #tpu.memory_space<hbm>> -> memref<640x64xf32, #tpu.memory_space<hbm>>
      %dma_wait3A_80 = arith.constant 0 : i32
      %dma_wait3A_81 = tpu.memref_slice %arg20[%mul3A_71, %dma_wait3A_80] : memref<10240x64xf32, #tpu.memory_space<vmem_shared>> -> memref<640x64xf32, #tpu.memory_space<vmem_shared>>
      tpu.wait_dma2 semaphore(%run_scoped3A : memref<!tpu.dma_semaphore, #tpu.memory_space<semaphore_mem>>) src(%dma_wait3A_81 : memref<640x64xf32, #tpu.memory_space<vmem_shared>>) dst(%dma_wait3A_79 : memref<640x64xf32, #tpu.memory_space<hbm>>)
      tpu.yield
    }) : () -> ()
    return
  }
}

module attributes {stable_mosaic.version = 14 : i64} {
  func.func @_head_body(%arg0: memref<5000x256xf32, #tpu.memory_space<vmem>>, %arg1: memref<128x64xf32, #tpu.memory_space<vmem>>, %arg2: memref<1x64xf32, #tpu.memory_space<vmem>>, %arg3: memref<64x64xf32, #tpu.memory_space<vmem>>, %arg4: memref<1x64xf32, #tpu.memory_space<vmem>>, %arg5: memref<64x16xf32, #tpu.memory_space<vmem>>, %arg6: memref<1x16xf32, #tpu.memory_space<vmem>>, %arg7: memref<1x5xf32, #tpu.memory_space<vmem>>, %arg8: memref<2500x128xi32, #tpu.memory_space<vmem>>, %arg9: memref<2500x128xi32, #tpu.memory_space<vmem>>, %arg10: memref<5120x2xi32, #tpu.memory_space<vmem>>, %arg11: memref<5000x128xf32, #tpu.memory_space<vmem>>, %arg12: memref<5120x32xf32, #tpu.memory_space<vmem>>, %arg13: memref<25000x128xf32, #tpu.memory_space<vmem>>, %arg14: memref<2500x128xi32, #tpu.memory_space<vmem>>, %arg15: memref<5120x32xi32, #tpu.memory_space<vmem>>) attributes {dimension_semantics = [], scalar_prefetch = 0 : i64, scratch_operands = 0 : i64, tpu.core_type = #tpu.core_type<tc>} {
    %get3A = arith.constant 0 : index
    %get3A_0 = arith.constant 0 : index
    %get3A_1 = vector.load %arg1[%get3A, %get3A_0] : memref<128x64xf32, #tpu.memory_space<vmem>>, vector<128x64xf32>
    %broadcast_in_dim3A = arith.constant 0.000000e+00 : f32
    %broadcast_in_dim3A_2 = vector.broadcast %broadcast_in_dim3A : f32 to vector<128x64xf32>
    %concatenate3A = tpu.concatenate %get3A_1, %broadcast_in_dim3A_2 in 1 : vector<128x64xf32>, vector<128x64xf32> -> vector<128x128xf32>
    %concatenate3A_3 = tpu.concatenate %broadcast_in_dim3A_2, %get3A_1 in 1 : vector<128x64xf32>, vector<128x64xf32> -> vector<128x128xf32>
    %concatenate3A_4 = tpu.concatenate %concatenate3A, %concatenate3A_3 in 0 : vector<128x128xf32>, vector<128x128xf32> -> vector<256x128xf32>
    %get3A_5 = arith.constant 0 : index
    %get3A_6 = arith.constant 0 : index
    %get3A_7 = vector.load %arg3[%get3A_5, %get3A_6] : memref<64x64xf32, #tpu.memory_space<vmem>>, vector<64x64xf32>
    %broadcast_in_dim3A_8 = arith.constant 0.000000e+00 : f32
    %broadcast_in_dim3A_9 = vector.broadcast %broadcast_in_dim3A_8 : f32 to vector<64x64xf32>
    %concatenate3A_10 = tpu.concatenate %get3A_7, %broadcast_in_dim3A_9 in 1 : vector<64x64xf32>, vector<64x64xf32> -> vector<64x128xf32>
    %concatenate3A_11 = tpu.concatenate %broadcast_in_dim3A_9, %get3A_7 in 1 : vector<64x64xf32>, vector<64x64xf32> -> vector<64x128xf32>
    %concatenate3A_12 = tpu.concatenate %concatenate3A_10, %concatenate3A_11 in 0 : vector<64x128xf32>, vector<64x128xf32> -> vector<128x128xf32>
    %get3A_13 = arith.constant 0 : index
    %get3A_14 = arith.constant 0 : index
    %get3A_15 = vector.load %arg2[%get3A_13, %get3A_14] : memref<1x64xf32, #tpu.memory_space<vmem>>, vector<1x64xf32>
    %get3A_16 = arith.constant 0 : index
    %get3A_17 = arith.constant 0 : index
    %get3A_18 = vector.load %arg2[%get3A_16, %get3A_17] : memref<1x64xf32, #tpu.memory_space<vmem>>, vector<1x64xf32>
    %concatenate3A_19 = tpu.concatenate %get3A_15, %get3A_18 in 1 : vector<1x64xf32>, vector<1x64xf32> -> vector<1x128xf32>
    %get3A_20 = arith.constant 0 : index
    %get3A_21 = arith.constant 0 : index
    %get3A_22 = vector.load %arg4[%get3A_20, %get3A_21] : memref<1x64xf32, #tpu.memory_space<vmem>>, vector<1x64xf32>
    %get3A_23 = arith.constant 0 : index
    %get3A_24 = arith.constant 0 : index
    %get3A_25 = vector.load %arg4[%get3A_23, %get3A_24] : memref<1x64xf32, #tpu.memory_space<vmem>>, vector<1x64xf32>
    %concatenate3A_26 = tpu.concatenate %get3A_22, %get3A_25 in 1 : vector<1x64xf32>, vector<1x64xf32> -> vector<1x128xf32>
    %get3A_27 = arith.constant 0 : index
    %get3A_28 = arith.constant 0 : index
    %get3A_29 = vector.load %arg0[%get3A_27, %get3A_28] : memref<5000x256xf32, #tpu.memory_space<vmem>>, vector<5000x256xf32>
    %dot_general3A = arith.constant dense<0.000000e+00> : vector<5000x128xf32>
    %dot_general3A_30 = tpu.matmul %get3A_29, %concatenate3A_4, %dot_general3A {dimension_numbers = #tpu.dot_dimension_numbers<[1], [0], [0], [1], [0, 0, 1, 1], [], []>, transpose_lhs_hint = false} : vector<5000x256xf32>, vector<256x128xf32>, vector<5000x128xf32> -> vector<5000x128xf32>
    %add3A = vector.broadcast %concatenate3A_19 : vector<1x128xf32> to vector<5000x128xf32>
    %add3A_31 = arith.addf %dot_general3A_30, %add3A : vector<5000x128xf32>
    %reduce_sum3A = arith.constant dense<0.000000e+00> : vector<128xf32>
    %reduce_sum3A_32 = vector.multi_reduction <add>, %add3A_31, %reduce_sum3A [0] : vector<5000x128xf32> to vector<128xf32>
    %broadcast_in_dim3A_33 = vector.shape_cast %reduce_sum3A_32 : vector<128xf32> to vector<1x128xf32>
    %div3A = arith.constant 5.000000e+03 : f32
    %div3A_34 = vector.broadcast %div3A : f32 to vector<1x128xf32>
    %div3A_35 = arith.divf %broadcast_in_dim3A_33, %div3A_34 : vector<1x128xf32>
    %mul3A = arith.mulf %add3A_31, %add3A_31 : vector<5000x128xf32>
    %reduce_sum3A_36 = arith.constant dense<0.000000e+00> : vector<128xf32>
    %reduce_sum3A_37 = vector.multi_reduction <add>, %mul3A, %reduce_sum3A_36 [0] : vector<5000x128xf32> to vector<128xf32>
    %broadcast_in_dim3A_38 = vector.shape_cast %reduce_sum3A_37 : vector<128xf32> to vector<1x128xf32>
    %div3A_39 = arith.constant 5.000000e+03 : f32
    %div3A_40 = vector.broadcast %div3A_39 : f32 to vector<1x128xf32>
    %div3A_41 = arith.divf %broadcast_in_dim3A_38, %div3A_40 : vector<1x128xf32>
    %slice3A = vector.extract_strided_slice %div3A_35 {offsets = [0, 0], sizes = [1, 64], strides = [1, 1]} : vector<1x128xf32> to vector<1x64xf32>
    %slice3A_42 = vector.extract_strided_slice %div3A_35 {offsets = [0, 64], sizes = [1, 64], strides = [1, 1]} : vector<1x128xf32> to vector<1x64xf32>
    %add3A_43 = arith.addf %slice3A, %slice3A_42 : vector<1x64xf32>
    %mul3A_44 = arith.constant 5.000000e-01 : f32
    %mul3A_45 = vector.broadcast %mul3A_44 : f32 to vector<1x64xf32>
    %mul3A_46 = arith.mulf %mul3A_45, %add3A_43 : vector<1x64xf32>
    %slice3A_47 = vector.extract_strided_slice %div3A_41 {offsets = [0, 0], sizes = [1, 64], strides = [1, 1]} : vector<1x128xf32> to vector<1x64xf32>
    %slice3A_48 = vector.extract_strided_slice %div3A_41 {offsets = [0, 64], sizes = [1, 64], strides = [1, 1]} : vector<1x128xf32> to vector<1x64xf32>
    %add3A_49 = arith.addf %slice3A_47, %slice3A_48 : vector<1x64xf32>
    %mul3A_50 = arith.constant 5.000000e-01 : f32
    %mul3A_51 = vector.broadcast %mul3A_50 : f32 to vector<1x64xf32>
    %mul3A_52 = arith.mulf %mul3A_51, %add3A_49 : vector<1x64xf32>
    %mul3A_53 = arith.mulf %mul3A_46, %mul3A_46 : vector<1x64xf32>
    %sub3A = arith.subf %mul3A_52, %mul3A_53 : vector<1x64xf32>
    %concatenate3A_54 = tpu.concatenate %mul3A_46, %mul3A_46 in 1 : vector<1x64xf32>, vector<1x64xf32> -> vector<1x128xf32>
    %concatenate3A_55 = tpu.concatenate %sub3A, %sub3A in 1 : vector<1x64xf32>, vector<1x64xf32> -> vector<1x128xf32>
    %sub3A_56 = vector.broadcast %concatenate3A_54 : vector<1x128xf32> to vector<5000x128xf32>
    %sub3A_57 = arith.subf %add3A_31, %sub3A_56 : vector<5000x128xf32>
    %add3A_58 = arith.constant 9.99999974E-6 : f32
    %add3A_59 = vector.broadcast %add3A_58 : f32 to vector<1x128xf32>
    %add3A_60 = arith.addf %concatenate3A_55, %add3A_59 : vector<1x128xf32>
    %sqrt3A = math.sqrt %add3A_60 : vector<1x128xf32>
    %div3A_61 = vector.broadcast %sqrt3A : vector<1x128xf32> to vector<5000x128xf32>
    %div3A_62 = arith.divf %sub3A_57, %div3A_61 : vector<5000x128xf32>
    %max3A = arith.constant 0.000000e+00 : f32
    %max3A_63 = vector.broadcast %max3A : f32 to vector<5000x128xf32>
    %max3A_64 = arith.maximumf %div3A_62, %max3A_63 : vector<5000x128xf32>
    %dot_general3A_65 = arith.constant dense<0.000000e+00> : vector<5000x128xf32>
    %dot_general3A_66 = tpu.matmul %max3A_64, %concatenate3A_12, %dot_general3A_65 {dimension_numbers = #tpu.dot_dimension_numbers<[1], [0], [0], [1], [0, 0, 1, 1], [], []>, transpose_lhs_hint = false} : vector<5000x128xf32>, vector<128x128xf32>, vector<5000x128xf32> -> vector<5000x128xf32>
    %add3A_67 = vector.broadcast %concatenate3A_26 : vector<1x128xf32> to vector<5000x128xf32>
    %add3A_68 = arith.addf %dot_general3A_66, %add3A_67 : vector<5000x128xf32>
    %reduce_sum3A_69 = arith.constant dense<0.000000e+00> : vector<128xf32>
    %reduce_sum3A_70 = vector.multi_reduction <add>, %add3A_68, %reduce_sum3A_69 [0] : vector<5000x128xf32> to vector<128xf32>
    %broadcast_in_dim3A_71 = vector.shape_cast %reduce_sum3A_70 : vector<128xf32> to vector<1x128xf32>
    %div3A_72 = arith.constant 5.000000e+03 : f32
    %div3A_73 = vector.broadcast %div3A_72 : f32 to vector<1x128xf32>
    %div3A_74 = arith.divf %broadcast_in_dim3A_71, %div3A_73 : vector<1x128xf32>
    %mul3A_75 = arith.mulf %add3A_68, %add3A_68 : vector<5000x128xf32>
    %reduce_sum3A_76 = arith.constant dense<0.000000e+00> : vector<128xf32>
    %reduce_sum3A_77 = vector.multi_reduction <add>, %mul3A_75, %reduce_sum3A_76 [0] : vector<5000x128xf32> to vector<128xf32>
    %broadcast_in_dim3A_78 = vector.shape_cast %reduce_sum3A_77 : vector<128xf32> to vector<1x128xf32>
    %div3A_79 = arith.constant 5.000000e+03 : f32
    %div3A_80 = vector.broadcast %div3A_79 : f32 to vector<1x128xf32>
    %div3A_81 = arith.divf %broadcast_in_dim3A_78, %div3A_80 : vector<1x128xf32>
    %slice3A_82 = vector.extract_strided_slice %div3A_74 {offsets = [0, 0], sizes = [1, 64], strides = [1, 1]} : vector<1x128xf32> to vector<1x64xf32>
    %slice3A_83 = vector.extract_strided_slice %div3A_74 {offsets = [0, 64], sizes = [1, 64], strides = [1, 1]} : vector<1x128xf32> to vector<1x64xf32>
    %add3A_84 = arith.addf %slice3A_82, %slice3A_83 : vector<1x64xf32>
    %mul3A_85 = arith.constant 5.000000e-01 : f32
    %mul3A_86 = vector.broadcast %mul3A_85 : f32 to vector<1x64xf32>
    %mul3A_87 = arith.mulf %mul3A_86, %add3A_84 : vector<1x64xf32>
    %slice3A_88 = vector.extract_strided_slice %div3A_81 {offsets = [0, 0], sizes = [1, 64], strides = [1, 1]} : vector<1x128xf32> to vector<1x64xf32>
    %slice3A_89 = vector.extract_strided_slice %div3A_81 {offsets = [0, 64], sizes = [1, 64], strides = [1, 1]} : vector<1x128xf32> to vector<1x64xf32>
    %add3A_90 = arith.addf %slice3A_88, %slice3A_89 : vector<1x64xf32>
    %mul3A_91 = arith.constant 5.000000e-01 : f32
    %mul3A_92 = vector.broadcast %mul3A_91 : f32 to vector<1x64xf32>
    %mul3A_93 = arith.mulf %mul3A_92, %add3A_90 : vector<1x64xf32>
    %mul3A_94 = arith.mulf %mul3A_87, %mul3A_87 : vector<1x64xf32>
    %sub3A_95 = arith.subf %mul3A_93, %mul3A_94 : vector<1x64xf32>
    %concatenate3A_96 = tpu.concatenate %mul3A_87, %mul3A_87 in 1 : vector<1x64xf32>, vector<1x64xf32> -> vector<1x128xf32>
    %concatenate3A_97 = tpu.concatenate %sub3A_95, %sub3A_95 in 1 : vector<1x64xf32>, vector<1x64xf32> -> vector<1x128xf32>
    %sub3A_98 = vector.broadcast %concatenate3A_96 : vector<1x128xf32> to vector<5000x128xf32>
    %sub3A_99 = arith.subf %add3A_68, %sub3A_98 : vector<5000x128xf32>
    %add3A_100 = arith.constant 9.99999974E-6 : f32
    %add3A_101 = vector.broadcast %add3A_100 : f32 to vector<1x128xf32>
    %add3A_102 = arith.addf %concatenate3A_97, %add3A_101 : vector<1x128xf32>
    %sqrt3A_103 = math.sqrt %add3A_102 : vector<1x128xf32>
    %div3A_104 = vector.broadcast %sqrt3A_103 : vector<1x128xf32> to vector<5000x128xf32>
    %div3A_105 = arith.divf %sub3A_99, %div3A_104 : vector<5000x128xf32>
    %max3A_106 = arith.constant 0.000000e+00 : f32
    %max3A_107 = vector.broadcast %max3A_106 : f32 to vector<5000x128xf32>
    %max3A_108 = arith.maximumf %div3A_105, %max3A_107 : vector<5000x128xf32>
    %swap3A = arith.constant 0 : index
    %swap3A_109 = arith.constant 0 : index
    %swap3A_110 = vector.load %arg11[%swap3A, %swap3A_109] : memref<5000x128xf32, #tpu.memory_space<vmem>>, vector<5000x128xf32>
    tpu.vector_store %arg11[%swap3A, %swap3A_109], %max3A_108 {strides = array<i32>} : memref<5000x128xf32, #tpu.memory_space<vmem>>, vector<5000x128xf32>,
    %get3A_111 = arith.constant 0 : index
    %get3A_112 = arith.constant 0 : index
    %get3A_113 = vector.load %arg5[%get3A_111, %get3A_112] : memref<64x16xf32, #tpu.memory_space<vmem>>, vector<64x16xf32>
    %broadcast_in_dim3A_114 = arith.constant 0.000000e+00 : f32
    %broadcast_in_dim3A_115 = vector.broadcast %broadcast_in_dim3A_114 : f32 to vector<64x16xf32>
    %concatenate3A_116 = tpu.concatenate %get3A_113, %broadcast_in_dim3A_115 in 1 : vector<64x16xf32>, vector<64x16xf32> -> vector<64x32xf32>
    %concatenate3A_117 = tpu.concatenate %broadcast_in_dim3A_115, %get3A_113 in 1 : vector<64x16xf32>, vector<64x16xf32> -> vector<64x32xf32>
    %concatenate3A_118 = tpu.concatenate %concatenate3A_116, %concatenate3A_117 in 0 : vector<64x32xf32>, vector<64x32xf32> -> vector<128x32xf32>
    %get3A_119 = arith.constant 0 : index
    %get3A_120 = arith.constant 0 : index
    %get3A_121 = vector.load %arg6[%get3A_119, %get3A_120] : memref<1x16xf32, #tpu.memory_space<vmem>>, vector<1x16xf32>
    %get3A_122 = arith.constant 0 : index
    %get3A_123 = arith.constant 0 : index
    %get3A_124 = vector.load %arg6[%get3A_122, %get3A_123] : memref<1x16xf32, #tpu.memory_space<vmem>>, vector<1x16xf32>
    %concatenate3A_125 = tpu.concatenate %get3A_121, %get3A_124 in 1 : vector<1x16xf32>, vector<1x16xf32> -> vector<1x32xf32>
    %dot_general3A_126 = arith.constant dense<0.000000e+00> : vector<5000x32xf32>
    %dot_general3A_127 = tpu.matmul %max3A_108, %concatenate3A_118, %dot_general3A_126 {dimension_numbers = #tpu.dot_dimension_numbers<[1], [0], [0], [1], [0, 0, 1, 1], [], []>, transpose_lhs_hint = false} : vector<5000x128xf32>, vector<128x32xf32>, vector<5000x32xf32> -> vector<5000x32xf32>
    %add3A_128 = vector.broadcast %concatenate3A_125 : vector<1x32xf32> to vector<5000x32xf32>
    %add3A_129 = arith.addf %dot_general3A_127, %add3A_128 : vector<5000x32xf32>
    %swap3A_130 = arith.constant 0 : index
    %swap3A_131 = arith.constant 0 : index
    %swap3A_132 = vector.load %arg12[%swap3A_130, %swap3A_131] : memref<5120x32xf32, #tpu.memory_space<vmem>>, vector<5000x32xf32>
    tpu.vector_store %arg12[%swap3A_130, %swap3A_131], %add3A_129 {strides = array<i32>} : memref<5120x32xf32, #tpu.memory_space<vmem>>, vector<5000x32xf32>,
    %broadcast_in_dim3A_133 = arith.constant 0.000000e+00 : f32
    %broadcast_in_dim3A_134 = vector.broadcast %broadcast_in_dim3A_133 : f32 to vector<120x32xf32>
    %swap3A_135 = arith.constant 5000 : index
    %swap3A_136 = arith.constant 0 : index
    %swap3A_137 = vector.load %arg12[%swap3A_135, %swap3A_136] : memref<5120x32xf32, #tpu.memory_space<vmem>>, vector<120x32xf32>
    tpu.vector_store %arg12[%swap3A_135, %swap3A_136], %broadcast_in_dim3A_134 {strides = array<i32>} : memref<5120x32xf32, #tpu.memory_space<vmem>>, vector<120x32xf32>,
    %get3A_138 = arith.constant 0 : index
    %get3A_139 = arith.constant 0 : index
    %get3A_140 = vector.load %arg7[%get3A_138, %get3A_139] : memref<1x5xf32, #tpu.memory_space<vmem>>, vector<1x5xf32>
    %reduce_max3A = vector.shape_cast %get3A_140 : vector<1x5xf32> to vector<1x1x5xf32>
    %reduce_max3A_141 = arith.constant dense<0xFF800000> : vector<1xf32>
    %reduce_max3A_142 = vector.multi_reduction <maximumf>, %reduce_max3A, %reduce_max3A_141 [1, 2] : vector<1x1x5xf32> to vector<1xf32>
    %reduce_max3A_143 = vector.shape_cast %reduce_max3A_142 : vector<1xf32> to vector<1x1x1xf32>
    %reduce_max3A_144 = vector.extract %reduce_max3A_143[0, 0, 0] : f32 from vector<1x1x1xf32>
    %sub3A_145 = vector.broadcast %reduce_max3A_144 : f32 to vector<1x5xf32>
    %sub3A_146 = arith.subf %get3A_140, %sub3A_145 : vector<1x5xf32>
    %exp3A = math.exp %sub3A_146 : vector<1x5xf32>
    %reduce_sum3A_147 = vector.shape_cast %exp3A : vector<1x5xf32> to vector<1x1x5xf32>
    %reduce_sum3A_148 = arith.constant dense<0.000000e+00> : vector<1xf32>
    %reduce_sum3A_149 = vector.multi_reduction <add>, %reduce_sum3A_147, %reduce_sum3A_148 [1, 2] : vector<1x1x5xf32> to vector<1xf32>
    %reduce_sum3A_150 = vector.shape_cast %reduce_sum3A_149 : vector<1xf32> to vector<1x1x1xf32>
    %reduce_sum3A_151 = vector.extract %reduce_sum3A_150[0, 0, 0] : f32 from vector<1x1x1xf32>
    %div3A_152 = vector.broadcast %reduce_sum3A_151 : f32 to vector<1x5xf32>
    %div3A_153 = arith.divf %exp3A, %div3A_152 : vector<1x5xf32>
    %slice3A_154 = vector.extract_strided_slice %div3A_153 {offsets = [0, 0], sizes = [1, 1], strides = [1, 1]} : vector<1x5xf32> to vector<1x1xf32>
    %squeeze3A = vector.extract %slice3A_154[0, 0] : f32 from vector<1x1xf32>
    %mul3A_155 = vector.broadcast %squeeze3A : f32 to vector<5000x128xf32>
    %mul3A_156 = arith.mulf %mul3A_155, %max3A_108 : vector<5000x128xf32>
    %swap3A_157 = arith.constant 0 : index
    %swap3A_158 = arith.constant 0 : index
    %swap3A_159 = vector.load %arg13[%swap3A_157, %swap3A_158] : memref<25000x128xf32, #tpu.memory_space<vmem>>, vector<5000x128xf32>
    tpu.vector_store %arg13[%swap3A_157, %swap3A_158], %mul3A_156 {strides = array<i32>} : memref<25000x128xf32, #tpu.memory_space<vmem>>, vector<5000x128xf32>,
    %slice3A_160 = vector.extract_strided_slice %div3A_153 {offsets = [0, 1], sizes = [1, 1], strides = [1, 1]} : vector<1x5xf32> to vector<1x1xf32>
    %squeeze3A_161 = vector.extract %slice3A_160[0, 0] : f32 from vector<1x1xf32>
    %mul3A_162 = vector.broadcast %squeeze3A_161 : f32 to vector<5000x128xf32>
    %mul3A_163 = arith.mulf %mul3A_162, %max3A_108 : vector<5000x128xf32>
    %swap3A_164 = arith.constant 5000 : index
    %swap3A_165 = arith.constant 0 : index
    %swap3A_166 = vector.load %arg13[%swap3A_164, %swap3A_165] : memref<25000x128xf32, #tpu.memory_space<vmem>>, vector<5000x128xf32>
    tpu.vector_store %arg13[%swap3A_164, %swap3A_165], %mul3A_163 {strides = array<i32>} : memref<25000x128xf32, #tpu.memory_space<vmem>>, vector<5000x128xf32>,
    %slice3A_167 = vector.extract_strided_slice %div3A_153 {offsets = [0, 2], sizes = [1, 1], strides = [1, 1]} : vector<1x5xf32> to vector<1x1xf32>
    %squeeze3A_168 = vector.extract %slice3A_167[0, 0] : f32 from vector<1x1xf32>
    %mul3A_169 = vector.broadcast %squeeze3A_168 : f32 to vector<5000x128xf32>
    %mul3A_170 = arith.mulf %mul3A_169, %max3A_108 : vector<5000x128xf32>
    %swap3A_171 = arith.constant 10000 : index
    %swap3A_172 = arith.constant 0 : index
    %swap3A_173 = vector.load %arg13[%swap3A_171, %swap3A_172] : memref<25000x128xf32, #tpu.memory_space<vmem>>, vector<5000x128xf32>
    tpu.vector_store %arg13[%swap3A_171, %swap3A_172], %mul3A_170 {strides = array<i32>} : memref<25000x128xf32, #tpu.memory_space<vmem>>, vector<5000x128xf32>,
    %slice3A_174 = vector.extract_strided_slice %div3A_153 {offsets = [0, 3], sizes = [1, 1], strides = [1, 1]} : vector<1x5xf32> to vector<1x1xf32>
    %squeeze3A_175 = vector.extract %slice3A_174[0, 0] : f32 from vector<1x1xf32>
    %mul3A_176 = vector.broadcast %squeeze3A_175 : f32 to vector<5000x128xf32>
    %mul3A_177 = arith.mulf %mul3A_176, %max3A_108 : vector<5000x128xf32>
    %swap3A_178 = arith.constant 15000 : index
    %swap3A_179 = arith.constant 0 : index
    %swap3A_180 = vector.load %arg13[%swap3A_178, %swap3A_179] : memref<25000x128xf32, #tpu.memory_space<vmem>>, vector<5000x128xf32>
    tpu.vector_store %arg13[%swap3A_178, %swap3A_179], %mul3A_177 {strides = array<i32>} : memref<25000x128xf32, #tpu.memory_space<vmem>>, vector<5000x128xf32>,
    %slice3A_181 = vector.extract_strided_slice %div3A_153 {offsets = [0, 4], sizes = [1, 1], strides = [1, 1]} : vector<1x5xf32> to vector<1x1xf32>
    %squeeze3A_182 = vector.extract %slice3A_181[0, 0] : f32 from vector<1x1xf32>
    %mul3A_183 = vector.broadcast %squeeze3A_182 : f32 to vector<5000x128xf32>
    %mul3A_184 = arith.mulf %mul3A_183, %max3A_108 : vector<5000x128xf32>
    %swap3A_185 = arith.constant 20000 : index
    %swap3A_186 = arith.constant 0 : index
    %swap3A_187 = vector.load %arg13[%swap3A_185, %swap3A_186] : memref<25000x128xf32, #tpu.memory_space<vmem>>, vector<5000x128xf32>
    tpu.vector_store %arg13[%swap3A_185, %swap3A_186], %mul3A_184 {strides = array<i32>} : memref<25000x128xf32, #tpu.memory_space<vmem>>, vector<5000x128xf32>,
    %get3A_188 = arith.constant 0 : index
    %get3A_189 = arith.constant 0 : index
    %get3A_190 = vector.load %arg8[%get3A_188, %get3A_189] : memref<2500x128xi32, #tpu.memory_space<vmem>>, vector<2500x128xi32>
    %get3A_191 = arith.constant 0 : index
    %get3A_192 = arith.constant 0 : index
    %get3A_193 = vector.load %arg9[%get3A_191, %get3A_192] : memref<2500x128xi32, #tpu.memory_space<vmem>>, vector<2500x128xi32>
    %mul3A_194 = arith.constant 10000 : i32
    %mul3A_195 = vector.broadcast %mul3A_194 : i32 to vector<2500x128xi32>
    %mul3A_196 = arith.muli %mul3A_195, %get3A_193 : vector<2500x128xi32>
    %add3A_197 = arith.addi %get3A_190, %mul3A_196 : vector<2500x128xi32>
    %swap3A_198 = arith.constant 0 : index
    %swap3A_199 = arith.constant 0 : index
    %swap3A_200 = vector.load %arg14[%swap3A_198, %swap3A_199] : memref<2500x128xi32, #tpu.memory_space<vmem>>, vector<2500x128xi32>
    tpu.vector_store %arg14[%swap3A_198, %swap3A_199], %add3A_197 {strides = array<i32>} : memref<2500x128xi32, #tpu.memory_space<vmem>>, vector<2500x128xi32>,
    %iota3A = tpu.iota {dimensions = array<i32: 1>} : vector<1x16xi32>
    %get3A_201 = arith.constant 0 : index
    %get3A_202 = arith.constant 0 : index
    %get3A_203 = vector.load %arg10[%get3A_201, %get3A_202] : memref<5120x2xi32, #tpu.memory_space<vmem>>, vector<5120x2xi32>
    %slice3A_204 = vector.extract_strided_slice %get3A_203 {offsets = [0, 0], sizes = [5120, 1], strides = [1, 1]} : vector<5120x2xi32> to vector<5120x1xi32>
    %mul3A_205 = arith.constant 16 : i32
    %mul3A_206 = vector.broadcast %mul3A_205 : i32 to vector<5120x1xi32>
    %mul3A_207 = arith.muli %slice3A_204, %mul3A_206 : vector<5120x1xi32>
    %add3A_208 = vector.broadcast %mul3A_207 : vector<5120x1xi32> to vector<5120x16xi32>
    %add3A_209 = vector.broadcast %iota3A : vector<1x16xi32> to vector<5120x16xi32>
    %add3A_210 = arith.addi %add3A_208, %add3A_209 : vector<5120x16xi32>
    %slice3A_211 = vector.extract_strided_slice %get3A_203 {offsets = [0, 1], sizes = [5120, 1], strides = [1, 1]} : vector<5120x2xi32> to vector<5120x1xi32>
    %mul3A_212 = arith.constant 16 : i32
    %mul3A_213 = vector.broadcast %mul3A_212 : i32 to vector<5120x1xi32>
    %mul3A_214 = arith.muli %slice3A_211, %mul3A_213 : vector<5120x1xi32>
    %add3A_215 = vector.broadcast %mul3A_214 : vector<5120x1xi32> to vector<5120x16xi32>
    %add3A_216 = vector.broadcast %iota3A : vector<1x16xi32> to vector<5120x16xi32>
    %add3A_217 = arith.addi %add3A_215, %add3A_216 : vector<5120x16xi32>
    %concatenate3A_218 = tpu.concatenate %add3A_210, %add3A_217 in 1 : vector<5120x16xi32>, vector<5120x16xi32> -> vector<5120x32xi32>
    %swap3A_219 = arith.constant 0 : index
    %swap3A_220 = arith.constant 0 : index
    %swap3A_221 = vector.load %arg15[%swap3A_219, %swap3A_220] : memref<5120x32xi32, #tpu.memory_space<vmem>>, vector<5120x32xi32>
    tpu.vector_store %arg15[%swap3A_219, %swap3A_220], %concatenate3A_218 {strides = array<i32>} : memref<5120x32xi32, #tpu.memory_space<vmem>>, vector<5120x32xi32>,
    return
  }
}

module attributes {stable_mosaic.version = 14 : i64} {
  func.func @_layer_body(%arg0: memref<5000x128xf32, #tpu.memory_space<vmem>>, %arg1: memref<5120x128xf32, #tpu.memory_space<vmem>>, %arg2: memref<5120x128xf32, #tpu.memory_space<vmem>>, %arg3: memref<64x64xf32, #tpu.memory_space<vmem>>, %arg4: memref<1x64xf32, #tpu.memory_space<vmem>>, %arg5: memref<64x64xf32, #tpu.memory_space<vmem>>, %arg6: memref<1x64xf32, #tpu.memory_space<vmem>>, %arg7: memref<64x16xf32, #tpu.memory_space<vmem>>, %arg8: memref<1x16xf32, #tpu.memory_space<vmem>>, %arg9: memref<1x5xf32, #tpu.memory_space<vmem>>, %arg10: memref<5000x128xf32, #tpu.memory_space<vmem>>, %arg11: memref<5120x32xf32, #tpu.memory_space<vmem>>, %arg12: memref<25000x128xf32, #tpu.memory_space<vmem>>) attributes {dimension_semantics = [], scalar_prefetch = 0 : i64, scratch_operands = 0 : i64, tpu.core_type = #tpu.core_type<tc>} {
    %get3A = arith.constant 0 : index
    %get3A_0 = arith.constant 0 : index
    %get3A_1 = vector.load %arg3[%get3A, %get3A_0] : memref<64x64xf32, #tpu.memory_space<vmem>>, vector<64x64xf32>
    %broadcast_in_dim3A = arith.constant 0.000000e+00 : f32
    %broadcast_in_dim3A_2 = vector.broadcast %broadcast_in_dim3A : f32 to vector<64x64xf32>
    %concatenate3A = tpu.concatenate %get3A_1, %broadcast_in_dim3A_2 in 1 : vector<64x64xf32>, vector<64x64xf32> -> vector<64x128xf32>
    %concatenate3A_3 = tpu.concatenate %broadcast_in_dim3A_2, %get3A_1 in 1 : vector<64x64xf32>, vector<64x64xf32> -> vector<64x128xf32>
    %concatenate3A_4 = tpu.concatenate %concatenate3A, %concatenate3A_3 in 0 : vector<64x128xf32>, vector<64x128xf32> -> vector<128x128xf32>
    %get3A_5 = arith.constant 0 : index
    %get3A_6 = arith.constant 0 : index
    %get3A_7 = vector.load %arg5[%get3A_5, %get3A_6] : memref<64x64xf32, #tpu.memory_space<vmem>>, vector<64x64xf32>
    %broadcast_in_dim3A_8 = arith.constant 0.000000e+00 : f32
    %broadcast_in_dim3A_9 = vector.broadcast %broadcast_in_dim3A_8 : f32 to vector<64x64xf32>
    %concatenate3A_10 = tpu.concatenate %get3A_7, %broadcast_in_dim3A_9 in 1 : vector<64x64xf32>, vector<64x64xf32> -> vector<64x128xf32>
    %concatenate3A_11 = tpu.concatenate %broadcast_in_dim3A_9, %get3A_7 in 1 : vector<64x64xf32>, vector<64x64xf32> -> vector<64x128xf32>
    %concatenate3A_12 = tpu.concatenate %concatenate3A_10, %concatenate3A_11 in 0 : vector<64x128xf32>, vector<64x128xf32> -> vector<128x128xf32>
    %get3A_13 = arith.constant 0 : index
    %get3A_14 = arith.constant 0 : index
    %get3A_15 = vector.load %arg4[%get3A_13, %get3A_14] : memref<1x64xf32, #tpu.memory_space<vmem>>, vector<1x64xf32>
    %get3A_16 = arith.constant 0 : index
    %get3A_17 = arith.constant 0 : index
    %get3A_18 = vector.load %arg4[%get3A_16, %get3A_17] : memref<1x64xf32, #tpu.memory_space<vmem>>, vector<1x64xf32>
    %concatenate3A_19 = tpu.concatenate %get3A_15, %get3A_18 in 1 : vector<1x64xf32>, vector<1x64xf32> -> vector<1x128xf32>
    %get3A_20 = arith.constant 0 : index
    %get3A_21 = arith.constant 0 : index
    %get3A_22 = vector.load %arg6[%get3A_20, %get3A_21] : memref<1x64xf32, #tpu.memory_space<vmem>>, vector<1x64xf32>
    %get3A_23 = arith.constant 0 : index
    %get3A_24 = arith.constant 0 : index
    %get3A_25 = vector.load %arg6[%get3A_23, %get3A_24] : memref<1x64xf32, #tpu.memory_space<vmem>>, vector<1x64xf32>
    %concatenate3A_26 = tpu.concatenate %get3A_22, %get3A_25 in 1 : vector<1x64xf32>, vector<1x64xf32> -> vector<1x128xf32>
    %get3A_27 = arith.constant 0 : index
    %get3A_28 = arith.constant 0 : index
    %get3A_29 = vector.load %arg0[%get3A_27, %get3A_28] : memref<5000x128xf32, #tpu.memory_space<vmem>>, vector<5000x128xf32>
    %get3A_30 = arith.constant 0 : index
    %get3A_31 = arith.constant 0 : index
    %get3A_32 = vector.load %arg1[%get3A_30, %get3A_31] : memref<5120x128xf32, #tpu.memory_space<vmem>>, vector<5000x128xf32>
    %add3A = arith.addf %get3A_29, %get3A_32 : vector<5000x128xf32>
    %get3A_33 = arith.constant 0 : index
    %get3A_34 = arith.constant 0 : index
    %get3A_35 = vector.load %arg2[%get3A_33, %get3A_34] : memref<5120x128xf32, #tpu.memory_space<vmem>>, vector<5000x128xf32>
    %add3A_36 = arith.addf %add3A, %get3A_35 : vector<5000x128xf32>
    %dot_general3A = arith.constant dense<0.000000e+00> : vector<5000x128xf32>
    %dot_general3A_37 = tpu.matmul %add3A_36, %concatenate3A_4, %dot_general3A {dimension_numbers = #tpu.dot_dimension_numbers<[1], [0], [0], [1], [0, 0, 1, 1], [], []>, transpose_lhs_hint = false} : vector<5000x128xf32>, vector<128x128xf32>, vector<5000x128xf32> -> vector<5000x128xf32>
    %add3A_38 = vector.broadcast %concatenate3A_19 : vector<1x128xf32> to vector<5000x128xf32>
    %add3A_39 = arith.addf %dot_general3A_37, %add3A_38 : vector<5000x128xf32>
    %reduce_sum3A = arith.constant dense<0.000000e+00> : vector<128xf32>
    %reduce_sum3A_40 = vector.multi_reduction <add>, %add3A_39, %reduce_sum3A [0] : vector<5000x128xf32> to vector<128xf32>
    %broadcast_in_dim3A_41 = vector.shape_cast %reduce_sum3A_40 : vector<128xf32> to vector<1x128xf32>
    %div3A = arith.constant 5.000000e+03 : f32
    %div3A_42 = vector.broadcast %div3A : f32 to vector<1x128xf32>
    %div3A_43 = arith.divf %broadcast_in_dim3A_41, %div3A_42 : vector<1x128xf32>
    %mul3A = arith.mulf %add3A_39, %add3A_39 : vector<5000x128xf32>
    %reduce_sum3A_44 = arith.constant dense<0.000000e+00> : vector<128xf32>
    %reduce_sum3A_45 = vector.multi_reduction <add>, %mul3A, %reduce_sum3A_44 [0] : vector<5000x128xf32> to vector<128xf32>
    %broadcast_in_dim3A_46 = vector.shape_cast %reduce_sum3A_45 : vector<128xf32> to vector<1x128xf32>
    %div3A_47 = arith.constant 5.000000e+03 : f32
    %div3A_48 = vector.broadcast %div3A_47 : f32 to vector<1x128xf32>
    %div3A_49 = arith.divf %broadcast_in_dim3A_46, %div3A_48 : vector<1x128xf32>
    %slice3A = vector.extract_strided_slice %div3A_43 {offsets = [0, 0], sizes = [1, 64], strides = [1, 1]} : vector<1x128xf32> to vector<1x64xf32>
    %slice3A_50 = vector.extract_strided_slice %div3A_43 {offsets = [0, 64], sizes = [1, 64], strides = [1, 1]} : vector<1x128xf32> to vector<1x64xf32>
    %add3A_51 = arith.addf %slice3A, %slice3A_50 : vector<1x64xf32>
    %mul3A_52 = arith.constant 5.000000e-01 : f32
    %mul3A_53 = vector.broadcast %mul3A_52 : f32 to vector<1x64xf32>
    %mul3A_54 = arith.mulf %mul3A_53, %add3A_51 : vector<1x64xf32>
    %slice3A_55 = vector.extract_strided_slice %div3A_49 {offsets = [0, 0], sizes = [1, 64], strides = [1, 1]} : vector<1x128xf32> to vector<1x64xf32>
    %slice3A_56 = vector.extract_strided_slice %div3A_49 {offsets = [0, 64], sizes = [1, 64], strides = [1, 1]} : vector<1x128xf32> to vector<1x64xf32>
    %add3A_57 = arith.addf %slice3A_55, %slice3A_56 : vector<1x64xf32>
    %mul3A_58 = arith.constant 5.000000e-01 : f32
    %mul3A_59 = vector.broadcast %mul3A_58 : f32 to vector<1x64xf32>
    %mul3A_60 = arith.mulf %mul3A_59, %add3A_57 : vector<1x64xf32>
    %mul3A_61 = arith.mulf %mul3A_54, %mul3A_54 : vector<1x64xf32>
    %sub3A = arith.subf %mul3A_60, %mul3A_61 : vector<1x64xf32>
    %concatenate3A_62 = tpu.concatenate %mul3A_54, %mul3A_54 in 1 : vector<1x64xf32>, vector<1x64xf32> -> vector<1x128xf32>
    %concatenate3A_63 = tpu.concatenate %sub3A, %sub3A in 1 : vector<1x64xf32>, vector<1x64xf32> -> vector<1x128xf32>
    %sub3A_64 = vector.broadcast %concatenate3A_62 : vector<1x128xf32> to vector<5000x128xf32>
    %sub3A_65 = arith.subf %add3A_39, %sub3A_64 : vector<5000x128xf32>
    %add3A_66 = arith.constant 9.99999974E-6 : f32
    %add3A_67 = vector.broadcast %add3A_66 : f32 to vector<1x128xf32>
    %add3A_68 = arith.addf %concatenate3A_63, %add3A_67 : vector<1x128xf32>
    %sqrt3A = math.sqrt %add3A_68 : vector<1x128xf32>
    %div3A_69 = vector.broadcast %sqrt3A : vector<1x128xf32> to vector<5000x128xf32>
    %div3A_70 = arith.divf %sub3A_65, %div3A_69 : vector<5000x128xf32>
    %max3A = arith.constant 0.000000e+00 : f32
    %max3A_71 = vector.broadcast %max3A : f32 to vector<5000x128xf32>
    %max3A_72 = arith.maximumf %div3A_70, %max3A_71 : vector<5000x128xf32>
    %dot_general3A_73 = arith.constant dense<0.000000e+00> : vector<5000x128xf32>
    %dot_general3A_74 = tpu.matmul %max3A_72, %concatenate3A_12, %dot_general3A_73 {dimension_numbers = #tpu.dot_dimension_numbers<[1], [0], [0], [1], [0, 0, 1, 1], [], []>, transpose_lhs_hint = false} : vector<5000x128xf32>, vector<128x128xf32>, vector<5000x128xf32> -> vector<5000x128xf32>
    %add3A_75 = vector.broadcast %concatenate3A_26 : vector<1x128xf32> to vector<5000x128xf32>
    %add3A_76 = arith.addf %dot_general3A_74, %add3A_75 : vector<5000x128xf32>
    %reduce_sum3A_77 = arith.constant dense<0.000000e+00> : vector<128xf32>
    %reduce_sum3A_78 = vector.multi_reduction <add>, %add3A_76, %reduce_sum3A_77 [0] : vector<5000x128xf32> to vector<128xf32>
    %broadcast_in_dim3A_79 = vector.shape_cast %reduce_sum3A_78 : vector<128xf32> to vector<1x128xf32>
    %div3A_80 = arith.constant 5.000000e+03 : f32
    %div3A_81 = vector.broadcast %div3A_80 : f32 to vector<1x128xf32>
    %div3A_82 = arith.divf %broadcast_in_dim3A_79, %div3A_81 : vector<1x128xf32>
    %mul3A_83 = arith.mulf %add3A_76, %add3A_76 : vector<5000x128xf32>
    %reduce_sum3A_84 = arith.constant dense<0.000000e+00> : vector<128xf32>
    %reduce_sum3A_85 = vector.multi_reduction <add>, %mul3A_83, %reduce_sum3A_84 [0] : vector<5000x128xf32> to vector<128xf32>
    %broadcast_in_dim3A_86 = vector.shape_cast %reduce_sum3A_85 : vector<128xf32> to vector<1x128xf32>
    %div3A_87 = arith.constant 5.000000e+03 : f32
    %div3A_88 = vector.broadcast %div3A_87 : f32 to vector<1x128xf32>
    %div3A_89 = arith.divf %broadcast_in_dim3A_86, %div3A_88 : vector<1x128xf32>
    %slice3A_90 = vector.extract_strided_slice %div3A_82 {offsets = [0, 0], sizes = [1, 64], strides = [1, 1]} : vector<1x128xf32> to vector<1x64xf32>
    %slice3A_91 = vector.extract_strided_slice %div3A_82 {offsets = [0, 64], sizes = [1, 64], strides = [1, 1]} : vector<1x128xf32> to vector<1x64xf32>
    %add3A_92 = arith.addf %slice3A_90, %slice3A_91 : vector<1x64xf32>
    %mul3A_93 = arith.constant 5.000000e-01 : f32
    %mul3A_94 = vector.broadcast %mul3A_93 : f32 to vector<1x64xf32>
    %mul3A_95 = arith.mulf %mul3A_94, %add3A_92 : vector<1x64xf32>
    %slice3A_96 = vector.extract_strided_slice %div3A_89 {offsets = [0, 0], sizes = [1, 64], strides = [1, 1]} : vector<1x128xf32> to vector<1x64xf32>
    %slice3A_97 = vector.extract_strided_slice %div3A_89 {offsets = [0, 64], sizes = [1, 64], strides = [1, 1]} : vector<1x128xf32> to vector<1x64xf32>
    %add3A_98 = arith.addf %slice3A_96, %slice3A_97 : vector<1x64xf32>
    %mul3A_99 = arith.constant 5.000000e-01 : f32
    %mul3A_100 = vector.broadcast %mul3A_99 : f32 to vector<1x64xf32>
    %mul3A_101 = arith.mulf %mul3A_100, %add3A_98 : vector<1x64xf32>
    %mul3A_102 = arith.mulf %mul3A_95, %mul3A_95 : vector<1x64xf32>
    %sub3A_103 = arith.subf %mul3A_101, %mul3A_102 : vector<1x64xf32>
    %concatenate3A_104 = tpu.concatenate %mul3A_95, %mul3A_95 in 1 : vector<1x64xf32>, vector<1x64xf32> -> vector<1x128xf32>
    %concatenate3A_105 = tpu.concatenate %sub3A_103, %sub3A_103 in 1 : vector<1x64xf32>, vector<1x64xf32> -> vector<1x128xf32>
    %sub3A_106 = vector.broadcast %concatenate3A_104 : vector<1x128xf32> to vector<5000x128xf32>
    %sub3A_107 = arith.subf %add3A_76, %sub3A_106 : vector<5000x128xf32>
    %add3A_108 = arith.constant 9.99999974E-6 : f32
    %add3A_109 = vector.broadcast %add3A_108 : f32 to vector<1x128xf32>
    %add3A_110 = arith.addf %concatenate3A_105, %add3A_109 : vector<1x128xf32>
    %sqrt3A_111 = math.sqrt %add3A_110 : vector<1x128xf32>
    %div3A_112 = vector.broadcast %sqrt3A_111 : vector<1x128xf32> to vector<5000x128xf32>
    %div3A_113 = arith.divf %sub3A_107, %div3A_112 : vector<5000x128xf32>
    %max3A_114 = arith.constant 0.000000e+00 : f32
    %max3A_115 = vector.broadcast %max3A_114 : f32 to vector<5000x128xf32>
    %max3A_116 = arith.maximumf %div3A_113, %max3A_115 : vector<5000x128xf32>
    %swap3A = arith.constant 0 : index
    %swap3A_117 = arith.constant 0 : index
    %swap3A_118 = vector.load %arg10[%swap3A, %swap3A_117] : memref<5000x128xf32, #tpu.memory_space<vmem>>, vector<5000x128xf32>
    tpu.vector_store %arg10[%swap3A, %swap3A_117], %max3A_116 {strides = array<i32>} : memref<5000x128xf32, #tpu.memory_space<vmem>>, vector<5000x128xf32>,
    %get3A_119 = arith.constant 0 : index
    %get3A_120 = arith.constant 0 : index
    %get3A_121 = vector.load %arg7[%get3A_119, %get3A_120] : memref<64x16xf32, #tpu.memory_space<vmem>>, vector<64x16xf32>
    %broadcast_in_dim3A_122 = arith.constant 0.000000e+00 : f32
    %broadcast_in_dim3A_123 = vector.broadcast %broadcast_in_dim3A_122 : f32 to vector<64x16xf32>
    %concatenate3A_124 = tpu.concatenate %get3A_121, %broadcast_in_dim3A_123 in 1 : vector<64x16xf32>, vector<64x16xf32> -> vector<64x32xf32>
    %concatenate3A_125 = tpu.concatenate %broadcast_in_dim3A_123, %get3A_121 in 1 : vector<64x16xf32>, vector<64x16xf32> -> vector<64x32xf32>
    %concatenate3A_126 = tpu.concatenate %concatenate3A_124, %concatenate3A_125 in 0 : vector<64x32xf32>, vector<64x32xf32> -> vector<128x32xf32>
    %get3A_127 = arith.constant 0 : index
    %get3A_128 = arith.constant 0 : index
    %get3A_129 = vector.load %arg8[%get3A_127, %get3A_128] : memref<1x16xf32, #tpu.memory_space<vmem>>, vector<1x16xf32>
    %get3A_130 = arith.constant 0 : index
    %get3A_131 = arith.constant 0 : index
    %get3A_132 = vector.load %arg8[%get3A_130, %get3A_131] : memref<1x16xf32, #tpu.memory_space<vmem>>, vector<1x16xf32>
    %concatenate3A_133 = tpu.concatenate %get3A_129, %get3A_132 in 1 : vector<1x16xf32>, vector<1x16xf32> -> vector<1x32xf32>
    %dot_general3A_134 = arith.constant dense<0.000000e+00> : vector<5000x32xf32>
    %dot_general3A_135 = tpu.matmul %max3A_116, %concatenate3A_126, %dot_general3A_134 {dimension_numbers = #tpu.dot_dimension_numbers<[1], [0], [0], [1], [0, 0, 1, 1], [], []>, transpose_lhs_hint = false} : vector<5000x128xf32>, vector<128x32xf32>, vector<5000x32xf32> -> vector<5000x32xf32>
    %add3A_136 = vector.broadcast %concatenate3A_133 : vector<1x32xf32> to vector<5000x32xf32>
    %add3A_137 = arith.addf %dot_general3A_135, %add3A_136 : vector<5000x32xf32>
    %swap3A_138 = arith.constant 0 : index
    %swap3A_139 = arith.constant 0 : index
    %swap3A_140 = vector.load %arg11[%swap3A_138, %swap3A_139] : memref<5120x32xf32, #tpu.memory_space<vmem>>, vector<5000x32xf32>
    tpu.vector_store %arg11[%swap3A_138, %swap3A_139], %add3A_137 {strides = array<i32>} : memref<5120x32xf32, #tpu.memory_space<vmem>>, vector<5000x32xf32>,
    %broadcast_in_dim3A_141 = arith.constant 0.000000e+00 : f32
    %broadcast_in_dim3A_142 = vector.broadcast %broadcast_in_dim3A_141 : f32 to vector<120x32xf32>
    %swap3A_143 = arith.constant 5000 : index
    %swap3A_144 = arith.constant 0 : index
    %swap3A_145 = vector.load %arg11[%swap3A_143, %swap3A_144] : memref<5120x32xf32, #tpu.memory_space<vmem>>, vector<120x32xf32>
    tpu.vector_store %arg11[%swap3A_143, %swap3A_144], %broadcast_in_dim3A_142 {strides = array<i32>} : memref<5120x32xf32, #tpu.memory_space<vmem>>, vector<120x32xf32>,
    %get3A_146 = arith.constant 0 : index
    %get3A_147 = arith.constant 0 : index
    %get3A_148 = vector.load %arg9[%get3A_146, %get3A_147] : memref<1x5xf32, #tpu.memory_space<vmem>>, vector<1x5xf32>
    %reduce_max3A = vector.shape_cast %get3A_148 : vector<1x5xf32> to vector<1x1x5xf32>
    %reduce_max3A_149 = arith.constant dense<0xFF800000> : vector<1xf32>
    %reduce_max3A_150 = vector.multi_reduction <maximumf>, %reduce_max3A, %reduce_max3A_149 [1, 2] : vector<1x1x5xf32> to vector<1xf32>
    %reduce_max3A_151 = vector.shape_cast %reduce_max3A_150 : vector<1xf32> to vector<1x1x1xf32>
    %reduce_max3A_152 = vector.extract %reduce_max3A_151[0, 0, 0] : f32 from vector<1x1x1xf32>
    %sub3A_153 = vector.broadcast %reduce_max3A_152 : f32 to vector<1x5xf32>
    %sub3A_154 = arith.subf %get3A_148, %sub3A_153 : vector<1x5xf32>
    %exp3A = math.exp %sub3A_154 : vector<1x5xf32>
    %reduce_sum3A_155 = vector.shape_cast %exp3A : vector<1x5xf32> to vector<1x1x5xf32>
    %reduce_sum3A_156 = arith.constant dense<0.000000e+00> : vector<1xf32>
    %reduce_sum3A_157 = vector.multi_reduction <add>, %reduce_sum3A_155, %reduce_sum3A_156 [1, 2] : vector<1x1x5xf32> to vector<1xf32>
    %reduce_sum3A_158 = vector.shape_cast %reduce_sum3A_157 : vector<1xf32> to vector<1x1x1xf32>
    %reduce_sum3A_159 = vector.extract %reduce_sum3A_158[0, 0, 0] : f32 from vector<1x1x1xf32>
    %div3A_160 = vector.broadcast %reduce_sum3A_159 : f32 to vector<1x5xf32>
    %div3A_161 = arith.divf %exp3A, %div3A_160 : vector<1x5xf32>
    %slice3A_162 = vector.extract_strided_slice %div3A_161 {offsets = [0, 0], sizes = [1, 1], strides = [1, 1]} : vector<1x5xf32> to vector<1x1xf32>
    %squeeze3A = vector.extract %slice3A_162[0, 0] : f32 from vector<1x1xf32>
    %mul3A_163 = vector.broadcast %squeeze3A : f32 to vector<5000x128xf32>
    %mul3A_164 = arith.mulf %mul3A_163, %max3A_116 : vector<5000x128xf32>
    %swap3A_165 = arith.constant 0 : index
    %swap3A_166 = arith.constant 0 : index
    %swap3A_167 = vector.load %arg12[%swap3A_165, %swap3A_166] : memref<25000x128xf32, #tpu.memory_space<vmem>>, vector<5000x128xf32>
    tpu.vector_store %arg12[%swap3A_165, %swap3A_166], %mul3A_164 {strides = array<i32>} : memref<25000x128xf32, #tpu.memory_space<vmem>>, vector<5000x128xf32>,
    %slice3A_168 = vector.extract_strided_slice %div3A_161 {offsets = [0, 1], sizes = [1, 1], strides = [1, 1]} : vector<1x5xf32> to vector<1x1xf32>
    %squeeze3A_169 = vector.extract %slice3A_168[0, 0] : f32 from vector<1x1xf32>
    %mul3A_170 = vector.broadcast %squeeze3A_169 : f32 to vector<5000x128xf32>
    %mul3A_171 = arith.mulf %mul3A_170, %max3A_116 : vector<5000x128xf32>
    %swap3A_172 = arith.constant 5000 : index
    %swap3A_173 = arith.constant 0 : index
    %swap3A_174 = vector.load %arg12[%swap3A_172, %swap3A_173] : memref<25000x128xf32, #tpu.memory_space<vmem>>, vector<5000x128xf32>
    tpu.vector_store %arg12[%swap3A_172, %swap3A_173], %mul3A_171 {strides = array<i32>} : memref<25000x128xf32, #tpu.memory_space<vmem>>, vector<5000x128xf32>,
    %slice3A_175 = vector.extract_strided_slice %div3A_161 {offsets = [0, 2], sizes = [1, 1], strides = [1, 1]} : vector<1x5xf32> to vector<1x1xf32>
    %squeeze3A_176 = vector.extract %slice3A_175[0, 0] : f32 from vector<1x1xf32>
    %mul3A_177 = vector.broadcast %squeeze3A_176 : f32 to vector<5000x128xf32>
    %mul3A_178 = arith.mulf %mul3A_177, %max3A_116 : vector<5000x128xf32>
    %swap3A_179 = arith.constant 10000 : index
    %swap3A_180 = arith.constant 0 : index
    %swap3A_181 = vector.load %arg12[%swap3A_179, %swap3A_180] : memref<25000x128xf32, #tpu.memory_space<vmem>>, vector<5000x128xf32>
    tpu.vector_store %arg12[%swap3A_179, %swap3A_180], %mul3A_178 {strides = array<i32>} : memref<25000x128xf32, #tpu.memory_space<vmem>>, vector<5000x128xf32>,
    %slice3A_182 = vector.extract_strided_slice %div3A_161 {offsets = [0, 3], sizes = [1, 1], strides = [1, 1]} : vector<1x5xf32> to vector<1x1xf32>
    %squeeze3A_183 = vector.extract %slice3A_182[0, 0] : f32 from vector<1x1xf32>
    %mul3A_184 = vector.broadcast %squeeze3A_183 : f32 to vector<5000x128xf32>
    %mul3A_185 = arith.mulf %mul3A_184, %max3A_116 : vector<5000x128xf32>
    %swap3A_186 = arith.constant 15000 : index
    %swap3A_187 = arith.constant 0 : index
    %swap3A_188 = vector.load %arg12[%swap3A_186, %swap3A_187] : memref<25000x128xf32, #tpu.memory_space<vmem>>, vector<5000x128xf32>
    tpu.vector_store %arg12[%swap3A_186, %swap3A_187], %mul3A_185 {strides = array<i32>} : memref<25000x128xf32, #tpu.memory_space<vmem>>, vector<5000x128xf32>,
    %slice3A_189 = vector.extract_strided_slice %div3A_161 {offsets = [0, 4], sizes = [1, 1], strides = [1, 1]} : vector<1x5xf32> to vector<1x1xf32>
    %squeeze3A_190 = vector.extract %slice3A_189[0, 0] : f32 from vector<1x1xf32>
    %mul3A_191 = vector.broadcast %squeeze3A_190 : f32 to vector<5000x128xf32>
    %mul3A_192 = arith.mulf %mul3A_191, %max3A_116 : vector<5000x128xf32>
    %swap3A_193 = arith.constant 20000 : index
    %swap3A_194 = arith.constant 0 : index
    %swap3A_195 = vector.load %arg12[%swap3A_193, %swap3A_194] : memref<25000x128xf32, #tpu.memory_space<vmem>>, vector<5000x128xf32>
    tpu.vector_store %arg12[%swap3A_193, %swap3A_194], %mul3A_192 {strides = array<i32>} : memref<25000x128xf32, #tpu.memory_space<vmem>>, vector<5000x128xf32>,
    return
  }
}

module attributes {stable_mosaic.version = 14 : i64} {
  func.func @_layer_body(%arg0: memref<5000x128xf32, #tpu.memory_space<vmem>>, %arg1: memref<5120x128xf32, #tpu.memory_space<vmem>>, %arg2: memref<5120x128xf32, #tpu.memory_space<vmem>>, %arg3: memref<64x64xf32, #tpu.memory_space<vmem>>, %arg4: memref<1x64xf32, #tpu.memory_space<vmem>>, %arg5: memref<64x64xf32, #tpu.memory_space<vmem>>, %arg6: memref<1x64xf32, #tpu.memory_space<vmem>>, %arg7: memref<64x16xf32, #tpu.memory_space<vmem>>, %arg8: memref<1x16xf32, #tpu.memory_space<vmem>>, %arg9: memref<1x5xf32, #tpu.memory_space<vmem>>, %arg10: memref<5000x128xf32, #tpu.memory_space<vmem>>, %arg11: memref<5120x32xf32, #tpu.memory_space<vmem>>) attributes {dimension_semantics = [], scalar_prefetch = 0 : i64, scratch_operands = 0 : i64, tpu.core_type = #tpu.core_type<tc>} {
    %get3A = arith.constant 0 : index
    %get3A_0 = arith.constant 0 : index
    %get3A_1 = vector.load %arg3[%get3A, %get3A_0] : memref<64x64xf32, #tpu.memory_space<vmem>>, vector<64x64xf32>
    %broadcast_in_dim3A = arith.constant 0.000000e+00 : f32
    %broadcast_in_dim3A_2 = vector.broadcast %broadcast_in_dim3A : f32 to vector<64x64xf32>
    %concatenate3A = tpu.concatenate %get3A_1, %broadcast_in_dim3A_2 in 1 : vector<64x64xf32>, vector<64x64xf32> -> vector<64x128xf32>
    %concatenate3A_3 = tpu.concatenate %broadcast_in_dim3A_2, %get3A_1 in 1 : vector<64x64xf32>, vector<64x64xf32> -> vector<64x128xf32>
    %concatenate3A_4 = tpu.concatenate %concatenate3A, %concatenate3A_3 in 0 : vector<64x128xf32>, vector<64x128xf32> -> vector<128x128xf32>
    %get3A_5 = arith.constant 0 : index
    %get3A_6 = arith.constant 0 : index
    %get3A_7 = vector.load %arg5[%get3A_5, %get3A_6] : memref<64x64xf32, #tpu.memory_space<vmem>>, vector<64x64xf32>
    %broadcast_in_dim3A_8 = arith.constant 0.000000e+00 : f32
    %broadcast_in_dim3A_9 = vector.broadcast %broadcast_in_dim3A_8 : f32 to vector<64x64xf32>
    %concatenate3A_10 = tpu.concatenate %get3A_7, %broadcast_in_dim3A_9 in 1 : vector<64x64xf32>, vector<64x64xf32> -> vector<64x128xf32>
    %concatenate3A_11 = tpu.concatenate %broadcast_in_dim3A_9, %get3A_7 in 1 : vector<64x64xf32>, vector<64x64xf32> -> vector<64x128xf32>
    %concatenate3A_12 = tpu.concatenate %concatenate3A_10, %concatenate3A_11 in 0 : vector<64x128xf32>, vector<64x128xf32> -> vector<128x128xf32>
    %get3A_13 = arith.constant 0 : index
    %get3A_14 = arith.constant 0 : index
    %get3A_15 = vector.load %arg4[%get3A_13, %get3A_14] : memref<1x64xf32, #tpu.memory_space<vmem>>, vector<1x64xf32>
    %get3A_16 = arith.constant 0 : index
    %get3A_17 = arith.constant 0 : index
    %get3A_18 = vector.load %arg4[%get3A_16, %get3A_17] : memref<1x64xf32, #tpu.memory_space<vmem>>, vector<1x64xf32>
    %concatenate3A_19 = tpu.concatenate %get3A_15, %get3A_18 in 1 : vector<1x64xf32>, vector<1x64xf32> -> vector<1x128xf32>
    %get3A_20 = arith.constant 0 : index
    %get3A_21 = arith.constant 0 : index
    %get3A_22 = vector.load %arg6[%get3A_20, %get3A_21] : memref<1x64xf32, #tpu.memory_space<vmem>>, vector<1x64xf32>
    %get3A_23 = arith.constant 0 : index
    %get3A_24 = arith.constant 0 : index
    %get3A_25 = vector.load %arg6[%get3A_23, %get3A_24] : memref<1x64xf32, #tpu.memory_space<vmem>>, vector<1x64xf32>
    %concatenate3A_26 = tpu.concatenate %get3A_22, %get3A_25 in 1 : vector<1x64xf32>, vector<1x64xf32> -> vector<1x128xf32>
    %get3A_27 = arith.constant 0 : index
    %get3A_28 = arith.constant 0 : index
    %get3A_29 = vector.load %arg0[%get3A_27, %get3A_28] : memref<5000x128xf32, #tpu.memory_space<vmem>>, vector<5000x128xf32>
    %get3A_30 = arith.constant 0 : index
    %get3A_31 = arith.constant 0 : index
    %get3A_32 = vector.load %arg1[%get3A_30, %get3A_31] : memref<5120x128xf32, #tpu.memory_space<vmem>>, vector<5000x128xf32>
    %add3A = arith.addf %get3A_29, %get3A_32 : vector<5000x128xf32>
    %get3A_33 = arith.constant 0 : index
    %get3A_34 = arith.constant 0 : index
    %get3A_35 = vector.load %arg2[%get3A_33, %get3A_34] : memref<5120x128xf32, #tpu.memory_space<vmem>>, vector<5000x128xf32>
    %add3A_36 = arith.addf %add3A, %get3A_35 : vector<5000x128xf32>
    %dot_general3A = arith.constant dense<0.000000e+00> : vector<5000x128xf32>
    %dot_general3A_37 = tpu.matmul %add3A_36, %concatenate3A_4, %dot_general3A {dimension_numbers = #tpu.dot_dimension_numbers<[1], [0], [0], [1], [0, 0, 1, 1], [], []>, transpose_lhs_hint = false} : vector<5000x128xf32>, vector<128x128xf32>, vector<5000x128xf32> -> vector<5000x128xf32>
    %add3A_38 = vector.broadcast %concatenate3A_19 : vector<1x128xf32> to vector<5000x128xf32>
    %add3A_39 = arith.addf %dot_general3A_37, %add3A_38 : vector<5000x128xf32>
    %reduce_sum3A = arith.constant dense<0.000000e+00> : vector<128xf32>
    %reduce_sum3A_40 = vector.multi_reduction <add>, %add3A_39, %reduce_sum3A [0] : vector<5000x128xf32> to vector<128xf32>
    %broadcast_in_dim3A_41 = vector.shape_cast %reduce_sum3A_40 : vector<128xf32> to vector<1x128xf32>
    %div3A = arith.constant 5.000000e+03 : f32
    %div3A_42 = vector.broadcast %div3A : f32 to vector<1x128xf32>
    %div3A_43 = arith.divf %broadcast_in_dim3A_41, %div3A_42 : vector<1x128xf32>
    %mul3A = arith.mulf %add3A_39, %add3A_39 : vector<5000x128xf32>
    %reduce_sum3A_44 = arith.constant dense<0.000000e+00> : vector<128xf32>
    %reduce_sum3A_45 = vector.multi_reduction <add>, %mul3A, %reduce_sum3A_44 [0] : vector<5000x128xf32> to vector<128xf32>
    %broadcast_in_dim3A_46 = vector.shape_cast %reduce_sum3A_45 : vector<128xf32> to vector<1x128xf32>
    %div3A_47 = arith.constant 5.000000e+03 : f32
    %div3A_48 = vector.broadcast %div3A_47 : f32 to vector<1x128xf32>
    %div3A_49 = arith.divf %broadcast_in_dim3A_46, %div3A_48 : vector<1x128xf32>
    %slice3A = vector.extract_strided_slice %div3A_43 {offsets = [0, 0], sizes = [1, 64], strides = [1, 1]} : vector<1x128xf32> to vector<1x64xf32>
    %slice3A_50 = vector.extract_strided_slice %div3A_43 {offsets = [0, 64], sizes = [1, 64], strides = [1, 1]} : vector<1x128xf32> to vector<1x64xf32>
    %add3A_51 = arith.addf %slice3A, %slice3A_50 : vector<1x64xf32>
    %mul3A_52 = arith.constant 5.000000e-01 : f32
    %mul3A_53 = vector.broadcast %mul3A_52 : f32 to vector<1x64xf32>
    %mul3A_54 = arith.mulf %mul3A_53, %add3A_51 : vector<1x64xf32>
    %slice3A_55 = vector.extract_strided_slice %div3A_49 {offsets = [0, 0], sizes = [1, 64], strides = [1, 1]} : vector<1x128xf32> to vector<1x64xf32>
    %slice3A_56 = vector.extract_strided_slice %div3A_49 {offsets = [0, 64], sizes = [1, 64], strides = [1, 1]} : vector<1x128xf32> to vector<1x64xf32>
    %add3A_57 = arith.addf %slice3A_55, %slice3A_56 : vector<1x64xf32>
    %mul3A_58 = arith.constant 5.000000e-01 : f32
    %mul3A_59 = vector.broadcast %mul3A_58 : f32 to vector<1x64xf32>
    %mul3A_60 = arith.mulf %mul3A_59, %add3A_57 : vector<1x64xf32>
    %mul3A_61 = arith.mulf %mul3A_54, %mul3A_54 : vector<1x64xf32>
    %sub3A = arith.subf %mul3A_60, %mul3A_61 : vector<1x64xf32>
    %concatenate3A_62 = tpu.concatenate %mul3A_54, %mul3A_54 in 1 : vector<1x64xf32>, vector<1x64xf32> -> vector<1x128xf32>
    %concatenate3A_63 = tpu.concatenate %sub3A, %sub3A in 1 : vector<1x64xf32>, vector<1x64xf32> -> vector<1x128xf32>
    %sub3A_64 = vector.broadcast %concatenate3A_62 : vector<1x128xf32> to vector<5000x128xf32>
    %sub3A_65 = arith.subf %add3A_39, %sub3A_64 : vector<5000x128xf32>
    %add3A_66 = arith.constant 9.99999974E-6 : f32
    %add3A_67 = vector.broadcast %add3A_66 : f32 to vector<1x128xf32>
    %add3A_68 = arith.addf %concatenate3A_63, %add3A_67 : vector<1x128xf32>
    %sqrt3A = math.sqrt %add3A_68 : vector<1x128xf32>
    %div3A_69 = vector.broadcast %sqrt3A : vector<1x128xf32> to vector<5000x128xf32>
    %div3A_70 = arith.divf %sub3A_65, %div3A_69 : vector<5000x128xf32>
    %max3A = arith.constant 0.000000e+00 : f32
    %max3A_71 = vector.broadcast %max3A : f32 to vector<5000x128xf32>
    %max3A_72 = arith.maximumf %div3A_70, %max3A_71 : vector<5000x128xf32>
    %dot_general3A_73 = arith.constant dense<0.000000e+00> : vector<5000x128xf32>
    %dot_general3A_74 = tpu.matmul %max3A_72, %concatenate3A_12, %dot_general3A_73 {dimension_numbers = #tpu.dot_dimension_numbers<[1], [0], [0], [1], [0, 0, 1, 1], [], []>, transpose_lhs_hint = false} : vector<5000x128xf32>, vector<128x128xf32>, vector<5000x128xf32> -> vector<5000x128xf32>
    %add3A_75 = vector.broadcast %concatenate3A_26 : vector<1x128xf32> to vector<5000x128xf32>
    %add3A_76 = arith.addf %dot_general3A_74, %add3A_75 : vector<5000x128xf32>
    %reduce_sum3A_77 = arith.constant dense<0.000000e+00> : vector<128xf32>
    %reduce_sum3A_78 = vector.multi_reduction <add>, %add3A_76, %reduce_sum3A_77 [0] : vector<5000x128xf32> to vector<128xf32>
    %broadcast_in_dim3A_79 = vector.shape_cast %reduce_sum3A_78 : vector<128xf32> to vector<1x128xf32>
    %div3A_80 = arith.constant 5.000000e+03 : f32
    %div3A_81 = vector.broadcast %div3A_80 : f32 to vector<1x128xf32>
    %div3A_82 = arith.divf %broadcast_in_dim3A_79, %div3A_81 : vector<1x128xf32>
    %mul3A_83 = arith.mulf %add3A_76, %add3A_76 : vector<5000x128xf32>
    %reduce_sum3A_84 = arith.constant dense<0.000000e+00> : vector<128xf32>
    %reduce_sum3A_85 = vector.multi_reduction <add>, %mul3A_83, %reduce_sum3A_84 [0] : vector<5000x128xf32> to vector<128xf32>
    %broadcast_in_dim3A_86 = vector.shape_cast %reduce_sum3A_85 : vector<128xf32> to vector<1x128xf32>
    %div3A_87 = arith.constant 5.000000e+03 : f32
    %div3A_88 = vector.broadcast %div3A_87 : f32 to vector<1x128xf32>
    %div3A_89 = arith.divf %broadcast_in_dim3A_86, %div3A_88 : vector<1x128xf32>
    %slice3A_90 = vector.extract_strided_slice %div3A_82 {offsets = [0, 0], sizes = [1, 64], strides = [1, 1]} : vector<1x128xf32> to vector<1x64xf32>
    %slice3A_91 = vector.extract_strided_slice %div3A_82 {offsets = [0, 64], sizes = [1, 64], strides = [1, 1]} : vector<1x128xf32> to vector<1x64xf32>
    %add3A_92 = arith.addf %slice3A_90, %slice3A_91 : vector<1x64xf32>
    %mul3A_93 = arith.constant 5.000000e-01 : f32
    %mul3A_94 = vector.broadcast %mul3A_93 : f32 to vector<1x64xf32>
    %mul3A_95 = arith.mulf %mul3A_94, %add3A_92 : vector<1x64xf32>
    %slice3A_96 = vector.extract_strided_slice %div3A_89 {offsets = [0, 0], sizes = [1, 64], strides = [1, 1]} : vector<1x128xf32> to vector<1x64xf32>
    %slice3A_97 = vector.extract_strided_slice %div3A_89 {offsets = [0, 64], sizes = [1, 64], strides = [1, 1]} : vector<1x128xf32> to vector<1x64xf32>
    %add3A_98 = arith.addf %slice3A_96, %slice3A_97 : vector<1x64xf32>
    %mul3A_99 = arith.constant 5.000000e-01 : f32
    %mul3A_100 = vector.broadcast %mul3A_99 : f32 to vector<1x64xf32>
    %mul3A_101 = arith.mulf %mul3A_100, %add3A_98 : vector<1x64xf32>
    %mul3A_102 = arith.mulf %mul3A_95, %mul3A_95 : vector<1x64xf32>
    %sub3A_103 = arith.subf %mul3A_101, %mul3A_102 : vector<1x64xf32>
    %concatenate3A_104 = tpu.concatenate %mul3A_95, %mul3A_95 in 1 : vector<1x64xf32>, vector<1x64xf32> -> vector<1x128xf32>
    %concatenate3A_105 = tpu.concatenate %sub3A_103, %sub3A_103 in 1 : vector<1x64xf32>, vector<1x64xf32> -> vector<1x128xf32>
    %sub3A_106 = vector.broadcast %concatenate3A_104 : vector<1x128xf32> to vector<5000x128xf32>
    %sub3A_107 = arith.subf %add3A_76, %sub3A_106 : vector<5000x128xf32>
    %add3A_108 = arith.constant 9.99999974E-6 : f32
    %add3A_109 = vector.broadcast %add3A_108 : f32 to vector<1x128xf32>
    %add3A_110 = arith.addf %concatenate3A_105, %add3A_109 : vector<1x128xf32>
    %sqrt3A_111 = math.sqrt %add3A_110 : vector<1x128xf32>
    %div3A_112 = vector.broadcast %sqrt3A_111 : vector<1x128xf32> to vector<5000x128xf32>
    %div3A_113 = arith.divf %sub3A_107, %div3A_112 : vector<5000x128xf32>
    %max3A_114 = arith.constant 0.000000e+00 : f32
    %max3A_115 = vector.broadcast %max3A_114 : f32 to vector<5000x128xf32>
    %max3A_116 = arith.maximumf %div3A_113, %max3A_115 : vector<5000x128xf32>
    %swap3A = arith.constant 0 : index
    %swap3A_117 = arith.constant 0 : index
    %swap3A_118 = vector.load %arg10[%swap3A, %swap3A_117] : memref<5000x128xf32, #tpu.memory_space<vmem>>, vector<5000x128xf32>
    tpu.vector_store %arg10[%swap3A, %swap3A_117], %max3A_116 {strides = array<i32>} : memref<5000x128xf32, #tpu.memory_space<vmem>>, vector<5000x128xf32>,
    %get3A_119 = arith.constant 0 : index
    %get3A_120 = arith.constant 0 : index
    %get3A_121 = vector.load %arg7[%get3A_119, %get3A_120] : memref<64x16xf32, #tpu.memory_space<vmem>>, vector<64x16xf32>
    %broadcast_in_dim3A_122 = arith.constant 0.000000e+00 : f32
    %broadcast_in_dim3A_123 = vector.broadcast %broadcast_in_dim3A_122 : f32 to vector<64x16xf32>
    %concatenate3A_124 = tpu.concatenate %get3A_121, %broadcast_in_dim3A_123 in 1 : vector<64x16xf32>, vector<64x16xf32> -> vector<64x32xf32>
    %concatenate3A_125 = tpu.concatenate %broadcast_in_dim3A_123, %get3A_121 in 1 : vector<64x16xf32>, vector<64x16xf32> -> vector<64x32xf32>
    %concatenate3A_126 = tpu.concatenate %concatenate3A_124, %concatenate3A_125 in 0 : vector<64x32xf32>, vector<64x32xf32> -> vector<128x32xf32>
    %get3A_127 = arith.constant 0 : index
    %get3A_128 = arith.constant 0 : index
    %get3A_129 = vector.load %arg8[%get3A_127, %get3A_128] : memref<1x16xf32, #tpu.memory_space<vmem>>, vector<1x16xf32>
    %get3A_130 = arith.constant 0 : index
    %get3A_131 = arith.constant 0 : index
    %get3A_132 = vector.load %arg8[%get3A_130, %get3A_131] : memref<1x16xf32, #tpu.memory_space<vmem>>, vector<1x16xf32>
    %concatenate3A_133 = tpu.concatenate %get3A_129, %get3A_132 in 1 : vector<1x16xf32>, vector<1x16xf32> -> vector<1x32xf32>
    %dot_general3A_134 = arith.constant dense<0.000000e+00> : vector<5000x32xf32>
    %dot_general3A_135 = tpu.matmul %max3A_116, %concatenate3A_126, %dot_general3A_134 {dimension_numbers = #tpu.dot_dimension_numbers<[1], [0], [0], [1], [0, 0, 1, 1], [], []>, transpose_lhs_hint = false} : vector<5000x128xf32>, vector<128x32xf32>, vector<5000x32xf32> -> vector<5000x32xf32>
    %add3A_136 = vector.broadcast %concatenate3A_133 : vector<1x32xf32> to vector<5000x32xf32>
    %add3A_137 = arith.addf %dot_general3A_135, %add3A_136 : vector<5000x32xf32>
    %swap3A_138 = arith.constant 0 : index
    %swap3A_139 = arith.constant 0 : index
    %swap3A_140 = vector.load %arg11[%swap3A_138, %swap3A_139] : memref<5120x32xf32, #tpu.memory_space<vmem>>, vector<5000x32xf32>
    tpu.vector_store %arg11[%swap3A_138, %swap3A_139], %add3A_137 {strides = array<i32>} : memref<5120x32xf32, #tpu.memory_space<vmem>>, vector<5000x32xf32>,
    %broadcast_in_dim3A_141 = arith.constant 0.000000e+00 : f32
    %broadcast_in_dim3A_142 = vector.broadcast %broadcast_in_dim3A_141 : f32 to vector<120x32xf32>
    %swap3A_143 = arith.constant 5000 : index
    %swap3A_144 = arith.constant 0 : index
    %swap3A_145 = vector.load %arg11[%swap3A_143, %swap3A_144] : memref<5120x32xf32, #tpu.memory_space<vmem>>, vector<120x32xf32>
    tpu.vector_store %arg11[%swap3A_143, %swap3A_144], %broadcast_in_dim3A_142 {strides = array<i32>} : memref<5120x32xf32, #tpu.memory_space<vmem>>, vector<120x32xf32>,
    return
  }
}

module attributes {stable_mosaic.version = 14 : i64} {
  func.func @_combine_body(%arg0: memref<32x128x16xf32, #tpu.memory_space<vmem>>, %arg1: memref<32x128x16xf32, #tpu.memory_space<vmem>>, %arg2: memref<32x128x16xf32, #tpu.memory_space<vmem>>, %arg3: memref<128x16xf32, #tpu.memory_space<vmem>>) attributes {dimension_semantics = [], scalar_prefetch = 0 : i64, scratch_operands = 0 : i64, tpu.core_type = #tpu.core_type<tc>} {
    %get3A = arith.constant 0 : index
    %get3A_0 = arith.constant 0 : index
    %get3A_1 = arith.constant 0 : index
    %get3A_2 = vector.load %arg0[%get3A, %get3A_0, %get3A_1] : memref<32x128x16xf32, #tpu.memory_space<vmem>>, vector<32x128x16xf32>
    %reduce_max3A = arith.constant dense<0xFF800000> : vector<128x16xf32>
    %reduce_max3A_3 = vector.multi_reduction <maximumf>, %get3A_2, %reduce_max3A [0] : vector<32x128x16xf32> to vector<128x16xf32>
    %get3A_4 = arith.constant 0 : index
    %get3A_5 = arith.constant 0 : index
    %get3A_6 = arith.constant 0 : index
    %get3A_7 = vector.load %arg1[%get3A_4, %get3A_5, %get3A_6] : memref<32x128x16xf32, #tpu.memory_space<vmem>>, vector<32x128x16xf32>
    %reduce_max3A_8 = arith.constant dense<0xFF800000> : vector<128x16xf32>
    %reduce_max3A_9 = vector.multi_reduction <maximumf>, %get3A_7, %reduce_max3A_8 [0] : vector<32x128x16xf32> to vector<128x16xf32>
    %add3A = arith.addf %reduce_max3A_3, %reduce_max3A_9 : vector<128x16xf32>
    %get3A_10 = arith.constant 0 : index
    %get3A_11 = arith.constant 0 : index
    %get3A_12 = arith.constant 0 : index
    %get3A_13 = vector.load %arg2[%get3A_10, %get3A_11, %get3A_12] : memref<32x128x16xf32, #tpu.memory_space<vmem>>, vector<32x128x16xf32>
    %reduce_max3A_14 = arith.constant dense<0xFF800000> : vector<128x16xf32>
    %reduce_max3A_15 = vector.multi_reduction <maximumf>, %get3A_13, %reduce_max3A_14 [0] : vector<32x128x16xf32> to vector<128x16xf32>
    %add3A_16 = arith.addf %add3A, %reduce_max3A_15 : vector<128x16xf32>
    %swap3A = arith.constant 0 : index
    %swap3A_17 = arith.constant 0 : index
    %swap3A_18 = vector.load %arg3[%swap3A, %swap3A_17] : memref<128x16xf32, #tpu.memory_space<vmem>>, vector<128x16xf32>
    tpu.vector_store %arg3[%swap3A, %swap3A_17], %add3A_16 {strides = array<i32>} : memref<128x16xf32, #tpu.memory_space<vmem>>, vector<128x16xf32>,
    return
  }
}

</mosaic_0001>

<sc_bundles>
// kernel: kernel.12.cloned.1.call-start
scs
__scs_entry_jumppad:
0x0: {  	(pc) =	sbr.rel $0x88, $3  }
0x1: {  	(tag) =	ssettag $0x0;
	lr =	simm.s32 $0x1  }
0x2: {  	[smem:$0x3F89] =	sst lr;
	_ =	strace $0xD0000000  }
0x3: {  	_ = 	snop  }
0x4: {  	_ = 	snop  }
0x5: {  	_ = 	snop  }
0x6: {  	_ = 	snop  }
0x7: {  	_ = 	snop  }
__scs_overlays_trampoline_lowered:
0x8: {  	[smem:$0x3F98] =	sst s0  }
0x9: {  	[smem:$0x3F99] =	sst s1  }
0xa: {  	[smem:$0x3F9A] =	sst s2  }
0xb: {  	[smem:$0x3F9B] =	sst s3  }
0xc: {  	[smem:$0x3F9C] =	sst s4  }
0xd: {  	[smem:$0x3F9D] =	sst s5  }
0xe: {  	[smem:$0x3F9E] =	sst s6  }
0xf: {  	[smem:$0x3F9F] =	sst s7  }
0x10: {  	[smem:$0x3FA0] =	sst s8  }
0x11: {  	[smem:$0x3FA1] =	sst s9;
	s0 =	simm.s32 @!p0 $0x0  }
0x12: {  	s1 =	sld [smem:$0x3F87];
	s0 =	simm.s32 @p0 $0x1  }
0x13: {  	[smem:$0x3FA2] =	sst s0;
	s0 =	simm.s32 @!p1 $0x0  }
0x14: {  	s2 =	sld [smem:$0x3F86];
	s0 =	simm.s32 @p1 $0x1  }
0x15: {  	[smem:$0x3FA3] =	sst s0;
	s0 =	simm.s32 @!p2 $0x0  }
0x16: {  	s3 =	sld [smem:$0x3FDB];
	s0 =	simm.s32 @p2 $0x1  }
0x17: {  	s4 =	simm.s32 $0x1BF5;
	[smem:$0x3FA5] =	sst s0  }
0x18: {  	s0 =	sld [smem:$0x3F88];
	_ =	swait.ge [sflag:s4], $0x0  }
0x19: {  	s7 =	sld [smem:$0x3F89]  }
0x1a: {  	s8 =	sadd.s32 $0xFFFFE003, lr  }
0x1b: {  	s9 =	sadd.s32 $0xFFFFFEF7, lr;
	s5 =	simm.s32 $0xFFFFFFFF;
	p2 =	slt.u32 s8, $0xFFFFF086  }
0x1c: {  	p1 =	slt.u32 s9, $0xF7A;
	s5 =	simm.s32 @!p2 $0x0  }
0x1d: {  	s5 =	simm.s32 @p1 $0x1;
	p0 =	seq.s32 s7, s2  }
0x1e: {  	s7 =	smul.u32 @!p0 $0xF7A, s2;
	p2 =	seq.s32 @!p0 s5, $0x0  }
0x1f: {  	s9 =	smul.u32 $0xF7A, s1;
	s8 =	simm.s32 @!p0 $0x1BF5;
	p2 =	por !p2, p0  }
0x20: {  	[sflag:s8] =	ssyncset.s32 @!p0 $0xFFFFF086;
	s6 =	sadd.s32 @!p0 s3, s7;
	s7 =	simm.s32 @!p0 $0x108  }
0x21: {  	s3 =	sadd.s32 s3, s9;
	s6 =	sadd.s32 @!p0 $0x88, s6;
	s7 =	simm.s32 @p2 $0x1082  }
0x22: {  	[simem:s7], [sflag:s8] =	dma.local @!p0 [hbm:s6], $0xF7A  }
0x23: {  	s9 =	sor.u32 $0xD0000000, s2;
	s6 =	simm.s32 $0x108;
	_ =	swait.ge @!p0 [sflag:s8], $0x0  }
0x24: {  	s3 =	sadd.s32 $0x88, s3;
	s6 =	simm.s32 @!p1 $0x1082;
	[sflag:s4] =	ssyncset.s32 $0xFFFFF086  }
0x25: {  	[simem:s6], [sflag:s4] =	dma.local [hbm:s3], $0xF7A  }
0x26: {  	[smem:$0x3F89] =	sst s1;
	(tag) =	ssettag s2;
	_ =	strace s9  }
0x27: {  	s1 =	sld [smem:$0x3F99]  }
0x28: {  	s2 =	sld [smem:$0x3F9A]  }
0x29: {  	s4 =	sld [smem:$0x3F9C]  }
0x2a: {  	p0 =	seq.s32 s5, $0x0;
	s5 =	sld [smem:$0x3F9D]  }
0x2b: {  	s6 =	sld [smem:$0x3F9E]  }
0x2c: {  	s7 =	sld [smem:$0x3F9F]  }
0x2d: {  	s3 =	simm.s32 $0x108;
	s8 =	sld [smem:$0x3FA0]  }
0x2e: {  	s3 =	simm.s32 @!p0 $0x1082;
	s9 =	sld [smem:$0x3FA1]  }
0x2f: {  	lr =	sadd.s32 s0, s3;
	s0 =	sld [smem:$0x3F98]  }
0x30: {  	s3 =	sld [smem:$0x3F9B]  }
0x31: {  	[smem:$0x3FA4] =	sst s10  }
0x32: {  	s10 =	sld [smem:$0x3FA2];
	_ =	sdelay $0x3  }
0x33: {  	p0 =	seq.s32 s10, $0x1;
	s10 =	sld [smem:$0x3FA4];
	_ =	sdelay $0x3  }
0x34: {  	[smem:$0x3FA4] =	sst s10  }
0x35: {  	s10 =	sld [smem:$0x3FA3];
	_ =	sdelay $0x3  }
0x36: {  	p1 =	seq.s32 s10, $0x1;
	s10 =	sld [smem:$0x3FA4];
	_ =	sdelay $0x3  }
0x37: {  	[smem:$0x3FA4] =	sst s10  }
0x38: {  	s10 =	sld [smem:$0x3FA5]  }
0x39: {  	_ = 	snop;
	(pc) =	sbr.ind lr, $3  }
0x3a: {  	_ = 	snop  }
0x3b: {  	_ = 	snop  }
0x3c: {  	p2 =	seq.s32 s10, $0x1;
	s10 =	sld [smem:$0x3FA4]  }
0x3d: {  	_ =	shalt  }
0x3e: {  	_ =	shalt  }
0x3f: {  	_ =	shalt  }
0x40: {  	_ =	shalt  }
0x41: {  	_ =	shalt  }
0x42: {  	_ =	shalt  }
0x43: {  	_ =	shalt  }
0x44: {  	_ =	shalt  }
0x45: {  	_ =	shalt  }
0x46: {  	_ =	shalt  }
0x47: {  	_ =	shalt  }
0x48: {  	_ =	shalt  }
0x49: {  	_ =	shalt  }
0x4a: {  	_ =	shalt  }
0x4b: {  	_ =	shalt  }
0x4c: {  	_ =	shalt  }
0x4d: {  	_ =	shalt  }
0x4e: {  	_ =	shalt  }
0x4f: {  	_ =	shalt  }
0x50: {  	_ =	shalt  }
0x51: {  	_ =	shalt  }
0x52: {  	_ =	shalt  }
0x53: {  	_ =	shalt  }
0x54: {  	_ =	shalt  }
0x55: {  	_ =	shalt  }
0x56: {  	_ =	shalt  }
0x57: {  	_ =	shalt  }
0x58: {  	_ =	shalt  }
0x59: {  	_ =	shalt  }
0x5a: {  	_ =	shalt  }
0x5b: {  	_ =	shalt  }
0x5c: {  	_ =	shalt  }
0x5d: {  	_ =	shalt  }
0x5e: {  	_ =	shalt  }
0x5f: {  	_ =	shalt  }
0x60: {  	_ =	shalt  }
0x61: {  	_ =	shalt  }
0x62: {  	_ =	shalt  }
0x63: {  	_ =	shalt  }
0x64: {  	_ =	shalt  }
0x65: {  	_ =	shalt  }
0x66: {  	_ =	shalt  }
0x67: {  	_ =	shalt  }
0x68: {  	_ =	shalt  }
0x69: {  	_ =	shalt  }
0x6a: {  	_ =	shalt  }
0x6b: {  	_ =	shalt  }
0x6c: {  	_ =	shalt  }
0x6d: {  	_ =	shalt  }
0x6e: {  	_ =	shalt  }
0x6f: {  	_ =	shalt  }
0x70: {  	_ =	shalt  }
0x71: {  	_ =	shalt  }
0x72: {  	_ =	shalt  }
0x73: {  	_ =	shalt  }
0x74: {  	_ =	shalt  }
0x75: {  	_ =	shalt  }
0x76: {  	_ =	shalt  }
0x77: {  	_ =	shalt  }
0x78: {  	_ =	shalt  }
0x79: {  	_ =	shalt  }
0x7a: {  	_ =	shalt  }
0x7b: {  	_ =	shalt  }
0x7c: {  	_ =	shalt  }
0x7d: {  	_ =	shalt  }
0x7e: {  	_ =	shalt  }
0x7f: {  	_ =	shalt  }
0x80: {  	_ =	shalt  }
0x81: {  	_ =	shalt  }
0x82: {  	_ =	shalt  }
0x83: {  	_ =	shalt  }
0x84: {  	_ =	shalt  }
0x85: {  	_ =	shalt  }
0x86: {  	_ =	shalt  }
0x87: {  	_ =	shalt  }
.Lfunc_end0:
.L_simem_size_0:
called_computation.1_lowered:
.L_overlay_start_0:
0x88: {  	s2 =	sld [smem:$0x3FD9]  }
0x89: {  	s3 =	sld [smem:$0x3FFE];
	_ =	sdelay $0x1  }
0x8a: {  	s1 =	srdreg.scid  }
0x8b: {  	s0 =	sand.u32 $0x1, s1  }
0x8c: {  	s16 =	sshll.u32 s0, $0xA;
	s2 =	sadd.s32 s3, s2  }
0x8d: {  	s2 =	sadd.s32 s2, s16  }
0x8e: {  	[smem:$0x3FB0] =	sst s2  }
0x8f: {  	_ = 	snop  }
0x90: {  	(tm) =	ssettm $0x1  }
0x91: {  	s17 =	sld [smem:$0x3FFB];
	_ =	sdelay $0x3  }
0x92: {  	_ =	strace s17  }
0x93: {  	s2 =	sld [smem:$0x3FFC];
	_ =	sdelay $0x3  }
0x94: {  	_ =	strace s2  }
0x95: {  	s2 =	sld [smem:$0x3FFD];
	_ =	sdelay $0x3  }
0x96: {  	_ =	strace s2  }
0x97: {  	_ =	strace $0x8FFFFFFF  }
0x98: {  	s18 =	sld [smem:$0x3FDB];
	_ =	sdelay $0x1  }
0x99: {  	s19 =	simm.s32 $_scs_section_size  }
0x9a: {  	s4 =	simm.s32 $_size__tile_overlayer_lowered;
	s5 =	simm.s32 $_tile_overlayer_lowered  }
0x9b: {  	s22 =	simm.s32 $0x1BFF;
	s21 =	sshll.u32 s5, $0x1;
	s2 =	sadd.s32 s19, s18  }
0x9c: {  	s6 =	simm.s32 $0x0;
	s20 =	sshll.u32 s4, $0x1;
	s4 =	sadd.s32 s21, s2  }
0x9d: {  	[timem:s6], [sflag:s22] =	dma.local [hbm:s4], s20  }
0x9e: {  	_ =	swait.ge [sflag:s22], s20  }
0x9f: {  	s3 =	ssub.s32 $0x0, s20;
	[sflag:s22] =	ssyncset.done $0x0  }
0xa0: {  	[sflag:s22] =	ssyncadd.s32 s3;
	_ =	sdelay $0x1  }
0xa1: {  	s23 =	simm.s32 $0x1B8B  }
0xa2: {  	_ =	swait.ge [sflag:s23], $0x1  }
0xa3: {  	[sflag:s23] =	ssyncset.done $0x0  }
0xa4: {  	s25 =	simm.s32 $0x1B8E;
	s24 =	sld [smem:$0x3FFE];
	[sflag:s23] =	ssyncadd.s32 $0xFFFFFFFF  }
0xa5: {  	s26 =	simm.s32 $execute0_lowered;
	[smem:$0x3FD2] =	sst s25  }
0xa6: {  	s4 =	sshll.u32 s26, $0x1;
	_ =	strace $0x80000049;
	[dreg:$0x1] =	wrdreg $0xFFFFFFFF  }
0xa7: {  	s28 =	simm.s32 $_size_execute0_lowered;
	s2 =	sadd.s32 s2, s4;
	[dreg:$0x0] =	wrdreg $0x0  }
0xa8: {  	s4 =	sshll.u32 s28, $0x1;
	[dreg:$0x2] =	wrdreg s2  }
0xa9: {  	[dreg:$0x3] =	wrdreg s4  }
0xaa: {  	[dreg:$0x4] =	wrdreg $0xC0  }
0xab: {  	_ =	task [dreg:s6], $0x5FFFF  }
0xac: {  	[dreg:$0x1] =	wrdreg $0xFFFFFFFF  }
0xad: {  	[dreg:$0x0] =	wrdreg $0x60  }
0xae: {  	[dreg:$0x2] =	wrdreg s24  }
0xaf: {  	[dreg:$0x3] =	wrdreg $0x12CC00  }
0xb0: {  	[dreg:$0x4] =	wrdreg $0x9  }
0xb1: {  	_ =	task.clear_ibuf [dreg:s6], $0x5FFFF;
	_ =	strace $0x90000049  }
0xb2: {  	s29 =	simm.s32 $0x9;
	_ =	strace $0x8000004B  }
0xb3: {  	_ =	swait.ge [sflag:s29], $0x1  }
0xb4: {  	[sflag:s29] =	ssyncadd.s32 $0xFFFFFFFF  }
0xb5: {  	_ =	strace $0x9000004B  }
0xb6: {  	_ =	sfence  }
0xb7: {  	s30 =	sld [smem:$0x0];
	_ =	sdelay $0x2  }
0xb8: {  	s31 =	sshll.u32 s1, $0xD;
	s1 =	sshrl.u32 s1, $0x2  }
0xb9: {  	s3 =	sand.u32 $0x4000, s31;
	s1 =	sadd.s32 s1, s30  }
0xba: {  	s0 =	sor.u32 s3, s0;
	s1 =	sshll.u32 s1, $0x11  }
0xbb: {  	s0 =	sor.u32 s1, s0  }
0xbc: {  	s0 =	sadd.s32 $0x8F2B, s0  }
0xbd: {  	[sflag:s0] =	ssyncadd.remote.s32 $0x1  }
0xbe: {  	_ =	sfence.sel $0xFFFF  }
0xbf: {  	[dreg:$0x0] =	wrdreg $0xFFFFFFFF;
	(pc) =	sbr.abs _section_cstart, $3  }
0xc0: {  	[dreg:$0x1] =	wrdreg $0xFFFFFFFF  }
0xc1: {  	_ =	task.clear_ibuf [dreg:s6], $0x2FFFF;
	_ =	strace $0x9FFFFFFF  }
0xc2: {  	(tm) =	ssettm $0x7FFFFFFF  }
0xc3: {  	_ =	shalt  }
tec
execute0_lowered:
.L_overlay_start_1:
0x0: {  	(tag) =	ssettag $0x1  }
0x1: {  	s0 =	srdreg.scid  }
0x2: {  	s11 =	stileid.u32;
	s5 =	rddreg [dreg:$0x0]  }
0x3: {  	s2 =	rddreg [dreg:$0x1];
	s3 =	simm.s32 $0x0;
	s28 =	simm.s32 $0xEC40  }
0x4: {  	s29 =	simm.s32 $0x7D;
	s30 =	simm.s32 $0x5000;
	s31 =	simm.s32 $0x6F40  }
0x5: {  	s12 =	simm.s32 $0x9;
	s13 =	simm.s32 $0xA;
	s7 =	smul.u32 $0xA000, s11  }
0x6: {  	s0 =	sand.u32 $0x1, s0;
	s1 =	sshll.u32 s11, $0x1;
	s11 =	smul.u32 $0x28000, s11  }
0x7: {  	[smem:$0x7FF] =	sst s3;
	s1 =	sor.u32 s0, s1;
	s8 =	smul.u32 $0xA0000, s0  }
0x8: {  	s4 =	sadd.s32 $0x4800, s5;
	_ =	strace $0x8000004A;
	s6 =	smul.u32 $0x500, s1  }
0x9: {  	s0 =	ssub.s32 $0x2, s0;
	s9 =	smul.u32 $0x280, s1;
	s1 =	sshll.u32 s1, $0x8  }
0xa: {  	s10 =	sshrl.u32 s0, $0x1;
	s16 =	sshrl.u32 s11, $0x2;
	s1 =	sadd.s32 s1, s5  }
0xb: {  	s8 =	sadd.s32 s7, s8;
	s6 =	sadd.s32 s6, s5;
	s1 =	sadd.s32 $0xAE400, s1  }
0xc: {  	s9 =	sadd.s32 s9, s5;
	s14 =	sadd.s32 $0x70400, s6;
	[dreg:$0x7] =	wrdreg s1  }
0xd: {  	s8 =	sshrl.u32 s8, $0x3;
	s15 =	sadd.s32 $0x7A400, s6;
	[dreg:$0x3] =	wrdreg s14  }
0xe: {  	s8 =	sadd.s32 s8, s5;
	s17 =	sadd.s32 $0x6B400, s9;
	[dreg:$0x4] =	wrdreg s15  }
0xf: {  	s18 =	sadd.s32 $0x66400, s9;
	s5 =	sadd.s32 s16, s2;
	[dreg:$0x5] =	wrdreg s17  }
0x10: {  	s11 =	simm.s32 $0x8;
	[dreg:$0x6] =	wrdreg s18;
	s19 =	sadd.s32 $0x1000, s5  }
0x11: {  	s0 =	ssub.s32 s0, s10;
	s20 =	sadd.s32 $0x2000, s5;
	[dreg:$0x8] =	wrdreg s19  }
0x12: {  	s10 =	sadd.s32 s7, s2;
	s21 =	sadd.s32 $0x3000, s5;
	[dreg:$0x9] =	wrdreg s20  }
0x13: {  	s7 =	simm.s32 $0x5;
	s22 =	sadd.s32 $0x4000, s5;
	[dreg:$0xa] =	wrdreg s21  }
0x14: {  	s1 =	simm.s32 $0x8E80;
	s23 =	sadd.s32 $0x5000, s5;
	[dreg:$0xb] =	wrdreg s22  }
0x15: {  	s6 =	simm.s32 $0x4;
	s24 =	sadd.s32 $0x6000, s5;
	[dreg:$0xc] =	wrdreg s23  }
0x16: {  	s9 =	simm.s32 $0x7;
	s25 =	sadd.s32 $0x7000, s5;
	[dreg:$0xd] =	wrdreg s24  }
0x17: {  	s26 =	sadd.s32 $0x8000, s5;
	s14 =	simm.s32 $0x0;
	[dreg:$0xe] =	wrdreg s25  }
0x18: {  	[dreg:$0xf] =	wrdreg s26;
	s19 =	sadd.s32 $0x9000, s5;
	s20 =	sadd.s32 $0x84400, s8  }
0x19: {  	s21 =	smax.u32 s0, $0x1;
	s22 =	simm.s32 $0xB;
	s26 =	simm.s32 $0x12440  }
0x1a: {  	s0 =	simm.s32 $0xADC0;
	s23 =	simm.s32 $0xCD00;
	s24 =	simm.s32 $0x1  }
0x1b: {  	v0 =	vimm.f32 $-Inf;
	v1 =	vimm.f32 $0.0e+00;
	s25 =	simm.s32 $0x2;
	s5 =	simm.s32 $0x3;
	s8 =	simm.s32 $0x6  }
.LBB2_1:
0x1c: {  	s15 =	rddreg [dreg:$0x3]  }
0x1d: {  	[tilespmem:s3], [sflag:$0xB] =	stream.linear.gather [hbm4b:s15+s3], $0x2800, $0x38;
	[tilespmem:$0x1CCC0] =	vst v63  }
0x1e: {  	_ =	swait.ge [sflag:s22], $0x2800  }
0x1f: {  	[sflag:s22] =	ssyncset.done $0x0  }
0x20: {  	s16 =	simm.s32 $0x2800;
	s18 =	rddreg [dreg:$0x4];
	[sflag:s22] =	ssyncadd.s32 $0xFFFFD800  }
0x21: {  	[tilespmem:s16], [sflag:$0xB] =	stream.linear.gather [hbm4b:s18+s3], $0x2800, $0x38;
	[tilespmem:$0x1CCC0] =	vst v63  }
0x22: {  	_ =	swait.ge [sflag:s22], $0x2800  }
0x23: {  	[sflag:s22] =	ssyncset.done $0x0  }
0x24: {  	s18 =	simm.s32 $0xFC40;
	s17 =	rddreg [dreg:$0x5];
	[sflag:s22] =	ssyncadd.s32 $0xFFFFD800  }
0x25: {  	[tilespmem:s18], [sflag:$0xB] =	stream.linear.gather [hbm4b:s17+s3], $0x1400, $0x38;
	[tilespmem:$0x1CCC0] =	vst v63  }
0x26: {  	_ =	swait.ge [sflag:s22], $0x1400  }
0x27: {  	[sflag:s22] =	ssyncset.done $0x0  }
0x28: {  	s18 =	simm.s32 $0x11040;
	s17 =	rddreg [dreg:$0x6];
	[sflag:s22] =	ssyncadd.s32 $0xFFFFEC00  }
0x29: {  	[tilespmem:s18], [sflag:$0xB] =	stream.linear.gather [hbm4b:s17+s3], $0x1400, $0x38;
	[tilespmem:$0x1CCC0] =	vst v63  }
0x2a: {  	_ =	swait.ge [sflag:s22], $0x1400  }
0x2b: {  	[sflag:s22] =	ssyncset.done $0x0  }
0x2c: {  	s15 =	simm.s32 $0x0;
	[sflag:s22] =	ssyncadd.s32 $0xFFFFEC00  }
.LBB2_2:
0x2d: {  	p0 =	sne.s32 s15, $0x21C0  }
.Ltmp0:
0x2e: {  	_ = 	snop;
	(pc) =	sbr.rel @p0 .LBB2_2-.Ltmp0, $3  }
0x2f: {  	_ =	sdelay $0x1  }
0x30: {  	s16 =	sshra.s32 s15, $0x2  }
0x31: {  	s15 =	sadd.s32 $0x40, s15;
	[tilespmem:s16+$0x12440] =	vst v0  }
0x32: {  	s16 =	simm.s32 $0x0;
	s15 =	simm.s32 $0x40  }
.LBB2_4:
0x33: {  	p0 =	sne.s32 s15, $0x4FC0;
	v2 =	vld [tilespmem:s16+$0x11040];
	_ =	sdelay $0x7  }
0x34: {  	v3 =	vld.idx.msk [tilespmem:v2+s26+$0x0], $0xffff  }
0x35: {  	v4 =	vld [tilespmem:s16+$0xFC40];
	_ =	sdelay $0x1  }
.Ltmp1:
0x36: {  	(pc) =	sbr.rel @p0 .LBB2_4-.Ltmp1, $3  }
0x37: {  	_ =	sdelay $0x1  }
0x38: {  	v3 =	vmax.f32 v3, v4  }
0x39: {  	s16 =	sshra.s32 s15, $0x2;
	s15 =	sadd.s32 $0x40, s15;
	[tilespmem:v2+s26+$0x0] =	vst.idx.msk $0xffff, v3  }
0x3a: {  	v2 =	vld [tilespmem:s16+$0x11040];
	_ =	sdelay $0x6  }
0x3b: {  	v4 =	vld [tilespmem:s16+$0xFC40]  }
0x3c: {  	v3 =	vld.idx.msk [tilespmem:v2+s26+$0x0], $0xffff;
	_ =	sdelay $0x4  }
0x3d: {  	v3 =	vmax.f32 v3, v4  }
0x3e: {  	s15 =	simm.s32 $0x0;
	s18 =	rddreg [dreg:$0x7];
	[tilespmem:v2+s26+$0x0] =	vst.idx.msk $0xffff, v3  }
0x3f: {  	[hbm4b:s18+s15] =	stream.linear.scatter [tilespmem:s26], [sflag:$0xB], $0x800, $0x38;
	[tilespmem:$0x1CCC0] =	vst v63  }
0x40: {  	_ =	swait.ge [sflag:s22], $0x800  }
0x41: {  	[sflag:s22] =	ssyncset.done $0x0  }
0x42: {  	s16 =	simm.s32 $0x100;
	s15 =	simm.s32 $0x0;
	[sflag:s22] =	ssyncadd.s32 $0xFFFFF800  }
.LBB2_6:
0x43: {  	p0 =	sne.s32 s16, $0x3F00;
	[tilespmem:s15+$0xEC70] =	vst v1;
	s17 =	smov.u32 s16;
	s16 =	sadd.s32 $0x100, s16  }
.Ltmp2:
0x44: {  	[tilespmem:s15+$0xEC60] =	vst v1;
	(pc) =	sbr.rel @p0 .LBB2_6-.Ltmp2, $3  }
0x45: {  	[tilespmem:s15+$0xEC40] =	vst v1  }
0x46: {  	[tilespmem:s15+$0xEC50] =	vst v1;
	_ =	sdelay $0x1  }
0x47: {  	s15 =	sshra.s32 s17, $0x2  }
0x48: {  	[tilespmem:s15+$0xEC70] =	vst v1  }
0x49: {  	[tilespmem:s15+$0xEC60] =	vst v1  }
0x4a: {  	[tilespmem:s15+$0xEC40] =	vst v1  }
0x4b: {  	[tilespmem:s15+$0xEC50] =	vst v1  }
0x4c: {  	[spmem:s10] =	stream.linear.scatter [tilespmem:s28], [sflag:$0xB], $0x1000, $0x38;
	[tilespmem:$0x1CCC0] =	vst v63  }
0x4d: {  	_ =	swait.ge [sflag:s22], $0x1000  }
0x4e: {  	[sflag:s22] =	ssyncset.done $0x0  }
0x4f: {  	s16 =	rddreg [dreg:$0x8];
	[sflag:s22] =	ssyncadd.s32 $0xFFFFF000  }
0x50: {  	[spmem:s16] =	stream.linear.scatter [tilespmem:s28], [sflag:$0xB], $0x1000, $0x38;
	[tilespmem:$0x1CCC0] =	vst v63  }
0x51: {  	_ =	swait.ge [sflag:s22], $0x1000  }
0x52: {  	[sflag:s22] =	ssyncset.done $0x0  }
0x53: {  	s17 =	rddreg [dreg:$0x9];
	[sflag:s22] =	ssyncadd.s32 $0xFFFFF000  }
0x54: {  	[spmem:s17] =	stream.linear.scatter [tilespmem:s28], [sflag:$0xB], $0x1000, $0x38;
	[tilespmem:$0x1CCC0] =	vst v63  }
0x55: {  	_ =	swait.ge [sflag:s22], $0x1000  }
0x56: {  	[sflag:s22] =	ssyncset.done $0x0  }
0x57: {  	s18 =	rddreg [dreg:$0xa];
	[sflag:s22] =	ssyncadd.s32 $0xFFFFF000  }
0x58: {  	[spmem:s18] =	stream.linear.scatter [tilespmem:s28], [sflag:$0xB], $0x1000, $0x38;
	[tilespmem:$0x1CCC0] =	vst v63  }
0x59: {  	_ =	swait.ge [sflag:s22], $0x1000  }
0x5a: {  	[sflag:s22] =	ssyncset.done $0x0  }
0x5b: {  	s16 =	rddreg [dreg:$0xb];
	[sflag:s22] =	ssyncadd.s32 $0xFFFFF000  }
0x5c: {  	[spmem:s16] =	stream.linear.scatter [tilespmem:s28], [sflag:$0xB], $0x1000, $0x38;
	[tilespmem:$0x1CCC0] =	vst v63  }
0x5d: {  	_ =	swait.ge [sflag:s22], $0x1000  }
0x5e: {  	[sflag:s22] =	ssyncset.done $0x0  }
0x5f: {  	s17 =	rddreg [dreg:$0xc];
	[sflag:s22] =	ssyncadd.s32 $0xFFFFF000  }
0x60: {  	[spmem:s17] =	stream.linear.scatter [tilespmem:s28], [sflag:$0xB], $0x1000, $0x38;
	[tilespmem:$0x1CCC0] =	vst v63  }
0x61: {  	_ =	swait.ge [sflag:s22], $0x1000  }
0x62: {  	[sflag:s22] =	ssyncset.done $0x0  }
0x63: {  	s18 =	rddreg [dreg:$0xd];
	[sflag:s22] =	ssyncadd.s32 $0xFFFFF000  }
0x64: {  	[spmem:s18] =	stream.linear.scatter [tilespmem:s28], [sflag:$0xB], $0x1000, $0x38;
	[tilespmem:$0x1CCC0] =	vst v63  }
0x65: {  	_ =	swait.ge [sflag:s22], $0x1000  }
0x66: {  	[sflag:s22] =	ssyncset.done $0x0  }
0x67: {  	s16 =	rddreg [dreg:$0xe];
	[sflag:s22] =	ssyncadd.s32 $0xFFFFF000  }
0x68: {  	[spmem:s16] =	stream.linear.scatter [tilespmem:s28], [sflag:$0xB], $0x1000, $0x38;
	[tilespmem:$0x1CCC0] =	vst v63  }
0x69: {  	_ =	swait.ge [sflag:s22], $0x1000  }
0x6a: {  	[sflag:s22] =	ssyncset.done $0x0  }
0x6b: {  	s17 =	rddreg [dreg:$0xf];
	[sflag:s22] =	ssyncadd.s32 $0xFFFFF000  }
0x6c: {  	[spmem:s17] =	stream.linear.scatter [tilespmem:s28], [sflag:$0xB], $0x1000, $0x38;
	[tilespmem:$0x1CCC0] =	vst v63  }
0x6d: {  	_ =	swait.ge [sflag:s22], $0x1000  }
0x6e: {  	[sflag:s22] =	ssyncset.done $0x0  }
0x6f: {  	[sflag:s22] =	ssyncadd.s32 $0xFFFFF000  }
0x70: {  	[spmem:s19] =	stream.linear.scatter [tilespmem:s28], [sflag:$0xB], $0x1000, $0x38;
	[tilespmem:$0x1CCC0] =	vst v63  }
0x71: {  	_ =	swait.ge [sflag:s22], $0x1000  }
0x72: {  	[sflag:s22] =	ssyncset.done $0x0  }
0x73: {  	[sflag:s22] =	ssyncadd.s32 $0xFFFFF000  }
0x74: {  	s18 =	simm.s32 $0x0;
	[bflag:$0x0] =	sbarrier.arrive $0xFFFF  }
0x75: {  	[tilespmem:s30], [sflag:$0x1] =	stream.indirect.gather [hbm4b:s4+s29], $0x40, s18, s29, $0xb8;
	[tilespmem:$0x1CCC0] =	vst v63  }
0x76: {  	s16 =	simm.s32 $0x80  }
0x77: {  	[tilespmem:s31], [sflag:$0x2] =	stream.indirect.gather [hbm4b:s4+s29], $0x40, s16, s29, $0xb8;
	[tilespmem:$0x1CCC0] =	vst v63  }
0x78: {  	s17 =	simm.s32 $0x100  }
0x79: {  	[tilespmem:s1], [sflag:$0x3] =	stream.indirect.gather [hbm4b:s4+s29], $0x40, s17, s29, $0xb8;
	[tilespmem:$0x1CCC0] =	vst v63  }
0x7a: {  	s18 =	simm.s32 $0x180  }
0x7b: {  	[tilespmem:s0], [sflag:$0x4] =	stream.indirect.gather [hbm4b:s4+s29], $0x40, s18, s29, $0xb8;
	[tilespmem:$0x1CCC0] =	vst v63  }
0x7c: {  	s16 =	simm.s32 $0x200  }
0x7d: {  	[tilespmem:s23], [sflag:$0x5] =	stream.indirect.gather [hbm4b:s4+s29], $0x40, s16, s29, $0xb8;
	[tilespmem:$0x1CCC0] =	vst v63  }
0x7e: {  	_ =	swait.ge [sflag:s24], $0x1F40  }
0x7f: {  	[sflag:s24] =	ssyncset.done $0x0  }
0x80: {  	s17 =	simm.s32 $0x2800;
	[sflag:s24] =	ssyncadd.s32 $0xFFFFE0C0  }
0x81: {  	[spmem:s2] =	stream.indirect.scatter.add.f32 [tilespmem:s30], [sflag:$0x6], $0x40, s17, s29, $0xb8;
	[tilespmem:$0x1CCC0] =	vst v63  }
0x82: {  	_ =	swait.ge [sflag:s25], $0x1F40  }
0x83: {  	[sflag:s25] =	ssyncset.done $0x0  }
0x84: {  	s18 =	simm.s32 $0x2880;
	[sflag:s25] =	ssyncadd.s32 $0xFFFFE0C0  }
0x85: {  	[spmem:s2] =	stream.indirect.scatter.add.f32 [tilespmem:s31], [sflag:$0x7], $0x40, s18, s29, $0xb8;
	[tilespmem:$0x1CCC0] =	vst v63  }
0x86: {  	_ =	swait.ge [sflag:s5], $0x1F40  }
0x87: {  	[sflag:s5] =	ssyncset.done $0x0  }
0x88: {  	s16 =	simm.s32 $0x2900;
	[sflag:s5] =	ssyncadd.s32 $0xFFFFE0C0  }
0x89: {  	[spmem:s2] =	stream.indirect.scatter.add.f32 [tilespmem:s1], [sflag:$0x8], $0x40, s16, s29, $0xb8;
	[tilespmem:$0x1CCC0] =	vst v63  }
0x8a: {  	_ =	swait.ge [sflag:s6], $0x1F40  }
0x8b: {  	[sflag:s6] =	ssyncset.done $0x0  }
0x8c: {  	s17 =	simm.s32 $0x2980;
	[sflag:s6] =	ssyncadd.s32 $0xFFFFE0C0  }
0x8d: {  	[spmem:s2] =	stream.indirect.scatter.add.f32 [tilespmem:s0], [sflag:$0x9], $0x40, s17, s29, $0xb8;
	[tilespmem:$0x1CCC0] =	vst v63  }
0x8e: {  	_ =	swait.ge [sflag:s7], $0x1F40  }
0x8f: {  	[sflag:s7] =	ssyncset.done $0x0  }
0x90: {  	s18 =	simm.s32 $0x2A00;
	[sflag:s7] =	ssyncadd.s32 $0xFFFFE0C0  }
0x91: {  	[spmem:s2] =	stream.indirect.scatter.add.f32 [tilespmem:s23], [sflag:$0xA], $0x40, s18, s29, $0xb8;
	[tilespmem:$0x1CCC0] =	vst v63  }
0x92: {  	_ =	swait.ge [sflag:s8], $0x1F40  }
0x93: {  	[sflag:s8] =	ssyncset.done $0x0  }
0x94: {  	[sflag:s8] =	ssyncadd.s32 $0xFFFFE0C0  }
0x95: {  	_ =	swait.ge [sflag:s9], $0x1F40  }
0x96: {  	[sflag:s9] =	ssyncset.done $0x0  }
0x97: {  	[sflag:s9] =	ssyncadd.s32 $0xFFFFE0C0  }
0x98: {  	_ =	swait.ge [sflag:s11], $0x1F40  }
0x99: {  	[sflag:s11] =	ssyncset.done $0x0  }
0x9a: {  	[sflag:s11] =	ssyncadd.s32 $0xFFFFE0C0  }
0x9b: {  	_ =	swait.ge [sflag:s12], $0x1F40  }
0x9c: {  	[sflag:s12] =	ssyncset.done $0x0  }
0x9d: {  	[sflag:s12] =	ssyncadd.s32 $0xFFFFE0C0  }
0x9e: {  	_ =	swait.ge [sflag:s13], $0x1F40  }
0x9f: {  	s15 =	simm.s32 $0xA00;
	s16 =	simm.s32 $0x1400;
	[sflag:s13] =	ssyncset.done $0x0  }
.LBB2_8:
0xa0: {  	s17 =	sshra.s32 s15, $0x2  }
0xa1: {  	[sflag:s13] =	ssyncadd.s32 $0xFFFFE0C0;
	s15 =	smov.u32 s16;
	s18 =	sadd.s32 $0xA00, s16  }
0xa2: {  	[tilespmem:s30], [sflag:$0x1] =	stream.indirect.gather [hbm4b:s4+s29], $0x40, s17, s29, $0xb8;
	[tilespmem:$0x1CCC0] =	vst v63  }
0xa3: {  	p0 =	sne.s32 s16, $0x9600;
	s16 =	sadd.s32 $0x80, s17  }
0xa4: {  	[tilespmem:s31], [sflag:$0x2] =	stream.indirect.gather [hbm4b:s4+s29], $0x40, s16, s29, $0xb8;
	[tilespmem:$0x1CCC0] =	vst v63  }
0xa5: {  	s16 =	sadd.s32 $0x100, s17  }
0xa6: {  	[tilespmem:s1], [sflag:$0x3] =	stream.indirect.gather [hbm4b:s4+s29], $0x40, s16, s29, $0xb8;
	[tilespmem:$0x1CCC0] =	vst v63  }
0xa7: {  	s16 =	sadd.s32 $0x180, s17  }
0xa8: {  	[tilespmem:s0], [sflag:$0x4] =	stream.indirect.gather [hbm4b:s4+s29], $0x40, s16, s29, $0xb8;
	[tilespmem:$0x1CCC0] =	vst v63  }
0xa9: {  	s16 =	sadd.s32 $0x200, s17  }
0xaa: {  	[tilespmem:s23], [sflag:$0x5] =	stream.indirect.gather [hbm4b:s4+s29], $0x40, s16, s29, $0xb8;
	[tilespmem:$0x1CCC0] =	vst v63  }
0xab: {  	_ =	swait.ge [sflag:s24], $0x1F40  }
0xac: {  	[sflag:s24] =	ssyncset.done $0x0  }
0xad: {  	s16 =	sadd.s32 $0x2800, s17;
	[sflag:s24] =	ssyncadd.s32 $0xFFFFE0C0  }
0xae: {  	[spmem:s2] =	stream.indirect.scatter.add.f32 [tilespmem:s30], [sflag:$0x6], $0x40, s16, s29, $0xb8;
	[tilespmem:$0x1CCC0] =	vst v63  }
0xaf: {  	_ =	swait.ge [sflag:s25], $0x1F40  }
0xb0: {  	[sflag:s25] =	ssyncset.done $0x0  }
0xb1: {  	s16 =	sadd.s32 $0x2880, s17;
	[sflag:s25] =	ssyncadd.s32 $0xFFFFE0C0  }
0xb2: {  	[spmem:s2] =	stream.indirect.scatter.add.f32 [tilespmem:s31], [sflag:$0x7], $0x40, s16, s29, $0xb8;
	[tilespmem:$0x1CCC0] =	vst v63  }
0xb3: {  	_ =	swait.ge [sflag:s5], $0x1F40  }
0xb4: {  	[sflag:s5] =	ssyncset.done $0x0  }
0xb5: {  	s16 =	sadd.s32 $0x2900, s17;
	[sflag:s5] =	ssyncadd.s32 $0xFFFFE0C0  }
0xb6: {  	[spmem:s2] =	stream.indirect.scatter.add.f32 [tilespmem:s1], [sflag:$0x8], $0x40, s16, s29, $0xb8;
	[tilespmem:$0x1CCC0] =	vst v63  }
0xb7: {  	_ =	swait.ge [sflag:s6], $0x1F40  }
0xb8: {  	[sflag:s6] =	ssyncset.done $0x0  }
0xb9: {  	s16 =	sadd.s32 $0x2980, s17;
	[sflag:s6] =	ssyncadd.s32 $0xFFFFE0C0  }
0xba: {  	[spmem:s2] =	stream.indirect.scatter.add.f32 [tilespmem:s0], [sflag:$0x9], $0x40, s16, s29, $0xb8;
	[tilespmem:$0x1CCC0] =	vst v63  }
0xbb: {  	_ =	swait.ge [sflag:s7], $0x1F40  }
0xbc: {  	[sflag:s7] =	ssyncset.done $0x0  }
0xbd: {  	s16 =	sadd.s32 $0x2A00, s17;
	[sflag:s7] =	ssyncadd.s32 $0xFFFFE0C0  }
0xbe: {  	[spmem:s2] =	stream.indirect.scatter.add.f32 [tilespmem:s23], [sflag:$0xA], $0x40, s16, s29, $0xb8;
	[tilespmem:$0x1CCC0] =	vst v63  }
0xbf: {  	_ =	swait.ge [sflag:s8], $0x1F40  }
0xc0: {  	[sflag:s8] =	ssyncset.done $0x0  }
0xc1: {  	[sflag:s8] =	ssyncadd.s32 $0xFFFFE0C0  }
0xc2: {  	_ =	swait.ge [sflag:s9], $0x1F40  }
0xc3: {  	[sflag:s9] =	ssyncset.done $0x0  }
0xc4: {  	[sflag:s9] =	ssyncadd.s32 $0xFFFFE0C0  }
0xc5: {  	_ =	swait.ge [sflag:s11], $0x1F40  }
0xc6: {  	[sflag:s11] =	ssyncset.done $0x0  }
0xc7: {  	[sflag:s11] =	ssyncadd.s32 $0xFFFFE0C0  }
.Ltmp3:
0xc8: {  	_ =	swait.ge [sflag:s12], $0x1F40;
	(pc) =	sbr.rel @p0 .LBB2_8-.Ltmp3, $4  }
0xc9: {  	[sflag:s12] =	ssyncset.done $0x0  }
0xca: {  	[sflag:s12] =	ssyncadd.s32 $0xFFFFE0C0  }
0xcb: {  	_ =	swait.ge [sflag:s13], $0x1F40  }
0xcc: {  	s16 =	smov.u32 s18;
	[sflag:s13] =	ssyncset.done $0x0  }
0xcd: {  	s15 =	sshra.s32 s15, $0x2;
	[sflag:s13] =	ssyncadd.s32 $0xFFFFE0C0  }
0xce: {  	[tilespmem:s30], [sflag:$0x1] =	stream.indirect.gather [hbm4b:s4+s29], $0x40, s15, s29, $0xb8;
	[tilespmem:$0x1CCC0] =	vst v63  }
0xcf: {  	s16 =	sadd.s32 $0x80, s15  }
0xd0: {  	[tilespmem:s31], [sflag:$0x2] =	stream.indirect.gather [hbm4b:s4+s29], $0x40, s16, s29, $0xb8;
	[tilespmem:$0x1CCC0] =	vst v63  }
0xd1: {  	s18 =	sadd.s32 $0x100, s15  }
0xd2: {  	[tilespmem:s1], [sflag:$0x3] =	stream.indirect.gather [hbm4b:s4+s29], $0x40, s18, s29, $0xb8;
	[tilespmem:$0x1CCC0] =	vst v63  }
0xd3: {  	s17 =	sadd.s32 $0x180, s15  }
0xd4: {  	[tilespmem:s0], [sflag:$0x4] =	stream.indirect.gather [hbm4b:s4+s29], $0x40, s17, s29, $0xb8;
	[tilespmem:$0x1CCC0] =	vst v63  }
0xd5: {  	s18 =	sadd.s32 $0x200, s15  }
0xd6: {  	[tilespmem:s23], [sflag:$0x5] =	stream.indirect.gather [hbm4b:s4+s29], $0x40, s18, s29, $0xb8;
	[tilespmem:$0x1CCC0] =	vst v63  }
0xd7: {  	_ =	swait.ge [sflag:s24], $0x1F40  }
0xd8: {  	[sflag:s24] =	ssyncset.done $0x0  }
0xd9: {  	s17 =	sadd.s32 $0x2800, s15;
	[sflag:s24] =	ssyncadd.s32 $0xFFFFE0C0  }
0xda: {  	[spmem:s2] =	stream.indirect.scatter.add.f32 [tilespmem:s30], [sflag:$0x6], $0x40, s17, s29, $0xb8;
	[tilespmem:$0x1CCC0] =	vst v63  }
0xdb: {  	_ =	swait.ge [sflag:s25], $0x1F40  }
0xdc: {  	[sflag:s25] =	ssyncset.done $0x0  }
0xdd: {  	s18 =	sadd.s32 $0x2880, s15;
	[sflag:s25] =	ssyncadd.s32 $0xFFFFE0C0  }
0xde: {  	[spmem:s2] =	stream.indirect.scatter.add.f32 [tilespmem:s31], [sflag:$0x7], $0x40, s18, s29, $0xb8;
	[tilespmem:$0x1CCC0] =	vst v63  }
0xdf: {  	_ =	swait.ge [sflag:s5], $0x1F40  }
0xe0: {  	[sflag:s5] =	ssyncset.done $0x0  }
0xe1: {  	s17 =	sadd.s32 $0x2900, s15;
	[sflag:s5] =	ssyncadd.s32 $0xFFFFE0C0  }
0xe2: {  	[spmem:s2] =	stream.indirect.scatter.add.f32 [tilespmem:s1], [sflag:$0x8], $0x40, s17, s29, $0xb8;
	[tilespmem:$0x1CCC0] =	vst v63  }
0xe3: {  	_ =	swait.ge [sflag:s6], $0x1F40  }
0xe4: {  	[sflag:s6] =	ssyncset.done $0x0  }
0xe5: {  	s18 =	sadd.s32 $0x2980, s15;
	[sflag:s6] =	ssyncadd.s32 $0xFFFFE0C0  }
0xe6: {  	[spmem:s2] =	stream.indirect.scatter.add.f32 [tilespmem:s0], [sflag:$0x9], $0x40, s18, s29, $0xb8;
	[tilespmem:$0x1CCC0] =	vst v63  }
0xe7: {  	_ =	swait.ge [sflag:s7], $0x1F40  }
0xe8: {  	[sflag:s7] =	ssyncset.done $0x0  }
0xe9: {  	s15 =	sadd.s32 $0x2A00, s15;
	[sflag:s7] =	ssyncadd.s32 $0xFFFFE0C0  }
0xea: {  	[spmem:s2] =	stream.indirect.scatter.add.f32 [tilespmem:s23], [sflag:$0xA], $0x40, s15, s29, $0xb8;
	[tilespmem:$0x1CCC0] =	vst v63  }
0xeb: {  	_ =	swait.ge [sflag:s8], $0x1F40  }
0xec: {  	[sflag:s8] =	ssyncset.done $0x0  }
0xed: {  	[sflag:s8] =	ssyncadd.s32 $0xFFFFE0C0  }
0xee: {  	_ =	swait.ge [sflag:s9], $0x1F40  }
0xef: {  	[sflag:s9] =	ssyncset.done $0x0  }
0xf0: {  	[sflag:s9] =	ssyncadd.s32 $0xFFFFE0C0  }
0xf1: {  	_ =	swait.ge [sflag:s11], $0x1F40  }
0xf2: {  	[sflag:s11] =	ssyncset.done $0x0  }
0xf3: {  	[sflag:s11] =	ssyncadd.s32 $0xFFFFE0C0  }
0xf4: {  	_ =	swait.ge [sflag:s12], $0x1F40  }
0xf5: {  	[sflag:s12] =	ssyncset.done $0x0  }
0xf6: {  	[sflag:s12] =	ssyncadd.s32 $0xFFFFE0C0  }
0xf7: {  	s14 =	sadd.s32 $0x1, s14;
	_ =	swait.ge [sflag:s13], $0x1F40  }
0xf8: {  	p0 =	sne.s32 s14, s21;
	s17 =	stileid.u32;
	[sflag:s13] =	ssyncset.done $0x0  }
0xf9: {  	s18 =	sshrl.u32 s10, $0x3;
	s15 =	sshll.u32 s17, $0x6;
	[sflag:s13] =	ssyncadd.s32 $0xFFFFE0C0  }
.Ltmp4:
0xfa: {  	s15 =	sor.u32 $0x1C0B, s15;
	[bflag:$0x0] =	sbarrier.arrive $0xFFFF;
	(pc) =	sbr.rel @p0 .LBB2_1-.Ltmp4, $4  }
0xfb: {  	[hbm:s20], [sflag:s15] =	dma.local [spmem:s18], $0x1400  }
0xfc: {  	_ =	swait.ge [sflag:s22], $0x1400  }
0xfd: {  	[sflag:s22] =	ssyncset.done $0x0  }
0xfe: {  	[sflag:s22] =	ssyncadd.s32 $0xFFFFEC00  }
0xff: {  	_ =	sfence.sel $0x180000  }
0x100: {  	[bflag:$0x0] =	sbarrier.arrive $0xFFFF  }
0x101: {  	_ =	strace $0x9000004A  }
0x102: {  	s0 =	stileid.u32;
	[bflag:$0x2] =	sbarrier.arrive $0xFFFF  }
0x103: {  	p0 =	sne.s32 s0, $0x0;
	s0 =	rddreg [dreg:$0x2]  }
0x104: {  	s0 =	sadd.s32 @!p0 $0x100000, s0  }
0x105: {  	[sflag:s0] =	ssyncadd.tile.s32 @!p0 $0x1;
	_ =	shalt  }
.Lfunc_end2:
_tile_overlayer_lowered:
.L_overlay_start_2:
0x106: {  	(tag) =	ssettag $0x2  }
0x107: {  	s0 =	rddreg [dreg:$0x0];
	s2 =	stileid.u32  }
0x108: {  	s1 =	rddreg [dreg:$0x1];
	p0 =	sne.s32 s2, $0x0  }
0x109: {  	s3 =	rddreg [dreg:$0x2];
	[bflag:$0x3] =	sbarrier.arrive $0xFFFF;
	s2 =	simm.s32 @!p0 $0x1C0B  }
0x10a: {  	[timem:s3], [sflag:s2] =	dma.local @!p0 [hbm:s0], s1  }
0x10b: {  	s0 =	simm.s32 @!p0 $0xB  }
0x10c: {  	_ =	swait.ge @!p0 [sflag:s0], s1  }
0x10d: {  	s1 =	ssub.s32 @!p0 $0x0, s1;
	[sflag:s0] =	ssyncset.done @!p0 $0x0  }
0x10e: {  	[sflag:s0] =	ssyncadd.s32 @!p0 s1  }
0x10f: {  	[bflag:$0x3] =	sbarrier.arrive $0xFFFF  }
0x110: {  	_ =	shalt  }

// kernel: kernel.15.cloned.1.call-start
scs
__scs_entry_jumppad:
0x0: {  	(pc) =	sbr.rel $0x88, $3  }
0x1: {  	(tag) =	ssettag $0x0;
	lr =	simm.s32 $0x1  }
0x2: {  	[smem:$0x3F89] =	sst lr;
	_ =	strace $0xD0000000  }
0x3: {  	_ = 	snop  }
0x4: {  	_ = 	snop  }
0x5: {  	_ = 	snop  }
0x6: {  	_ = 	snop  }
0x7: {  	_ = 	snop  }
__scs_overlays_trampoline_lowered:
0x8: {  	[smem:$0x3F98] =	sst s0  }
0x9: {  	[smem:$0x3F99] =	sst s1  }
0xa: {  	[smem:$0x3F9A] =	sst s2  }
0xb: {  	[smem:$0x3F9B] =	sst s3  }
0xc: {  	[smem:$0x3F9C] =	sst s4  }
0xd: {  	[smem:$0x3F9D] =	sst s5  }
0xe: {  	[smem:$0x3F9E] =	sst s6  }
0xf: {  	[smem:$0x3F9F] =	sst s7  }
0x10: {  	[smem:$0x3FA0] =	sst s8  }
0x11: {  	[smem:$0x3FA1] =	sst s9;
	s0 =	simm.s32 @!p0 $0x0  }
0x12: {  	s1 =	sld [smem:$0x3F87];
	s0 =	simm.s32 @p0 $0x1  }
0x13: {  	[smem:$0x3FA2] =	sst s0;
	s0 =	simm.s32 @!p1 $0x0  }
0x14: {  	s2 =	sld [smem:$0x3F86];
	s0 =	simm.s32 @p1 $0x1  }
0x15: {  	[smem:$0x3FA3] =	sst s0;
	s0 =	simm.s32 @!p2 $0x0  }
0x16: {  	s3 =	sld [smem:$0x3FDB];
	s0 =	simm.s32 @p2 $0x1  }
0x17: {  	s4 =	simm.s32 $0x1BF5;
	[smem:$0x3FA5] =	sst s0  }
0x18: {  	s0 =	sld [smem:$0x3F88];
	_ =	swait.ge [sflag:s4], $0x0  }
0x19: {  	s7 =	sld [smem:$0x3F89]  }
0x1a: {  	s8 =	sadd.s32 $0xFFFFE003, lr  }
0x1b: {  	s9 =	sadd.s32 $0xFFFFFEF7, lr;
	s5 =	simm.s32 $0xFFFFFFFF;
	p2 =	slt.u32 s8, $0xFFFFF086  }
0x1c: {  	p1 =	slt.u32 s9, $0xF7A;
	s5 =	simm.s32 @!p2 $0x0  }
0x1d: {  	s5 =	simm.s32 @p1 $0x1;
	p0 =	seq.s32 s7, s2  }
0x1e: {  	s7 =	smul.u32 @!p0 $0xF7A, s2;
	p2 =	seq.s32 @!p0 s5, $0x0  }
0x1f: {  	s9 =	smul.u32 $0xF7A, s1;
	s8 =	simm.s32 @!p0 $0x1BF5;
	p2 =	por !p2, p0  }
0x20: {  	[sflag:s8] =	ssyncset.s32 @!p0 $0xFFFFF086;
	s6 =	sadd.s32 @!p0 s3, s7;
	s7 =	simm.s32 @!p0 $0x108  }
0x21: {  	s3 =	sadd.s32 s3, s9;
	s6 =	sadd.s32 @!p0 $0x88, s6;
	s7 =	simm.s32 @p2 $0x1082  }
0x22: {  	[simem:s7], [sflag:s8] =	dma.local @!p0 [hbm:s6], $0xF7A  }
0x23: {  	s9 =	sor.u32 $0xD0000000, s2;
	s6 =	simm.s32 $0x108;
	_ =	swait.ge @!p0 [sflag:s8], $0x0  }
0x24: {  	s3 =	sadd.s32 $0x88, s3;
	s6 =	simm.s32 @!p1 $0x1082;
	[sflag:s4] =	ssyncset.s32 $0xFFFFF086  }
0x25: {  	[simem:s6], [sflag:s4] =	dma.local [hbm:s3], $0xF7A  }
0x26: {  	[smem:$0x3F89] =	sst s1;
	(tag) =	ssettag s2;
	_ =	strace s9  }
0x27: {  	s1 =	sld [smem:$0x3F99]  }
0x28: {  	s2 =	sld [smem:$0x3F9A]  }
0x29: {  	s4 =	sld [smem:$0x3F9C]  }
0x2a: {  	p0 =	seq.s32 s5, $0x0;
	s5 =	sld [smem:$0x3F9D]  }
0x2b: {  	s6 =	sld [smem:$0x3F9E]  }
0x2c: {  	s7 =	sld [smem:$0x3F9F]  }
0x2d: {  	s3 =	simm.s32 $0x108;
	s8 =	sld [smem:$0x3FA0]  }
0x2e: {  	s3 =	simm.s32 @!p0 $0x1082;
	s9 =	sld [smem:$0x3FA1]  }
0x2f: {  	lr =	sadd.s32 s0, s3;
	s0 =	sld [smem:$0x3F98]  }
0x30: {  	s3 =	sld [smem:$0x3F9B]  }
0x31: {  	[smem:$0x3FA4] =	sst s10  }
0x32: {  	s10 =	sld [smem:$0x3FA2];
	_ =	sdelay $0x3  }
0x33: {  	p0 =	seq.s32 s10, $0x1;
	s10 =	sld [smem:$0x3FA4];
	_ =	sdelay $0x3  }
0x34: {  	[smem:$0x3FA4] =	sst s10  }
0x35: {  	s10 =	sld [smem:$0x3FA3];
	_ =	sdelay $0x3  }
0x36: {  	p1 =	seq.s32 s10, $0x1;
	s10 =	sld [smem:$0x3FA4];
	_ =	sdelay $0x3  }
0x37: {  	[smem:$0x3FA4] =	sst s10  }
0x38: {  	s10 =	sld [smem:$0x3FA5]  }
0x39: {  	_ = 	snop;
	(pc) =	sbr.ind lr, $3  }
0x3a: {  	_ = 	snop  }
0x3b: {  	_ = 	snop  }
0x3c: {  	p2 =	seq.s32 s10, $0x1;
	s10 =	sld [smem:$0x3FA4]  }
0x3d: {  	_ =	shalt  }
0x3e: {  	_ =	shalt  }
0x3f: {  	_ =	shalt  }
0x40: {  	_ =	shalt  }
0x41: {  	_ =	shalt  }
0x42: {  	_ =	shalt  }
0x43: {  	_ =	shalt  }
0x44: {  	_ =	shalt  }
0x45: {  	_ =	shalt  }
0x46: {  	_ =	shalt  }
0x47: {  	_ =	shalt  }
0x48: {  	_ =	shalt  }
0x49: {  	_ =	shalt  }
0x4a: {  	_ =	shalt  }
0x4b: {  	_ =	shalt  }
0x4c: {  	_ =	shalt  }
0x4d: {  	_ =	shalt  }
0x4e: {  	_ =	shalt  }
0x4f: {  	_ =	shalt  }
0x50: {  	_ =	shalt  }
0x51: {  	_ =	shalt  }
0x52: {  	_ =	shalt  }
0x53: {  	_ =	shalt  }
0x54: {  	_ =	shalt  }
0x55: {  	_ =	shalt  }
0x56: {  	_ =	shalt  }
0x57: {  	_ =	shalt  }
0x58: {  	_ =	shalt  }
0x59: {  	_ =	shalt  }
0x5a: {  	_ =	shalt  }
0x5b: {  	_ =	shalt  }
0x5c: {  	_ =	shalt  }
0x5d: {  	_ =	shalt  }
0x5e: {  	_ =	shalt  }
0x5f: {  	_ =	shalt  }
0x60: {  	_ =	shalt  }
0x61: {  	_ =	shalt  }
0x62: {  	_ =	shalt  }
0x63: {  	_ =	shalt  }
0x64: {  	_ =	shalt  }
0x65: {  	_ =	shalt  }
0x66: {  	_ =	shalt  }
0x67: {  	_ =	shalt  }
0x68: {  	_ =	shalt  }
0x69: {  	_ =	shalt  }
0x6a: {  	_ =	shalt  }
0x6b: {  	_ =	shalt  }
0x6c: {  	_ =	shalt  }
0x6d: {  	_ =	shalt  }
0x6e: {  	_ =	shalt  }
0x6f: {  	_ =	shalt  }
0x70: {  	_ =	shalt  }
0x71: {  	_ =	shalt  }
0x72: {  	_ =	shalt  }
0x73: {  	_ =	shalt  }
0x74: {  	_ =	shalt  }
0x75: {  	_ =	shalt  }
0x76: {  	_ =	shalt  }
0x77: {  	_ =	shalt  }
0x78: {  	_ =	shalt  }
0x79: {  	_ =	shalt  }
0x7a: {  	_ =	shalt  }
0x7b: {  	_ =	shalt  }
0x7c: {  	_ =	shalt  }
0x7d: {  	_ =	shalt  }
0x7e: {  	_ =	shalt  }
0x7f: {  	_ =	shalt  }
0x80: {  	_ =	shalt  }
0x81: {  	_ =	shalt  }
0x82: {  	_ =	shalt  }
0x83: {  	_ =	shalt  }
0x84: {  	_ =	shalt  }
0x85: {  	_ =	shalt  }
0x86: {  	_ =	shalt  }
0x87: {  	_ =	shalt  }
.Lfunc_end0:
.L_simem_size_0:
called_computation.2_lowered:
.L_overlay_start_0:
0x88: {  	s2 =	sld [smem:$0x3FD9]  }
0x89: {  	s3 =	sld [smem:$0x3FFE];
	_ =	sdelay $0x1  }
0x8a: {  	s1 =	srdreg.scid  }
0x8b: {  	s0 =	sand.u32 $0x1, s1  }
0x8c: {  	s16 =	sshll.u32 s0, $0xA;
	s2 =	sadd.s32 s3, s2  }
0x8d: {  	s2 =	sadd.s32 s2, s16  }
0x8e: {  	[smem:$0x3FB0] =	sst s2  }
0x8f: {  	_ = 	snop  }
0x90: {  	(tm) =	ssettm $0x1  }
0x91: {  	s17 =	sld [smem:$0x3FFB];
	_ =	sdelay $0x3  }
0x92: {  	_ =	strace s17  }
0x93: {  	s2 =	sld [smem:$0x3FFC];
	_ =	sdelay $0x3  }
0x94: {  	_ =	strace s2  }
0x95: {  	s2 =	sld [smem:$0x3FFD];
	_ =	sdelay $0x3  }
0x96: {  	_ =	strace s2  }
0x97: {  	_ =	strace $0x8FFFFFFF  }
0x98: {  	s18 =	sld [smem:$0x3FDB];
	_ =	sdelay $0x1  }
0x99: {  	s19 =	simm.s32 $_scs_section_size  }
0x9a: {  	s4 =	simm.s32 $_size__tile_overlayer_lowered;
	s5 =	simm.s32 $_tile_overlayer_lowered  }
0x9b: {  	s22 =	simm.s32 $0x1BFF;
	s21 =	sshll.u32 s5, $0x1;
	s2 =	sadd.s32 s19, s18  }
0x9c: {  	s6 =	simm.s32 $0x0;
	s20 =	sshll.u32 s4, $0x1;
	s4 =	sadd.s32 s21, s2  }
0x9d: {  	[timem:s6], [sflag:s22] =	dma.local [hbm:s4], s20  }
0x9e: {  	_ =	swait.ge [sflag:s22], s20  }
0x9f: {  	s3 =	ssub.s32 $0x0, s20;
	[sflag:s22] =	ssyncset.done $0x0  }
0xa0: {  	[sflag:s22] =	ssyncadd.s32 s3;
	_ =	sdelay $0x1  }
0xa1: {  	s23 =	simm.s32 $0x1B8B  }
0xa2: {  	_ =	swait.ge [sflag:s23], $0x1  }
0xa3: {  	[sflag:s23] =	ssyncset.done $0x0  }
0xa4: {  	s25 =	simm.s32 $0x1B8E;
	s24 =	sld [smem:$0x3FFE];
	[sflag:s23] =	ssyncadd.s32 $0xFFFFFFFF  }
0xa5: {  	s26 =	simm.s32 $execute0_lowered;
	[smem:$0x3FD2] =	sst s25  }
0xa6: {  	s4 =	sshll.u32 s26, $0x1;
	_ =	strace $0x8000004C;
	[dreg:$0x1] =	wrdreg $0xFFFFFFFF  }
0xa7: {  	s28 =	simm.s32 $_size_execute0_lowered;
	s2 =	sadd.s32 s2, s4;
	[dreg:$0x0] =	wrdreg $0x0  }
0xa8: {  	s4 =	sshll.u32 s28, $0x1;
	[dreg:$0x2] =	wrdreg s2  }
0xa9: {  	[dreg:$0x3] =	wrdreg s4  }
0xaa: {  	[dreg:$0x4] =	wrdreg $0xC0  }
0xab: {  	_ =	task [dreg:s6], $0x5FFFF  }
0xac: {  	[dreg:$0x1] =	wrdreg $0xFFFFFFFF  }
0xad: {  	[dreg:$0x0] =	wrdreg $0x60  }
0xae: {  	[dreg:$0x2] =	wrdreg s24  }
0xaf: {  	[dreg:$0x3] =	wrdreg $0x9  }
0xb0: {  	_ =	task.clear_ibuf [dreg:s6], $0x4FFFF;
	_ =	strace $0x9000004C  }
0xb1: {  	s29 =	simm.s32 $0x9;
	_ =	strace $0x8000004E  }
0xb2: {  	_ =	swait.ge [sflag:s29], $0x1  }
0xb3: {  	[sflag:s29] =	ssyncadd.s32 $0xFFFFFFFF  }
0xb4: {  	_ =	strace $0x9000004E  }
0xb5: {  	_ =	sfence  }
0xb6: {  	s30 =	sld [smem:$0x0];
	_ =	sdelay $0x2  }
0xb7: {  	s31 =	sshll.u32 s1, $0xD;
	s1 =	sshrl.u32 s1, $0x2  }
0xb8: {  	s3 =	sand.u32 $0x4000, s31;
	s1 =	sadd.s32 s1, s30  }
0xb9: {  	s0 =	sor.u32 s3, s0;
	s1 =	sshll.u32 s1, $0x11  }
0xba: {  	s0 =	sor.u32 s1, s0  }
0xbb: {  	s0 =	sadd.s32 $0x8F2B, s0  }
0xbc: {  	[sflag:s0] =	ssyncadd.remote.s32 $0x1  }
0xbd: {  	_ =	sfence.sel $0xFFFF  }
0xbe: {  	[dreg:$0x0] =	wrdreg $0xFFFFFFFF;
	(pc) =	sbr.abs _section_cstart, $3  }
0xbf: {  	[dreg:$0x1] =	wrdreg $0xFFFFFFFF  }
0xc0: {  	_ =	task.clear_ibuf [dreg:s6], $0x2FFFF;
	_ =	strace $0x9FFFFFFF  }
0xc1: {  	(tm) =	ssettm $0x7FFFFFFF  }
tec
execute0_lowered:
.L_overlay_start_1:
0x0: {  	(tag) =	ssettag $0x1  }
0x1: {  	s1 =	srdreg.scid  }
0x2: {  	s0 =	stileid.u32;
	s3 =	rddreg [dreg:$0x0];
	s2 =	simm.s32 $0x0  }
0x3: {  	s8 =	simm.s32 $0x1400;
	s4 =	sand.u32 $0x1, s1;
	s5 =	sshll.u32 s0, $0x1  }
0x4: {  	s9 =	simm.s32 $0x2800;
	s1 =	rddreg [dreg:$0x1];
	s5 =	sor.u32 s4, s5  }
0x5: {  	s10 =	simm.s32 $0x0;
	[smem:$0x7FF] =	sst s2;
	s6 =	smul.u32 $0x280, s5  }
0x6: {  	_ =	strace $0x8000004D;
	s4 =	ssub.s32 $0x2, s4;
	s5 =	sshll.u32 s5, $0x8  }
0x7: {  	s31 =	sshrl.u32 s4, $0x1;
	s5 =	sadd.s32 s5, s3;
	s6 =	sadd.s32 s6, s3  }
0x8: {  	s7 =	ssub.s32 s4, s31;
	s5 =	sadd.s32 $0x70400, s5;
	s3 =	sadd.s32 $0x6B400, s6  }
0x9: {  	v0 =	vimm.f32 $-Inf;
	s4 =	sadd.s32 $0x66400, s6;
	s6 =	smax.u32 s7, $0x1;
	s7 =	simm.s32 $0x1  }
.LBB2_1:
0xa: {  	[tilespmem:s2], [sflag:$0x1] =	stream.linear.gather [hbm4b:s3+s2], $0x1400, $0x38;
	[tilespmem:$0x3080] =	vst v63  }
0xb: {  	_ =	swait.ge [sflag:s7], $0x1400  }
0xc: {  	[sflag:s7] =	ssyncset.done $0x0  }
0xd: {  	[sflag:s7] =	ssyncadd.s32 $0xFFFFEC00  }
0xe: {  	[tilespmem:s8], [sflag:$0x1] =	stream.linear.gather [hbm4b:s4+s2], $0x1400, $0x38;
	[tilespmem:$0x3080] =	vst v63  }
0xf: {  	_ =	swait.ge [sflag:s7], $0x1400  }
0x10: {  	[sflag:s7] =	ssyncset.done $0x0  }
0x11: {  	s11 =	simm.s32 $0x0;
	[sflag:s7] =	ssyncadd.s32 $0xFFFFEC00  }
.LBB2_2:
0x12: {  	p0 =	sne.s32 s11, $0x21C0  }
.Ltmp0:
0x13: {  	_ = 	snop;
	(pc) =	sbr.rel @p0 .LBB2_2-.Ltmp0, $3  }
0x14: {  	_ =	sdelay $0x1  }
0x15: {  	s12 =	sshra.s32 s11, $0x2  }
0x16: {  	s11 =	sadd.s32 $0x40, s11;
	[tilespmem:s12+$0x2800] =	vst v0  }
0x17: {  	s12 =	simm.s32 $0x0;
	s11 =	simm.s32 $0x40  }
.LBB2_4:
0x18: {  	p0 =	sne.s32 s11, $0x4FC0;
	v1 =	vld [tilespmem:s12+$0x1400];
	_ =	sdelay $0x7  }
0x19: {  	v2 =	vld.idx.msk [tilespmem:v1+s9+$0x0], $0xffff  }
0x1a: {  	v3 =	vld [tilespmem:s12+$0x0];
	_ =	sdelay $0x1  }
.Ltmp1:
0x1b: {  	(pc) =	sbr.rel @p0 .LBB2_4-.Ltmp1, $3  }
0x1c: {  	_ =	sdelay $0x1  }
0x1d: {  	v2 =	vmax.f32 v2, v3  }
0x1e: {  	s12 =	sshra.s32 s11, $0x2;
	s11 =	sadd.s32 $0x40, s11;
	[tilespmem:v1+s9+$0x0] =	vst.idx.msk $0xffff, v2  }
0x1f: {  	v1 =	vld [tilespmem:s12+$0x1400];
	_ =	sdelay $0x6  }
0x20: {  	v3 =	vld [tilespmem:s12+$0x0]  }
0x21: {  	v2 =	vld.idx.msk [tilespmem:v1+s9+$0x0], $0xffff;
	_ =	sdelay $0x3  }
0x22: {  	s10 =	sadd.s32 $0x1, s10  }
0x23: {  	p0 =	sne.s32 s10, s6;
	v2 =	vmax.f32 v2, v3  }
.Ltmp2:
0x24: {  	[tilespmem:v1+s9+$0x0] =	vst.idx.msk $0xffff, v2;
	(pc) =	sbr.rel @p0 .LBB2_1-.Ltmp2, $4  }
0x25: {  	[hbm4b:s5+s2] =	stream.linear.scatter [tilespmem:s9], [sflag:$0x1], $0x800, $0x38;
	[tilespmem:$0x3080] =	vst v63  }
0x26: {  	_ =	swait.ge [sflag:s7], $0x800  }
0x27: {  	[sflag:s7] =	ssyncset.done $0x0  }
0x28: {  	[sflag:s7] =	ssyncadd.s32 $0xFFFFF800  }
0x29: {  	_ =	sfence.sel $0x180000  }
0x2a: {  	[bflag:$0x0] =	sbarrier.arrive $0xFFFF  }
0x2b: {  	p0 =	sne.s32 s0, $0x0;
	_ =	strace $0x9000004D  }
0x2c: {  	s0 =	sadd.s32 @!p0 $0x100000, s1;
	[bflag:$0x2] =	sbarrier.arrive $0xFFFF  }
0x2d: {  	[sflag:s0] =	ssyncadd.tile.s32 @!p0 $0x1;
	_ =	shalt  }
.Lfunc_end2:
_tile_overlayer_lowered:
.L_overlay_start_2:
0x2e: {  	(tag) =	ssettag $0x2  }
0x2f: {  	s0 =	rddreg [dreg:$0x0];
	s2 =	stileid.u32  }
0x30: {  	s1 =	rddreg [dreg:$0x1];
	p0 =	sne.s32 s2, $0x0  }
0x31: {  	s3 =	rddreg [dreg:$0x2];
	[bflag:$0x3] =	sbarrier.arrive $0xFFFF;
	s2 =	simm.s32 @!p0 $0x1C01  }
0x32: {  	[timem:s3], [sflag:s2] =	dma.local @!p0 [hbm:s0], s1  }
0x33: {  	s0 =	simm.s32 @!p0 $0x1  }
0x34: {  	_ =	swait.ge @!p0 [sflag:s0], s1  }
0x35: {  	s1 =	ssub.s32 @!p0 $0x0, s1;
	[sflag:s0] =	ssyncset.done @!p0 $0x0  }
0x36: {  	[sflag:s0] =	ssyncadd.s32 @!p0 s1  }
0x37: {  	[bflag:$0x3] =	sbarrier.arrive $0xFFFF  }
0x38: {  	_ =	shalt  }

// kernel: kernel.9.cloned.1.call-start
scs
__scs_entry_jumppad:
0x0: {  	(pc) =	sbr.rel $0x88, $3  }
0x1: {  	(tag) =	ssettag $0x0;
	lr =	simm.s32 $0x1  }
0x2: {  	[smem:$0x3F89] =	sst lr;
	_ =	strace $0xD0000000  }
0x3: {  	_ = 	snop  }
0x4: {  	_ = 	snop  }
0x5: {  	_ = 	snop  }
0x6: {  	_ = 	snop  }
0x7: {  	_ = 	snop  }
__scs_overlays_trampoline_lowered:
0x8: {  	[smem:$0x3F98] =	sst s0  }
0x9: {  	[smem:$0x3F99] =	sst s1  }
0xa: {  	[smem:$0x3F9A] =	sst s2  }
0xb: {  	[smem:$0x3F9B] =	sst s3  }
0xc: {  	[smem:$0x3F9C] =	sst s4  }
0xd: {  	[smem:$0x3F9D] =	sst s5  }
0xe: {  	[smem:$0x3F9E] =	sst s6  }
0xf: {  	[smem:$0x3F9F] =	sst s7  }
0x10: {  	[smem:$0x3FA0] =	sst s8  }
0x11: {  	[smem:$0x3FA1] =	sst s9;
	s0 =	simm.s32 @!p0 $0x0  }
0x12: {  	s1 =	sld [smem:$0x3F87];
	s0 =	simm.s32 @p0 $0x1  }
0x13: {  	[smem:$0x3FA2] =	sst s0;
	s0 =	simm.s32 @!p1 $0x0  }
0x14: {  	s2 =	sld [smem:$0x3F86];
	s0 =	simm.s32 @p1 $0x1  }
0x15: {  	[smem:$0x3FA3] =	sst s0;
	s0 =	simm.s32 @!p2 $0x0  }
0x16: {  	s3 =	sld [smem:$0x3FDB];
	s0 =	simm.s32 @p2 $0x1  }
0x17: {  	s4 =	simm.s32 $0x1BF5;
	[smem:$0x3FA5] =	sst s0  }
0x18: {  	s0 =	sld [smem:$0x3F88];
	_ =	swait.ge [sflag:s4], $0x0  }
0x19: {  	s7 =	sld [smem:$0x3F89]  }
0x1a: {  	s8 =	sadd.s32 $0xFFFFE003, lr  }
0x1b: {  	s9 =	sadd.s32 $0xFFFFFEF7, lr;
	s5 =	simm.s32 $0xFFFFFFFF;
	p2 =	slt.u32 s8, $0xFFFFF086  }
0x1c: {  	p1 =	slt.u32 s9, $0xF7A;
	s5 =	simm.s32 @!p2 $0x0  }
0x1d: {  	s5 =	simm.s32 @p1 $0x1;
	p0 =	seq.s32 s7, s2  }
0x1e: {  	s7 =	smul.u32 @!p0 $0xF7A, s2;
	p2 =	seq.s32 @!p0 s5, $0x0  }
0x1f: {  	s9 =	smul.u32 $0xF7A, s1;
	s8 =	simm.s32 @!p0 $0x1BF5;
	p2 =	por !p2, p0  }
0x20: {  	[sflag:s8] =	ssyncset.s32 @!p0 $0xFFFFF086;
	s6 =	sadd.s32 @!p0 s3, s7;
	s7 =	simm.s32 @!p0 $0x108  }
0x21: {  	s3 =	sadd.s32 s3, s9;
	s6 =	sadd.s32 @!p0 $0x88, s6;
	s7 =	simm.s32 @p2 $0x1082  }
0x22: {  	[simem:s7], [sflag:s8] =	dma.local @!p0 [hbm:s6], $0xF7A  }
0x23: {  	s9 =	sor.u32 $0xD0000000, s2;
	s6 =	simm.s32 $0x108;
	_ =	swait.ge @!p0 [sflag:s8], $0x0  }
0x24: {  	s3 =	sadd.s32 $0x88, s3;
	s6 =	simm.s32 @!p1 $0x1082;
	[sflag:s4] =	ssyncset.s32 $0xFFFFF086  }
0x25: {  	[simem:s6], [sflag:s4] =	dma.local [hbm:s3], $0xF7A  }
0x26: {  	[smem:$0x3F89] =	sst s1;
	(tag) =	ssettag s2;
	_ =	strace s9  }
0x27: {  	s1 =	sld [smem:$0x3F99]  }
0x28: {  	s2 =	sld [smem:$0x3F9A]  }
0x29: {  	s4 =	sld [smem:$0x3F9C]  }
0x2a: {  	p0 =	seq.s32 s5, $0x0;
	s5 =	sld [smem:$0x3F9D]  }
0x2b: {  	s6 =	sld [smem:$0x3F9E]  }
0x2c: {  	s7 =	sld [smem:$0x3F9F]  }
0x2d: {  	s3 =	simm.s32 $0x108;
	s8 =	sld [smem:$0x3FA0]  }
0x2e: {  	s3 =	simm.s32 @!p0 $0x1082;
	s9 =	sld [smem:$0x3FA1]  }
0x2f: {  	lr =	sadd.s32 s0, s3;
	s0 =	sld [smem:$0x3F98]  }
0x30: {  	s3 =	sld [smem:$0x3F9B]  }
0x31: {  	[smem:$0x3FA4] =	sst s10  }
0x32: {  	s10 =	sld [smem:$0x3FA2];
	_ =	sdelay $0x3  }
0x33: {  	p0 =	seq.s32 s10, $0x1;
	s10 =	sld [smem:$0x3FA4];
	_ =	sdelay $0x3  }
0x34: {  	[smem:$0x3FA4] =	sst s10  }
0x35: {  	s10 =	sld [smem:$0x3FA3];
	_ =	sdelay $0x3  }
0x36: {  	p1 =	seq.s32 s10, $0x1;
	s10 =	sld [smem:$0x3FA4];
	_ =	sdelay $0x3  }
0x37: {  	[smem:$0x3FA4] =	sst s10  }
0x38: {  	s10 =	sld [smem:$0x3FA5]  }
0x39: {  	_ = 	snop;
	(pc) =	sbr.ind lr, $3  }
0x3a: {  	_ = 	snop  }
0x3b: {  	_ = 	snop  }
0x3c: {  	p2 =	seq.s32 s10, $0x1;
	s10 =	sld [smem:$0x3FA4]  }
0x3d: {  	_ =	shalt  }
0x3e: {  	_ =	shalt  }
0x3f: {  	_ =	shalt  }
0x40: {  	_ =	shalt  }
0x41: {  	_ =	shalt  }
0x42: {  	_ =	shalt  }
0x43: {  	_ =	shalt  }
0x44: {  	_ =	shalt  }
0x45: {  	_ =	shalt  }
0x46: {  	_ =	shalt  }
0x47: {  	_ =	shalt  }
0x48: {  	_ =	shalt  }
0x49: {  	_ =	shalt  }
0x4a: {  	_ =	shalt  }
0x4b: {  	_ =	shalt  }
0x4c: {  	_ =	shalt  }
0x4d: {  	_ =	shalt  }
0x4e: {  	_ =	shalt  }
0x4f: {  	_ =	shalt  }
0x50: {  	_ =	shalt  }
0x51: {  	_ =	shalt  }
0x52: {  	_ =	shalt  }
0x53: {  	_ =	shalt  }
0x54: {  	_ =	shalt  }
0x55: {  	_ =	shalt  }
0x56: {  	_ =	shalt  }
0x57: {  	_ =	shalt  }
0x58: {  	_ =	shalt  }
0x59: {  	_ =	shalt  }
0x5a: {  	_ =	shalt  }
0x5b: {  	_ =	shalt  }
0x5c: {  	_ =	shalt  }
0x5d: {  	_ =	shalt  }
0x5e: {  	_ =	shalt  }
0x5f: {  	_ =	shalt  }
0x60: {  	_ =	shalt  }
0x61: {  	_ =	shalt  }
0x62: {  	_ =	shalt  }
0x63: {  	_ =	shalt  }
0x64: {  	_ =	shalt  }
0x65: {  	_ =	shalt  }
0x66: {  	_ =	shalt  }
0x67: {  	_ =	shalt  }
0x68: {  	_ =	shalt  }
0x69: {  	_ =	shalt  }
0x6a: {  	_ =	shalt  }
0x6b: {  	_ =	shalt  }
0x6c: {  	_ =	shalt  }
0x6d: {  	_ =	shalt  }
0x6e: {  	_ =	shalt  }
0x6f: {  	_ =	shalt  }
0x70: {  	_ =	shalt  }
0x71: {  	_ =	shalt  }
0x72: {  	_ =	shalt  }
0x73: {  	_ =	shalt  }
0x74: {  	_ =	shalt  }
0x75: {  	_ =	shalt  }
0x76: {  	_ =	shalt  }
0x77: {  	_ =	shalt  }
0x78: {  	_ =	shalt  }
0x79: {  	_ =	shalt  }
0x7a: {  	_ =	shalt  }
0x7b: {  	_ =	shalt  }
0x7c: {  	_ =	shalt  }
0x7d: {  	_ =	shalt  }
0x7e: {  	_ =	shalt  }
0x7f: {  	_ =	shalt  }
0x80: {  	_ =	shalt  }
0x81: {  	_ =	shalt  }
0x82: {  	_ =	shalt  }
0x83: {  	_ =	shalt  }
0x84: {  	_ =	shalt  }
0x85: {  	_ =	shalt  }
0x86: {  	_ =	shalt  }
0x87: {  	_ =	shalt  }
.Lfunc_end0:
.L_simem_size_0:
called_computation_lowered:
.L_overlay_start_0:
0x88: {  	s2 =	sld [smem:$0x3FD9]  }
0x89: {  	s3 =	sld [smem:$0x3FFE];
	_ =	sdelay $0x1  }
0x8a: {  	s1 =	srdreg.scid  }
0x8b: {  	s0 =	sand.u32 $0x1, s1  }
0x8c: {  	s16 =	sshll.u32 s0, $0xA;
	s2 =	sadd.s32 s3, s2  }
0x8d: {  	s2 =	sadd.s32 s2, s16  }
0x8e: {  	[smem:$0x3FB0] =	sst s2  }
0x8f: {  	_ = 	snop  }
0x90: {  	(tm) =	ssettm $0x1  }
0x91: {  	s17 =	sld [smem:$0x3FFB];
	_ =	sdelay $0x3  }
0x92: {  	_ =	strace s17  }
0x93: {  	s2 =	sld [smem:$0x3FFC];
	_ =	sdelay $0x3  }
0x94: {  	_ =	strace s2  }
0x95: {  	s2 =	sld [smem:$0x3FFD];
	_ =	sdelay $0x3  }
0x96: {  	_ =	strace s2  }
0x97: {  	_ =	strace $0x8FFFFFFF  }
0x98: {  	s18 =	sld [smem:$0x3FDB];
	_ =	sdelay $0x1  }
0x99: {  	s19 =	simm.s32 $_scs_section_size  }
0x9a: {  	s4 =	simm.s32 $_size__tile_overlayer_lowered;
	s5 =	simm.s32 $_tile_overlayer_lowered  }
0x9b: {  	s22 =	simm.s32 $0x1BFF;
	s21 =	sshll.u32 s5, $0x1;
	s2 =	sadd.s32 s19, s18  }
0x9c: {  	s6 =	simm.s32 $0x0;
	s20 =	sshll.u32 s4, $0x1;
	s4 =	sadd.s32 s21, s2  }
0x9d: {  	[timem:s6], [sflag:s22] =	dma.local [hbm:s4], s20  }
0x9e: {  	_ =	swait.ge [sflag:s22], s20  }
0x9f: {  	s3 =	ssub.s32 $0x0, s20;
	[sflag:s22] =	ssyncset.done $0x0  }
0xa0: {  	[sflag:s22] =	ssyncadd.s32 s3;
	_ =	sdelay $0x1  }
0xa1: {  	s23 =	simm.s32 $0x1B8B  }
0xa2: {  	_ =	swait.ge [sflag:s23], $0x1  }
0xa3: {  	[sflag:s23] =	ssyncset.done $0x0  }
0xa4: {  	s25 =	simm.s32 $0x1B8E;
	s24 =	sld [smem:$0x3FFE];
	[sflag:s23] =	ssyncadd.s32 $0xFFFFFFFF  }
0xa5: {  	s26 =	simm.s32 $execute0_lowered;
	[smem:$0x3FD2] =	sst s25  }
0xa6: {  	s4 =	sshll.u32 s26, $0x1;
	_ =	strace $0x80000046;
	[dreg:$0x1] =	wrdreg $0xFFFFFFFF  }
0xa7: {  	s28 =	simm.s32 $_size_execute0_lowered;
	s2 =	sadd.s32 s2, s4;
	[dreg:$0x0] =	wrdreg $0x0  }
0xa8: {  	s4 =	sshll.u32 s28, $0x1;
	[dreg:$0x2] =	wrdreg s2  }
0xa9: {  	[dreg:$0x3] =	wrdreg s4  }
0xaa: {  	[dreg:$0x4] =	wrdreg $0xC0  }
0xab: {  	_ =	task [dreg:s6], $0x5FFFF  }
0xac: {  	[dreg:$0x1] =	wrdreg $0xFFFFFFFF  }
0xad: {  	[dreg:$0x0] =	wrdreg $0x60  }
0xae: {  	[dreg:$0x2] =	wrdreg s24  }
0xaf: {  	[dreg:$0x3] =	wrdreg $0x12CC00  }
0xb0: {  	[dreg:$0x4] =	wrdreg $0x9  }
0xb1: {  	_ =	task.clear_ibuf [dreg:s6], $0x5FFFF;
	_ =	strace $0x90000046  }
0xb2: {  	s29 =	simm.s32 $0x9;
	_ =	strace $0x80000048  }
0xb3: {  	_ =	swait.ge [sflag:s29], $0x1  }
0xb4: {  	[sflag:s29] =	ssyncadd.s32 $0xFFFFFFFF  }
0xb5: {  	_ =	strace $0x90000048  }
0xb6: {  	_ =	sfence  }
0xb7: {  	s30 =	sld [smem:$0x0];
	_ =	sdelay $0x2  }
0xb8: {  	s31 =	sshll.u32 s1, $0xD;
	s1 =	sshrl.u32 s1, $0x2  }
0xb9: {  	s3 =	sand.u32 $0x4000, s31;
	s1 =	sadd.s32 s1, s30  }
0xba: {  	s0 =	sor.u32 s3, s0;
	s1 =	sshll.u32 s1, $0x11  }
0xbb: {  	s0 =	sor.u32 s1, s0  }
0xbc: {  	s0 =	sadd.s32 $0x8F2B, s0  }
0xbd: {  	[sflag:s0] =	ssyncadd.remote.s32 $0x1  }
0xbe: {  	_ =	sfence.sel $0xFFFF  }
0xbf: {  	[dreg:$0x0] =	wrdreg $0xFFFFFFFF;
	(pc) =	sbr.abs _section_cstart, $3  }
0xc0: {  	[dreg:$0x1] =	wrdreg $0xFFFFFFFF  }
0xc1: {  	_ =	task.clear_ibuf [dreg:s6], $0x2FFFF;
	_ =	strace $0x9FFFFFFF  }
0xc2: {  	(tm) =	ssettm $0x7FFFFFFF  }
0xc3: {  	_ =	shalt  }
tec
execute0_lowered:
.L_overlay_start_1:
0x0: {  	(tag) =	ssettag $0x1  }
0x1: {  	s0 =	srdreg.scid  }
0x2: {  	s11 =	stileid.u32;
	s5 =	rddreg [dreg:$0x0]  }
0x3: {  	s2 =	rddreg [dreg:$0x1];
	s3 =	simm.s32 $0x0;
	s28 =	simm.s32 $0xEC40  }
0x4: {  	s29 =	simm.s32 $0x7D;
	s30 =	simm.s32 $0x5000;
	s31 =	simm.s32 $0x6F40  }
0x5: {  	s12 =	simm.s32 $0x9;
	s13 =	simm.s32 $0xA;
	s7 =	smul.u32 $0xA000, s11  }
0x6: {  	s0 =	sand.u32 $0x1, s0;
	s1 =	sshll.u32 s11, $0x1;
	s11 =	smul.u32 $0x28000, s11  }
0x7: {  	[smem:$0x7FF] =	sst s3;
	s1 =	sor.u32 s0, s1;
	s8 =	smul.u32 $0xA0000, s0  }
0x8: {  	s4 =	sadd.s32 $0x4800, s5;
	_ =	strace $0x80000047;
	s6 =	smul.u32 $0x500, s1  }
0x9: {  	s0 =	ssub.s32 $0x2, s0;
	s9 =	smul.u32 $0x280, s1;
	s1 =	sshll.u32 s1, $0x8  }
0xa: {  	s10 =	sshrl.u32 s0, $0x1;
	s16 =	sshrl.u32 s11, $0x2;
	s1 =	sadd.s32 s1, s5  }
0xb: {  	s8 =	sadd.s32 s7, s8;
	s6 =	sadd.s32 s6, s5;
	s1 =	sadd.s32 $0xAC400, s1  }
0xc: {  	s9 =	sadd.s32 s9, s5;
	s14 =	sadd.s32 $0x70400, s6;
	[dreg:$0x7] =	wrdreg s1  }
0xd: {  	s8 =	sshrl.u32 s8, $0x3;
	s15 =	sadd.s32 $0x7A400, s6;
	[dreg:$0x3] =	wrdreg s14  }
0xe: {  	s8 =	sadd.s32 s8, s5;
	s17 =	sadd.s32 $0x6B400, s9;
	[dreg:$0x4] =	wrdreg s15  }
0xf: {  	s18 =	sadd.s32 $0x66400, s9;
	s5 =	sadd.s32 s16, s2;
	[dreg:$0x5] =	wrdreg s17  }
0x10: {  	s11 =	simm.s32 $0x8;
	[dreg:$0x6] =	wrdreg s18;
	s19 =	sadd.s32 $0x1000, s5  }
0x11: {  	s0 =	ssub.s32 s0, s10;
	s20 =	sadd.s32 $0x2000, s5;
	[dreg:$0x8] =	wrdreg s19  }
0x12: {  	s10 =	sadd.s32 s7, s2;
	s21 =	sadd.s32 $0x3000, s5;
	[dreg:$0x9] =	wrdreg s20  }
0x13: {  	s7 =	simm.s32 $0x5;
	s22 =	sadd.s32 $0x4000, s5;
	[dreg:$0xa] =	wrdreg s21  }
0x14: {  	s1 =	simm.s32 $0x8E80;
	s23 =	sadd.s32 $0x5000, s5;
	[dreg:$0xb] =	wrdreg s22  }
0x15: {  	s6 =	simm.s32 $0x4;
	s24 =	sadd.s32 $0x6000, s5;
	[dreg:$0xc] =	wrdreg s23  }
0x16: {  	s9 =	simm.s32 $0x7;
	s25 =	sadd.s32 $0x7000, s5;
	[dreg:$0xd] =	wrdreg s24  }
0x17: {  	s26 =	sadd.s32 $0x8000, s5;
	s14 =	simm.s32 $0x0;
	[dreg:$0xe] =	wrdreg s25  }
0x18: {  	[dreg:$0xf] =	wrdreg s26;
	s19 =	sadd.s32 $0x9000, s5;
	s20 =	sadd.s32 $0x84400, s8  }
0x19: {  	s21 =	smax.u32 s0, $0x1;
	s22 =	simm.s32 $0xB;
	s26 =	simm.s32 $0x12440  }
0x1a: {  	s0 =	simm.s32 $0xADC0;
	s23 =	simm.s32 $0xCD00;
	s24 =	simm.s32 $0x1  }
0x1b: {  	v0 =	vimm.f32 $-Inf;
	v1 =	vimm.f32 $0.0e+00;
	s25 =	simm.s32 $0x2;
	s5 =	simm.s32 $0x3;
	s8 =	simm.s32 $0x6  }
.LBB2_1:
0x1c: {  	s15 =	rddreg [dreg:$0x3]  }
0x1d: {  	[tilespmem:s3], [sflag:$0xB] =	stream.linear.gather [hbm4b:s15+s3], $0x2800, $0x38;
	[tilespmem:$0x1CCC0] =	vst v63  }
0x1e: {  	_ =	swait.ge [sflag:s22], $0x2800  }
0x1f: {  	[sflag:s22] =	ssyncset.done $0x0  }
0x20: {  	s16 =	simm.s32 $0x2800;
	s18 =	rddreg [dreg:$0x4];
	[sflag:s22] =	ssyncadd.s32 $0xFFFFD800  }
0x21: {  	[tilespmem:s16], [sflag:$0xB] =	stream.linear.gather [hbm4b:s18+s3], $0x2800, $0x38;
	[tilespmem:$0x1CCC0] =	vst v63  }
0x22: {  	_ =	swait.ge [sflag:s22], $0x2800  }
0x23: {  	[sflag:s22] =	ssyncset.done $0x0  }
0x24: {  	s18 =	simm.s32 $0xFC40;
	s17 =	rddreg [dreg:$0x5];
	[sflag:s22] =	ssyncadd.s32 $0xFFFFD800  }
0x25: {  	[tilespmem:s18], [sflag:$0xB] =	stream.linear.gather [hbm4b:s17+s3], $0x1400, $0x38;
	[tilespmem:$0x1CCC0] =	vst v63  }
0x26: {  	_ =	swait.ge [sflag:s22], $0x1400  }
0x27: {  	[sflag:s22] =	ssyncset.done $0x0  }
0x28: {  	s18 =	simm.s32 $0x11040;
	s17 =	rddreg [dreg:$0x6];
	[sflag:s22] =	ssyncadd.s32 $0xFFFFEC00  }
0x29: {  	[tilespmem:s18], [sflag:$0xB] =	stream.linear.gather [hbm4b:s17+s3], $0x1400, $0x38;
	[tilespmem:$0x1CCC0] =	vst v63  }
0x2a: {  	_ =	swait.ge [sflag:s22], $0x1400  }
0x2b: {  	[sflag:s22] =	ssyncset.done $0x0  }
0x2c: {  	s15 =	simm.s32 $0x0;
	[sflag:s22] =	ssyncadd.s32 $0xFFFFEC00  }
.LBB2_2:
0x2d: {  	p0 =	sne.s32 s15, $0x21C0  }
.Ltmp0:
0x2e: {  	_ = 	snop;
	(pc) =	sbr.rel @p0 .LBB2_2-.Ltmp0, $3  }
0x2f: {  	_ =	sdelay $0x1  }
0x30: {  	s16 =	sshra.s32 s15, $0x2  }
0x31: {  	s15 =	sadd.s32 $0x40, s15;
	[tilespmem:s16+$0x12440] =	vst v0  }
0x32: {  	s16 =	simm.s32 $0x0;
	s15 =	simm.s32 $0x40  }
.LBB2_4:
0x33: {  	p0 =	sne.s32 s15, $0x4FC0;
	v2 =	vld [tilespmem:s16+$0x11040];
	_ =	sdelay $0x7  }
0x34: {  	v3 =	vld.idx.msk [tilespmem:v2+s26+$0x0], $0xffff  }
0x35: {  	v4 =	vld [tilespmem:s16+$0xFC40];
	_ =	sdelay $0x1  }
.Ltmp1:
0x36: {  	(pc) =	sbr.rel @p0 .LBB2_4-.Ltmp1, $3  }
0x37: {  	_ =	sdelay $0x1  }
0x38: {  	v3 =	vmax.f32 v3, v4  }
0x39: {  	s16 =	sshra.s32 s15, $0x2;
	s15 =	sadd.s32 $0x40, s15;
	[tilespmem:v2+s26+$0x0] =	vst.idx.msk $0xffff, v3  }
0x3a: {  	v2 =	vld [tilespmem:s16+$0x11040];
	_ =	sdelay $0x6  }
0x3b: {  	v4 =	vld [tilespmem:s16+$0xFC40]  }
0x3c: {  	v3 =	vld.idx.msk [tilespmem:v2+s26+$0x0], $0xffff;
	_ =	sdelay $0x4  }
0x3d: {  	v3 =	vmax.f32 v3, v4  }
0x3e: {  	s15 =	simm.s32 $0x0;
	s18 =	rddreg [dreg:$0x7];
	[tilespmem:v2+s26+$0x0] =	vst.idx.msk $0xffff, v3  }
0x3f: {  	[hbm4b:s18+s15] =	stream.linear.scatter [tilespmem:s26], [sflag:$0xB], $0x800, $0x38;
	[tilespmem:$0x1CCC0] =	vst v63  }
0x40: {  	_ =	swait.ge [sflag:s22], $0x800  }
0x41: {  	[sflag:s22] =	ssyncset.done $0x0  }
0x42: {  	s16 =	simm.s32 $0x100;
	s15 =	simm.s32 $0x0;
	[sflag:s22] =	ssyncadd.s32 $0xFFFFF800  }
.LBB2_6:
0x43: {  	p0 =	sne.s32 s16, $0x3F00;
	[tilespmem:s15+$0xEC70] =	vst v1;
	s17 =	smov.u32 s16;
	s16 =	sadd.s32 $0x100, s16  }
.Ltmp2:
0x44: {  	[tilespmem:s15+$0xEC60] =	vst v1;
	(pc) =	sbr.rel @p0 .LBB2_6-.Ltmp2, $3  }
0x45: {  	[tilespmem:s15+$0xEC40] =	vst v1  }
0x46: {  	[tilespmem:s15+$0xEC50] =	vst v1;
	_ =	sdelay $0x1  }
0x47: {  	s15 =	sshra.s32 s17, $0x2  }
0x48: {  	[tilespmem:s15+$0xEC70] =	vst v1  }
0x49: {  	[tilespmem:s15+$0xEC60] =	vst v1  }
0x4a: {  	[tilespmem:s15+$0xEC40] =	vst v1  }
0x4b: {  	[tilespmem:s15+$0xEC50] =	vst v1  }
0x4c: {  	[spmem:s10] =	stream.linear.scatter [tilespmem:s28], [sflag:$0xB], $0x1000, $0x38;
	[tilespmem:$0x1CCC0] =	vst v63  }
0x4d: {  	_ =	swait.ge [sflag:s22], $0x1000  }
0x4e: {  	[sflag:s22] =	ssyncset.done $0x0  }
0x4f: {  	s16 =	rddreg [dreg:$0x8];
	[sflag:s22] =	ssyncadd.s32 $0xFFFFF000  }
0x50: {  	[spmem:s16] =	stream.linear.scatter [tilespmem:s28], [sflag:$0xB], $0x1000, $0x38;
	[tilespmem:$0x1CCC0] =	vst v63  }
0x51: {  	_ =	swait.ge [sflag:s22], $0x1000  }
0x52: {  	[sflag:s22] =	ssyncset.done $0x0  }
0x53: {  	s17 =	rddreg [dreg:$0x9];
	[sflag:s22] =	ssyncadd.s32 $0xFFFFF000  }
0x54: {  	[spmem:s17] =	stream.linear.scatter [tilespmem:s28], [sflag:$0xB], $0x1000, $0x38;
	[tilespmem:$0x1CCC0] =	vst v63  }
0x55: {  	_ =	swait.ge [sflag:s22], $0x1000  }
0x56: {  	[sflag:s22] =	ssyncset.done $0x0  }
0x57: {  	s18 =	rddreg [dreg:$0xa];
	[sflag:s22] =	ssyncadd.s32 $0xFFFFF000  }
0x58: {  	[spmem:s18] =	stream.linear.scatter [tilespmem:s28], [sflag:$0xB], $0x1000, $0x38;
	[tilespmem:$0x1CCC0] =	vst v63  }
0x59: {  	_ =	swait.ge [sflag:s22], $0x1000  }
0x5a: {  	[sflag:s22] =	ssyncset.done $0x0  }
0x5b: {  	s16 =	rddreg [dreg:$0xb];
	[sflag:s22] =	ssyncadd.s32 $0xFFFFF000  }
0x5c: {  	[spmem:s16] =	stream.linear.scatter [tilespmem:s28], [sflag:$0xB], $0x1000, $0x38;
	[tilespmem:$0x1CCC0] =	vst v63  }
0x5d: {  	_ =	swait.ge [sflag:s22], $0x1000  }
0x5e: {  	[sflag:s22] =	ssyncset.done $0x0  }
0x5f: {  	s17 =	rddreg [dreg:$0xc];
	[sflag:s22] =	ssyncadd.s32 $0xFFFFF000  }
0x60: {  	[spmem:s17] =	stream.linear.scatter [tilespmem:s28], [sflag:$0xB], $0x1000, $0x38;
	[tilespmem:$0x1CCC0] =	vst v63  }
0x61: {  	_ =	swait.ge [sflag:s22], $0x1000  }
0x62: {  	[sflag:s22] =	ssyncset.done $0x0  }
0x63: {  	s18 =	rddreg [dreg:$0xd];
	[sflag:s22] =	ssyncadd.s32 $0xFFFFF000  }
0x64: {  	[spmem:s18] =	stream.linear.scatter [tilespmem:s28], [sflag:$0xB], $0x1000, $0x38;
	[tilespmem:$0x1CCC0] =	vst v63  }
0x65: {  	_ =	swait.ge [sflag:s22], $0x1000  }
0x66: {  	[sflag:s22] =	ssyncset.done $0x0  }
0x67: {  	s16 =	rddreg [dreg:$0xe];
	[sflag:s22] =	ssyncadd.s32 $0xFFFFF000  }
0x68: {  	[spmem:s16] =	stream.linear.scatter [tilespmem:s28], [sflag:$0xB], $0x1000, $0x38;
	[tilespmem:$0x1CCC0] =	vst v63  }
0x69: {  	_ =	swait.ge [sflag:s22], $0x1000  }
0x6a: {  	[sflag:s22] =	ssyncset.done $0x0  }
0x6b: {  	s17 =	rddreg [dreg:$0xf];
	[sflag:s22] =	ssyncadd.s32 $0xFFFFF000  }
0x6c: {  	[spmem:s17] =	stream.linear.scatter [tilespmem:s28], [sflag:$0xB], $0x1000, $0x38;
	[tilespmem:$0x1CCC0] =	vst v63  }
0x6d: {  	_ =	swait.ge [sflag:s22], $0x1000  }
0x6e: {  	[sflag:s22] =	ssyncset.done $0x0  }
0x6f: {  	[sflag:s22] =	ssyncadd.s32 $0xFFFFF000  }
0x70: {  	[spmem:s19] =	stream.linear.scatter [tilespmem:s28], [sflag:$0xB], $0x1000, $0x38;
	[tilespmem:$0x1CCC0] =	vst v63  }
0x71: {  	_ =	swait.ge [sflag:s22], $0x1000  }
0x72: {  	[sflag:s22] =	ssyncset.done $0x0  }
0x73: {  	[sflag:s22] =	ssyncadd.s32 $0xFFFFF000  }
0x74: {  	s18 =	simm.s32 $0x0;
	[bflag:$0x0] =	sbarrier.arrive $0xFFFF  }
0x75: {  	[tilespmem:s30], [sflag:$0x1] =	stream.indirect.gather [hbm4b:s4+s29], $0x40, s18, s29, $0xb8;
	[tilespmem:$0x1CCC0] =	vst v63  }
0x76: {  	s16 =	simm.s32 $0x80  }
0x77: {  	[tilespmem:s31], [sflag:$0x2] =	stream.indirect.gather [hbm4b:s4+s29], $0x40, s16, s29, $0xb8;
	[tilespmem:$0x1CCC0] =	vst v63  }
0x78: {  	s17 =	simm.s32 $0x100  }
0x79: {  	[tilespmem:s1], [sflag:$0x3] =	stream.indirect.gather [hbm4b:s4+s29], $0x40, s17, s29, $0xb8;
	[tilespmem:$0x1CCC0] =	vst v63  }
0x7a: {  	s18 =	simm.s32 $0x180  }
0x7b: {  	[tilespmem:s0], [sflag:$0x4] =	stream.indirect.gather [hbm4b:s4+s29], $0x40, s18, s29, $0xb8;
	[tilespmem:$0x1CCC0] =	vst v63  }
0x7c: {  	s16 =	simm.s32 $0x200  }
0x7d: {  	[tilespmem:s23], [sflag:$0x5] =	stream.indirect.gather [hbm4b:s4+s29], $0x40, s16, s29, $0xb8;
	[tilespmem:$0x1CCC0] =	vst v63  }
0x7e: {  	_ =	swait.ge [sflag:s24], $0x1F40  }
0x7f: {  	[sflag:s24] =	ssyncset.done $0x0  }
0x80: {  	s17 =	simm.s32 $0x2800;
	[sflag:s24] =	ssyncadd.s32 $0xFFFFE0C0  }
0x81: {  	[spmem:s2] =	stream.indirect.scatter.add.f32 [tilespmem:s30], [sflag:$0x6], $0x40, s17, s29, $0xb8;
	[tilespmem:$0x1CCC0] =	vst v63  }
0x82: {  	_ =	swait.ge [sflag:s25], $0x1F40  }
0x83: {  	[sflag:s25] =	ssyncset.done $0x0  }
0x84: {  	s18 =	simm.s32 $0x2880;
	[sflag:s25] =	ssyncadd.s32 $0xFFFFE0C0  }
0x85: {  	[spmem:s2] =	stream.indirect.scatter.add.f32 [tilespmem:s31], [sflag:$0x7], $0x40, s18, s29, $0xb8;
	[tilespmem:$0x1CCC0] =	vst v63  }
0x86: {  	_ =	swait.ge [sflag:s5], $0x1F40  }
0x87: {  	[sflag:s5] =	ssyncset.done $0x0  }
0x88: {  	s16 =	simm.s32 $0x2900;
	[sflag:s5] =	ssyncadd.s32 $0xFFFFE0C0  }
0x89: {  	[spmem:s2] =	stream.indirect.scatter.add.f32 [tilespmem:s1], [sflag:$0x8], $0x40, s16, s29, $0xb8;
	[tilespmem:$0x1CCC0] =	vst v63  }
0x8a: {  	_ =	swait.ge [sflag:s6], $0x1F40  }
0x8b: {  	[sflag:s6] =	ssyncset.done $0x0  }
0x8c: {  	s17 =	simm.s32 $0x2980;
	[sflag:s6] =	ssyncadd.s32 $0xFFFFE0C0  }
0x8d: {  	[spmem:s2] =	stream.indirect.scatter.add.f32 [tilespmem:s0], [sflag:$0x9], $0x40, s17, s29, $0xb8;
	[tilespmem:$0x1CCC0] =	vst v63  }
0x8e: {  	_ =	swait.ge [sflag:s7], $0x1F40  }
0x8f: {  	[sflag:s7] =	ssyncset.done $0x0  }
0x90: {  	s18 =	simm.s32 $0x2A00;
	[sflag:s7] =	ssyncadd.s32 $0xFFFFE0C0  }
0x91: {  	[spmem:s2] =	stream.indirect.scatter.add.f32 [tilespmem:s23], [sflag:$0xA], $0x40, s18, s29, $0xb8;
	[tilespmem:$0x1CCC0] =	vst v63  }
0x92: {  	_ =	swait.ge [sflag:s8], $0x1F40  }
0x93: {  	[sflag:s8] =	ssyncset.done $0x0  }
0x94: {  	[sflag:s8] =	ssyncadd.s32 $0xFFFFE0C0  }
0x95: {  	_ =	swait.ge [sflag:s9], $0x1F40  }
0x96: {  	[sflag:s9] =	ssyncset.done $0x0  }
0x97: {  	[sflag:s9] =	ssyncadd.s32 $0xFFFFE0C0  }
0x98: {  	_ =	swait.ge [sflag:s11], $0x1F40  }
0x99: {  	[sflag:s11] =	ssyncset.done $0x0  }
0x9a: {  	[sflag:s11] =	ssyncadd.s32 $0xFFFFE0C0  }
0x9b: {  	_ =	swait.ge [sflag:s12], $0x1F40  }
0x9c: {  	[sflag:s12] =	ssyncset.done $0x0  }
0x9d: {  	[sflag:s12] =	ssyncadd.s32 $0xFFFFE0C0  }
0x9e: {  	_ =	swait.ge [sflag:s13], $0x1F40  }
0x9f: {  	s15 =	simm.s32 $0xA00;
	s16 =	simm.s32 $0x1400;
	[sflag:s13] =	ssyncset.done $0x0  }
.LBB2_8:
0xa0: {  	s17 =	sshra.s32 s15, $0x2  }
0xa1: {  	[sflag:s13] =	ssyncadd.s32 $0xFFFFE0C0;
	s15 =	smov.u32 s16;
	s18 =	sadd.s32 $0xA00, s16  }
0xa2: {  	[tilespmem:s30], [sflag:$0x1] =	stream.indirect.gather [hbm4b:s4+s29], $0x40, s17, s29, $0xb8;
	[tilespmem:$0x1CCC0] =	vst v63  }
0xa3: {  	p0 =	sne.s32 s16, $0x9600;
	s16 =	sadd.s32 $0x80, s17  }
0xa4: {  	[tilespmem:s31], [sflag:$0x2] =	stream.indirect.gather [hbm4b:s4+s29], $0x40, s16, s29, $0xb8;
	[tilespmem:$0x1CCC0] =	vst v63  }
0xa5: {  	s16 =	sadd.s32 $0x100, s17  }
0xa6: {  	[tilespmem:s1], [sflag:$0x3] =	stream.indirect.gather [hbm4b:s4+s29], $0x40, s16, s29, $0xb8;
	[tilespmem:$0x1CCC0] =	vst v63  }
0xa7: {  	s16 =	sadd.s32 $0x180, s17  }
0xa8: {  	[tilespmem:s0], [sflag:$0x4] =	stream.indirect.gather [hbm4b:s4+s29], $0x40, s16, s29, $0xb8;
	[tilespmem:$0x1CCC0] =	vst v63  }
0xa9: {  	s16 =	sadd.s32 $0x200, s17  }
0xaa: {  	[tilespmem:s23], [sflag:$0x5] =	stream.indirect.gather [hbm4b:s4+s29], $0x40, s16, s29, $0xb8;
	[tilespmem:$0x1CCC0] =	vst v63  }
0xab: {  	_ =	swait.ge [sflag:s24], $0x1F40  }
0xac: {  	[sflag:s24] =	ssyncset.done $0x0  }
0xad: {  	s16 =	sadd.s32 $0x2800, s17;
	[sflag:s24] =	ssyncadd.s32 $0xFFFFE0C0  }
0xae: {  	[spmem:s2] =	stream.indirect.scatter.add.f32 [tilespmem:s30], [sflag:$0x6], $0x40, s16, s29, $0xb8;
	[tilespmem:$0x1CCC0] =	vst v63  }
0xaf: {  	_ =	swait.ge [sflag:s25], $0x1F40  }
0xb0: {  	[sflag:s25] =	ssyncset.done $0x0  }
0xb1: {  	s16 =	sadd.s32 $0x2880, s17;
	[sflag:s25] =	ssyncadd.s32 $0xFFFFE0C0  }
0xb2: {  	[spmem:s2] =	stream.indirect.scatter.add.f32 [tilespmem:s31], [sflag:$0x7], $0x40, s16, s29, $0xb8;
	[tilespmem:$0x1CCC0] =	vst v63  }
0xb3: {  	_ =	swait.ge [sflag:s5], $0x1F40  }
0xb4: {  	[sflag:s5] =	ssyncset.done $0x0  }
0xb5: {  	s16 =	sadd.s32 $0x2900, s17;
	[sflag:s5] =	ssyncadd.s32 $0xFFFFE0C0  }
0xb6: {  	[spmem:s2] =	stream.indirect.scatter.add.f32 [tilespmem:s1], [sflag:$0x8], $0x40, s16, s29, $0xb8;
	[tilespmem:$0x1CCC0] =	vst v63  }
0xb7: {  	_ =	swait.ge [sflag:s6], $0x1F40  }
0xb8: {  	[sflag:s6] =	ssyncset.done $0x0  }
0xb9: {  	s16 =	sadd.s32 $0x2980, s17;
	[sflag:s6] =	ssyncadd.s32 $0xFFFFE0C0  }
0xba: {  	[spmem:s2] =	stream.indirect.scatter.add.f32 [tilespmem:s0], [sflag:$0x9], $0x40, s16, s29, $0xb8;
	[tilespmem:$0x1CCC0] =	vst v63  }
0xbb: {  	_ =	swait.ge [sflag:s7], $0x1F40  }
0xbc: {  	[sflag:s7] =	ssyncset.done $0x0  }
0xbd: {  	s16 =	sadd.s32 $0x2A00, s17;
	[sflag:s7] =	ssyncadd.s32 $0xFFFFE0C0  }
0xbe: {  	[spmem:s2] =	stream.indirect.scatter.add.f32 [tilespmem:s23], [sflag:$0xA], $0x40, s16, s29, $0xb8;
	[tilespmem:$0x1CCC0] =	vst v63  }
0xbf: {  	_ =	swait.ge [sflag:s8], $0x1F40  }
0xc0: {  	[sflag:s8] =	ssyncset.done $0x0  }
0xc1: {  	[sflag:s8] =	ssyncadd.s32 $0xFFFFE0C0  }
0xc2: {  	_ =	swait.ge [sflag:s9], $0x1F40  }
0xc3: {  	[sflag:s9] =	ssyncset.done $0x0  }
0xc4: {  	[sflag:s9] =	ssyncadd.s32 $0xFFFFE0C0  }
0xc5: {  	_ =	swait.ge [sflag:s11], $0x1F40  }
0xc6: {  	[sflag:s11] =	ssyncset.done $0x0  }
0xc7: {  	[sflag:s11] =	ssyncadd.s32 $0xFFFFE0C0  }
.Ltmp3:
0xc8: {  	_ =	swait.ge [sflag:s12], $0x1F40;
	(pc) =	sbr.rel @p0 .LBB2_8-.Ltmp3, $4  }
0xc9: {  	[sflag:s12] =	ssyncset.done $0x0  }
0xca: {  	[sflag:s12] =	ssyncadd.s32 $0xFFFFE0C0  }
0xcb: {  	_ =	swait.ge [sflag:s13], $0x1F40  }
0xcc: {  	s16 =	smov.u32 s18;
	[sflag:s13] =	ssyncset.done $0x0  }
0xcd: {  	s15 =	sshra.s32 s15, $0x2;
	[sflag:s13] =	ssyncadd.s32 $0xFFFFE0C0  }
0xce: {  	[tilespmem:s30], [sflag:$0x1] =	stream.indirect.gather [hbm4b:s4+s29], $0x40, s15, s29, $0xb8;
	[tilespmem:$0x1CCC0] =	vst v63  }
0xcf: {  	s16 =	sadd.s32 $0x80, s15  }
0xd0: {  	[tilespmem:s31], [sflag:$0x2] =	stream.indirect.gather [hbm4b:s4+s29], $0x40, s16, s29, $0xb8;
	[tilespmem:$0x1CCC0] =	vst v63  }
0xd1: {  	s18 =	sadd.s32 $0x100, s15  }
0xd2: {  	[tilespmem:s1], [sflag:$0x3] =	stream.indirect.gather [hbm4b:s4+s29], $0x40, s18, s29, $0xb8;
	[tilespmem:$0x1CCC0] =	vst v63  }
0xd3: {  	s17 =	sadd.s32 $0x180, s15  }
0xd4: {  	[tilespmem:s0], [sflag:$0x4] =	stream.indirect.gather [hbm4b:s4+s29], $0x40, s17, s29, $0xb8;
	[tilespmem:$0x1CCC0] =	vst v63  }
0xd5: {  	s18 =	sadd.s32 $0x200, s15  }
0xd6: {  	[tilespmem:s23], [sflag:$0x5] =	stream.indirect.gather [hbm4b:s4+s29], $0x40, s18, s29, $0xb8;
	[tilespmem:$0x1CCC0] =	vst v63  }
0xd7: {  	_ =	swait.ge [sflag:s24], $0x1F40  }
0xd8: {  	[sflag:s24] =	ssyncset.done $0x0  }
0xd9: {  	s17 =	sadd.s32 $0x2800, s15;
	[sflag:s24] =	ssyncadd.s32 $0xFFFFE0C0  }
0xda: {  	[spmem:s2] =	stream.indirect.scatter.add.f32 [tilespmem:s30], [sflag:$0x6], $0x40, s17, s29, $0xb8;
	[tilespmem:$0x1CCC0] =	vst v63  }
0xdb: {  	_ =	swait.ge [sflag:s25], $0x1F40  }
0xdc: {  	[sflag:s25] =	ssyncset.done $0x0  }
0xdd: {  	s18 =	sadd.s32 $0x2880, s15;
	[sflag:s25] =	ssyncadd.s32 $0xFFFFE0C0  }
0xde: {  	[spmem:s2] =	stream.indirect.scatter.add.f32 [tilespmem:s31], [sflag:$0x7], $0x40, s18, s29, $0xb8;
	[tilespmem:$0x1CCC0] =	vst v63  }
0xdf: {  	_ =	swait.ge [sflag:s5], $0x1F40  }
0xe0: {  	[sflag:s5] =	ssyncset.done $0x0  }
0xe1: {  	s17 =	sadd.s32 $0x2900, s15;
	[sflag:s5] =	ssyncadd.s32 $0xFFFFE0C0  }
0xe2: {  	[spmem:s2] =	stream.indirect.scatter.add.f32 [tilespmem:s1], [sflag:$0x8], $0x40, s17, s29, $0xb8;
	[tilespmem:$0x1CCC0] =	vst v63  }
0xe3: {  	_ =	swait.ge [sflag:s6], $0x1F40  }
0xe4: {  	[sflag:s6] =	ssyncset.done $0x0  }
0xe5: {  	s18 =	sadd.s32 $0x2980, s15;
	[sflag:s6] =	ssyncadd.s32 $0xFFFFE0C0  }
0xe6: {  	[spmem:s2] =	stream.indirect.scatter.add.f32 [tilespmem:s0], [sflag:$0x9], $0x40, s18, s29, $0xb8;
	[tilespmem:$0x1CCC0] =	vst v63  }
0xe7: {  	_ =	swait.ge [sflag:s7], $0x1F40  }
0xe8: {  	[sflag:s7] =	ssyncset.done $0x0  }
0xe9: {  	s15 =	sadd.s32 $0x2A00, s15;
	[sflag:s7] =	ssyncadd.s32 $0xFFFFE0C0  }
0xea: {  	[spmem:s2] =	stream.indirect.scatter.add.f32 [tilespmem:s23], [sflag:$0xA], $0x40, s15, s29, $0xb8;
	[tilespmem:$0x1CCC0] =	vst v63  }
0xeb: {  	_ =	swait.ge [sflag:s8], $0x1F40  }
0xec: {  	[sflag:s8] =	ssyncset.done $0x0  }
0xed: {  	[sflag:s8] =	ssyncadd.s32 $0xFFFFE0C0  }
0xee: {  	_ =	swait.ge [sflag:s9], $0x1F40  }
0xef: {  	[sflag:s9] =	ssyncset.done $0x0  }
0xf0: {  	[sflag:s9] =	ssyncadd.s32 $0xFFFFE0C0  }
0xf1: {  	_ =	swait.ge [sflag:s11], $0x1F40  }
0xf2: {  	[sflag:s11] =	ssyncset.done $0x0  }
0xf3: {  	[sflag:s11] =	ssyncadd.s32 $0xFFFFE0C0  }
0xf4: {  	_ =	swait.ge [sflag:s12], $0x1F40  }
0xf5: {  	[sflag:s12] =	ssyncset.done $0x0  }
0xf6: {  	[sflag:s12] =	ssyncadd.s32 $0xFFFFE0C0  }
0xf7: {  	s14 =	sadd.s32 $0x1, s14;
	_ =	swait.ge [sflag:s13], $0x1F40  }
0xf8: {  	p0 =	sne.s32 s14, s21;
	s17 =	stileid.u32;
	[sflag:s13] =	ssyncset.done $0x0  }
0xf9: {  	s18 =	sshrl.u32 s10, $0x3;
	s15 =	sshll.u32 s17, $0x6;
	[sflag:s13] =	ssyncadd.s32 $0xFFFFE0C0  }
.Ltmp4:
0xfa: {  	s15 =	sor.u32 $0x1C0B, s15;
	[bflag:$0x0] =	sbarrier.arrive $0xFFFF;
	(pc) =	sbr.rel @p0 .LBB2_1-.Ltmp4, $4  }
0xfb: {  	[hbm:s20], [sflag:s15] =	dma.local [spmem:s18], $0x1400  }
0xfc: {  	_ =	swait.ge [sflag:s22], $0x1400  }
0xfd: {  	[sflag:s22] =	ssyncset.done $0x0  }
0xfe: {  	[sflag:s22] =	ssyncadd.s32 $0xFFFFEC00  }
0xff: {  	_ =	sfence.sel $0x180000  }
0x100: {  	[bflag:$0x0] =	sbarrier.arrive $0xFFFF  }
0x101: {  	_ =	strace $0x90000047  }
0x102: {  	s0 =	stileid.u32;
	[bflag:$0x2] =	sbarrier.arrive $0xFFFF  }
0x103: {  	p0 =	sne.s32 s0, $0x0;
	s0 =	rddreg [dreg:$0x2]  }
0x104: {  	s0 =	sadd.s32 @!p0 $0x100000, s0  }
0x105: {  	[sflag:s0] =	ssyncadd.tile.s32 @!p0 $0x1;
	_ =	shalt  }
.Lfunc_end2:
_tile_overlayer_lowered:
.L_overlay_start_2:
0x106: {  	(tag) =	ssettag $0x2  }
0x107: {  	s0 =	rddreg [dreg:$0x0];
	s2 =	stileid.u32  }
0x108: {  	s1 =	rddreg [dreg:$0x1];
	p0 =	sne.s32 s2, $0x0  }
0x109: {  	s3 =	rddreg [dreg:$0x2];
	[bflag:$0x3] =	sbarrier.arrive $0xFFFF;
	s2 =	simm.s32 @!p0 $0x1C0B  }
0x10a: {  	[timem:s3], [sflag:s2] =	dma.local @!p0 [hbm:s0], s1  }
0x10b: {  	s0 =	simm.s32 @!p0 $0xB  }
0x10c: {  	_ =	swait.ge @!p0 [sflag:s0], s1  }
0x10d: {  	s1 =	ssub.s32 @!p0 $0x0, s1;
	[sflag:s0] =	ssyncset.done @!p0 $0x0  }
0x10e: {  	[sflag:s0] =	ssyncadd.s32 @!p0 s1  }
0x10f: {  	[bflag:$0x3] =	sbarrier.arrive $0xFFFF  }
0x110: {  	_ =	shalt  }

</sc_bundles>
